<compile_context>
chip_gen: v7x
topology: tpu7x:2x2x1
jax: 0.10.2.dev20260603
libtpu: 0.0.44.dev20260713+nightly
codegen_flags: <defaults>
</compile_context>

<pallas_src>
import functools

import jax
import jax.numpy as jnp
from jax import lax
from jax.experimental import pallas as pl
from jax.experimental.pallas import tpu as pltpu
from jax.experimental.pallas import tpu_sc as plsc

_B = 16384
_D = 50
_CHUNK = 256


def _gather_body(nc, b_per_w,
                 user_hbm, item_hbm, utab_hbm, itab_hbm, uout_hbm, iout_hbm,
                 uidx_v, iidx_v, urows_v, irows_v, gsem):
    wid = lax.axis_index("s") * nc + lax.axis_index("c")
    base = wid * b_per_w
    pltpu.sync_copy(user_hbm.at[wid], uidx_v)
    pltpu.sync_copy(item_hbm.at[wid], iidx_v)
    lanes = lax.iota(jnp.int32, 16)
    n_chunks = b_per_w // _CHUNK

    for c in range(n_chunks):
        def group(k, _, c=c):
            off = pl.multiple_of(c * _CHUNK + k * 16, 16)
            uvec = uidx_v[pl.ds(off, 16)]
            ivec = iidx_v[pl.ds(off, 16)]
            for j in range(16):
                us = jnp.sum(jnp.where(lanes == j, uvec, 0))
                isc = jnp.sum(jnp.where(lanes == j, ivec, 0))
                row = k * 16 + j
                pltpu.async_copy(utab_hbm.at[pl.ds(us, 1)],
                                 urows_v.at[pl.ds(row, 1)], gsem)
                pltpu.async_copy(itab_hbm.at[pl.ds(isc, 1)],
                                 irows_v.at[pl.ds(row, 1)], gsem)
            return 0

        lax.fori_loop(0, _CHUNK // 16, group, 0)
        pltpu.make_async_copy(uout_hbm.at[pl.ds(0, _CHUNK)], urows_v,
                              gsem).wait()
        pltpu.make_async_copy(uout_hbm.at[pl.ds(0, _CHUNK)], irows_v,
                              gsem).wait()
        pltpu.sync_copy(urows_v, uout_hbm.at[pl.ds(base + c * _CHUNK, _CHUNK)])
        pltpu.sync_copy(irows_v, iout_hbm.at[pl.ds(base + c * _CHUNK, _CHUNK)])


def _mlp_body(u_ref, i_ref, w1a_ref, w1b_ref, b1_ref, w2_ref, b2_ref,
              w3_ref, b3_ref, out_ref):
    u = u_ref[...]
    i = i_ref[...]
    h = jnp.dot(u, w1a_ref[...], preferred_element_type=jnp.float32)
    h = h + jnp.dot(i, w1b_ref[...], preferred_element_type=jnp.float32)
    h = jnp.maximum(h + b1_ref[...], 0.0)
    h = jnp.maximum(
        jnp.dot(h, w2_ref[...], preferred_element_type=jnp.float32)
        + b2_ref[...], 0.0)
    out_ref[...] = (jnp.dot(h, w3_ref[...],
                            preferred_element_type=jnp.float32)
                    + b3_ref[...])


def kernel(user, item, user_table, item_table, W1, b1, W2, b2, W3, b3):
    info = plsc.get_sparse_core_info()
    nc, ns = info.num_cores, info.num_subcores
    nw = nc * ns
    b_per_w = _B // nw

    mesh = plsc.VectorSubcoreMesh(core_axis_name="c", subcore_axis_name="s")
    gather = functools.partial(
        pl.kernel,
        out_type=(jax.ShapeDtypeStruct((_B, _D), jnp.float32),
                  jax.ShapeDtypeStruct((_B, _D), jnp.float32)),
        mesh=mesh,
        scratch_types=[
            pltpu.VMEM((b_per_w,), jnp.int32),
            pltpu.VMEM((b_per_w,), jnp.int32),
            pltpu.VMEM((_CHUNK, _D), jnp.float32),
            pltpu.VMEM((_CHUNK, _D), jnp.float32),
            pltpu.SemaphoreType.DMA,
        ],
        compiler_params=pltpu.CompilerParams(needs_layout_passes=False),
    )(functools.partial(_gather_body, nc, b_per_w))

    u_rows, i_rows = gather(
        user.reshape(nw, b_per_w).astype(jnp.int32),
        item.reshape(nw, b_per_w).astype(jnp.int32),
        user_table, item_table)

    bb = 8192
    grid = _B // bb
    w1aT = W1[:, :_D].T
    w1bT = W1[:, _D:].T
    out = pl.pallas_call(
        _mlp_body,
        grid=(grid,),
        in_specs=[
            pl.BlockSpec((bb, _D), lambda i: (i, 0)),
            pl.BlockSpec((bb, _D), lambda i: (i, 0)),
            pl.BlockSpec(w1aT.shape, lambda i: (0, 0)),
            pl.BlockSpec(w1bT.shape, lambda i: (0, 0)),
            pl.BlockSpec((1, 128), lambda i: (0, 0)),
            pl.BlockSpec((128, 64), lambda i: (0, 0)),
            pl.BlockSpec((1, 64), lambda i: (0, 0)),
            pl.BlockSpec((64, 1), lambda i: (0, 0)),
            pl.BlockSpec((1, 1), lambda i: (0, 0)),
        ],
        out_specs=pl.BlockSpec((bb, 1), lambda i: (i, 0)),
        out_shape=jax.ShapeDtypeStruct((_B, 1), jnp.float32),
    )(u_rows, i_rows, w1aT, w1bT, b1.reshape(1, 128), W2.T,
      b2.reshape(1, 64), W3.T, b3.reshape(1, 1))
    return out

# --- scband reference (transcript-rebuilt; emitter-appended) ---
"""Pipeline reference for scband-ncf-17265768530042 (READ-ONLY COPY).

The authoritative reference and input builder live on the scoring server;
editing this copy changes nothing except your own understanding.
"""

import jax, jax.numpy as jnp
import numpy as np

NUM_USERS = 1000000
NUM_ITEMS = 1000000
EMB = 50
BATCH = 16384


def setup_inputs(seed: int = 0) -> dict:
    key = jax.random.key(seed)
    ks = jax.random.split(key, 12)
    user = jax.random.randint(ks[0], (BATCH,), 0, NUM_USERS)
    item = jax.random.randint(ks[1], (BATCH,), 0, NUM_ITEMS)
    user_table = jax.random.normal(ks[2], (NUM_USERS, EMB), dtype=jnp.float32) * 0.02
    item_table = jax.random.normal(ks[3], (NUM_ITEMS, EMB), dtype=jnp.float32) * 0.02
    W1 = jax.random.normal(ks[4], (128, EMB * 2), dtype=jnp.float32) * 0.05
    b1 = jnp.zeros((128,), dtype=jnp.float32)
    W2 = jax.random.normal(ks[5], (64, 128), dtype=jnp.float32) * 0.05
    b2 = jnp.zeros((64,), dtype=jnp.float32)
    W3 = jax.random.normal(ks[6], (1, 64), dtype=jnp.float32) * 0.05
    b3 = jnp.zeros((1,), dtype=jnp.float32)
    return {
        "user": user, "item": item,
        "user_table": user_table, "item_table": item_table,
        "W1": W1, "b1": b1, "W2": W2, "b2": b2, "W3": W3, "b3": b3,
    }


def reference(user, item, user_table, item_table, W1, b1, W2, b2, W3, b3):
    u = jnp.take(user_table, user, axis=0)
    i = jnp.take(item_table, item, axis=0)
    x = jnp.concatenate([u, i], axis=-1)
    x = jax.nn.relu(x @ W1.T + b1)
    x = jax.nn.relu(x @ W2.T + b2)
    out = x @ W3.T + b3
    return out

if __name__ == "__main__":
    import jax
    _d = setup_inputs()
    print(jax.jit(kernel)(*tuple(_d.values())))

</pallas_src>

<mosaic_0001>
#map = affine_map<(d0, d1) -> (0, 0)>
module attributes {stable_mosaic.version = 14 : i64} {
  func.func @_gather_body(%arg0: i32, %arg1: i32, %arg2: memref<32x512xi32, #tpu.memory_space<hbm>>, %arg3: memref<32x512xi32, #tpu.memory_space<hbm>>, %arg4: memref<1000000x50xf32, #tpu.memory_space<hbm>>, %arg5: memref<1000000x50xf32, #tpu.memory_space<hbm>>, %arg6: memref<16384x50xf32, #tpu.memory_space<hbm>>, %arg7: memref<16384x50xf32, #tpu.memory_space<hbm>>, %arg8: memref<512xi32, #tpu.memory_space<vmem>>, %arg9: memref<512xi32, #tpu.memory_space<vmem>>, %arg10: memref<256x50xf32, #tpu.memory_space<vmem>>, %arg11: memref<256x50xf32, #tpu.memory_space<vmem>>, %arg12: memref<!tpu.dma_semaphore, #tpu.memory_space<semaphore_mem>>) attributes {dimension_semantics = [#tpu.dimension_semantics<core_parallel>, #tpu.dimension_semantics<subcore_parallel>], iteration_bounds = array<i64: 2, 16>, scalar_prefetch = 0 : i64, scratch_operands = 5 : i64, tpu.core_type = #tpu.core_type<sc_vector_subcore>, window_params = [{transform_indices = #map}, {transform_indices = #map}, {transform_indices = #map}, {transform_indices = #map}, {transform_indices = #map}, {transform_indices = #map}]} {
    %mul3A = arith.constant 2 : i32
    %mul3A_0 = arith.muli %arg1, %mul3A : i32
    %add3A = arith.addi %mul3A_0, %arg0 : i32
    %mul3A_1 = arith.constant 512 : i32
    %mul3A_2 = arith.muli %add3A, %mul3A_1 : i32
    "tpu.region"() ({
      %run_scoped3A = tpu.sem_alloc : memref<!tpu.dma_semaphore, #tpu.memory_space<semaphore_mem>>
      %dma_start3A = arith.constant 0 : i32
      %dma_start3A_47 = tpu.memref_slice %arg2[%add3A, %dma_start3A] : memref<32x512xi32, #tpu.memory_space<hbm>> -> memref<1x512xi32, #tpu.memory_space<hbm>>
      %dma_start3A_48 = tpu.memref_squeeze %dma_start3A_47 : memref<1x512xi32, #tpu.memory_space<hbm>> -> memref<512xi32, #tpu.memory_space<hbm>>
      %dma_start3A_49 = arith.constant 0 : i32
      %dma_start3A_50 = tpu.memref_slice %arg2[%add3A, %dma_start3A_49] : memref<32x512xi32, #tpu.memory_space<hbm>> -> memref<1x512xi32, #tpu.memory_space<hbm>>
      %dma_start3A_51 = tpu.memref_squeeze %dma_start3A_50 : memref<1x512xi32, #tpu.memory_space<hbm>> -> memref<512xi32, #tpu.memory_space<hbm>>
      tpu.enqueue_dma source(%dma_start3A_51 : memref<512xi32, #tpu.memory_space<hbm>>) target(%arg8 : memref<512xi32, #tpu.memory_space<vmem>>) target_semaphore(%run_scoped3A : memref<!tpu.dma_semaphore, #tpu.memory_space<semaphore_mem>>)
      %dma_wait3A_52 = arith.constant 0 : i32
      %dma_wait3A_53 = tpu.memref_slice %arg2[%add3A, %dma_wait3A_52] : memref<32x512xi32, #tpu.memory_space<hbm>> -> memref<1x512xi32, #tpu.memory_space<hbm>>
      %dma_wait3A_54 = tpu.memref_squeeze %dma_wait3A_53 : memref<1x512xi32, #tpu.memory_space<hbm>> -> memref<512xi32, #tpu.memory_space<hbm>>
      %dma_wait3A_55 = arith.constant 0 : i32
      %dma_wait3A_56 = tpu.memref_slice %arg2[%add3A, %dma_wait3A_55] : memref<32x512xi32, #tpu.memory_space<hbm>> -> memref<1x512xi32, #tpu.memory_space<hbm>>
      %dma_wait3A_57 = tpu.memref_squeeze %dma_wait3A_56 : memref<1x512xi32, #tpu.memory_space<hbm>> -> memref<512xi32, #tpu.memory_space<hbm>>
      tpu.wait_dma2 semaphore(%run_scoped3A : memref<!tpu.dma_semaphore, #tpu.memory_space<semaphore_mem>>) src(%dma_wait3A_57 : memref<512xi32, #tpu.memory_space<hbm>>) dst(%arg8 : memref<512xi32, #tpu.memory_space<vmem>>)
      tpu.yield
    }) : () -> ()
    "tpu.region"() ({
      %run_scoped3A = tpu.sem_alloc : memref<!tpu.dma_semaphore, #tpu.memory_space<semaphore_mem>>
      %dma_start3A = arith.constant 0 : i32
      %dma_start3A_47 = tpu.memref_slice %arg3[%add3A, %dma_start3A] : memref<32x512xi32, #tpu.memory_space<hbm>> -> memref<1x512xi32, #tpu.memory_space<hbm>>
      %dma_start3A_48 = tpu.memref_squeeze %dma_start3A_47 : memref<1x512xi32, #tpu.memory_space<hbm>> -> memref<512xi32, #tpu.memory_space<hbm>>
      %dma_start3A_49 = arith.constant 0 : i32
      %dma_start3A_50 = tpu.memref_slice %arg3[%add3A, %dma_start3A_49] : memref<32x512xi32, #tpu.memory_space<hbm>> -> memref<1x512xi32, #tpu.memory_space<hbm>>
      %dma_start3A_51 = tpu.memref_squeeze %dma_start3A_50 : memref<1x512xi32, #tpu.memory_space<hbm>> -> memref<512xi32, #tpu.memory_space<hbm>>
      tpu.enqueue_dma source(%dma_start3A_51 : memref<512xi32, #tpu.memory_space<hbm>>) target(%arg9 : memref<512xi32, #tpu.memory_space<vmem>>) target_semaphore(%run_scoped3A : memref<!tpu.dma_semaphore, #tpu.memory_space<semaphore_mem>>)
      %dma_wait3A_52 = arith.constant 0 : i32
      %dma_wait3A_53 = tpu.memref_slice %arg3[%add3A, %dma_wait3A_52] : memref<32x512xi32, #tpu.memory_space<hbm>> -> memref<1x512xi32, #tpu.memory_space<hbm>>
      %dma_wait3A_54 = tpu.memref_squeeze %dma_wait3A_53 : memref<1x512xi32, #tpu.memory_space<hbm>> -> memref<512xi32, #tpu.memory_space<hbm>>
      %dma_wait3A_55 = arith.constant 0 : i32
      %dma_wait3A_56 = tpu.memref_slice %arg3[%add3A, %dma_wait3A_55] : memref<32x512xi32, #tpu.memory_space<hbm>> -> memref<1x512xi32, #tpu.memory_space<hbm>>
      %dma_wait3A_57 = tpu.memref_squeeze %dma_wait3A_56 : memref<1x512xi32, #tpu.memory_space<hbm>> -> memref<512xi32, #tpu.memory_space<hbm>>
      tpu.wait_dma2 semaphore(%run_scoped3A : memref<!tpu.dma_semaphore, #tpu.memory_space<semaphore_mem>>) src(%dma_wait3A_57 : memref<512xi32, #tpu.memory_space<hbm>>) dst(%arg9 : memref<512xi32, #tpu.memory_space<vmem>>)
      tpu.yield
    }) : () -> ()
    %iota3A = tpu.iota {dimensions = array<i32: 0>} : vector<16xi32>
    %scan3A = arith.constant 0 : i32
    %scan3A_3 = arith.constant 0 : i32
    %scan3A_4 = arith.constant 16 : i32
    %scan3A_5 = arith.addi %scan3A_3, %scan3A_4 : i32
    %scan3A_6 = arith.constant 1 : i32
    %scan3A_7 = scf.for %scan3A_47 = %scan3A_3 to %scan3A_5 step %scan3A_6 iter_args(%scan3A_48 = %scan3A) -> (i32)  : i32 {
      %mul3A_49 = arith.constant 16 : i32
      %mul3A_50 = arith.muli %scan3A_47, %mul3A_49 : i32
      %add3A_51 = arith.constant 0 : i32
      %add3A_52 = arith.addi %add3A_51, %mul3A_50 : i32
      %multiple_of3A = tpu.assume_multiple %add3A_52, 16 : i32
      %get3A = arith.index_cast %multiple_of3A : i32 to index
      %get3A_53 = tpu.vector_load %arg8[%get3A] {strides = array<i32>} : memref<512xi32, #tpu.memory_space<vmem>>, vector<16xi32>,
      %get3A_54 = arith.index_cast %multiple_of3A : i32 to index
      %get3A_55 = tpu.vector_load %arg9[%get3A_54] {strides = array<i32>} : memref<512xi32, #tpu.memory_space<vmem>>, vector<16xi32>,
      %eq3A = arith.constant 0 : i32
      %eq3A_56 = vector.broadcast %eq3A : i32 to vector<16xi32>
      %eq3A_57 = arith.cmpi eq, %iota3A, %eq3A_56 : vector<16xi32>
      %jit3A = arith.constant 0 : i32
      %broadcast_in_dim3A = vector.broadcast %jit3A : i32 to vector<16xi32>
      %select_n3A = arith.select %eq3A_57, %get3A_53, %broadcast_in_dim3A : vector<16xi1>, vector<16xi32>
      %reduce_sum3A = arith.constant true
      %reduce_sum3A_58 = vector.broadcast %reduce_sum3A : i1 to vector<16xi1>
      %reduce_sum3A_59 = tpu.scan <sum>, %select_n3A masked %reduce_sum3A_58 : vector<16xi32>, vector<16xi1> -> vector<16xi32>
      %reduce_sum3A_60 = vector.extract %reduce_sum3A_59[15] : i32 from vector<16xi32>
      %eq3A_61 = arith.constant 0 : i32
      %eq3A_62 = vector.broadcast %eq3A_61 : i32 to vector<16xi32>
      %eq3A_63 = arith.cmpi eq, %iota3A, %eq3A_62 : vector<16xi32>
      %jit3A_64 = arith.constant 0 : i32
      %broadcast_in_dim3A_65 = vector.broadcast %jit3A_64 : i32 to vector<16xi32>
      %select_n3A_66 = arith.select %eq3A_63, %get3A_55, %broadcast_in_dim3A_65 : vector<16xi1>, vector<16xi32>
      %reduce_sum3A_67 = arith.constant true
      %reduce_sum3A_68 = vector.broadcast %reduce_sum3A_67 : i1 to vector<16xi1>
      %reduce_sum3A_69 = tpu.scan <sum>, %select_n3A_66 masked %reduce_sum3A_68 : vector<16xi32>, vector<16xi1> -> vector<16xi32>
      %reduce_sum3A_70 = vector.extract %reduce_sum3A_69[15] : i32 from vector<16xi32>
      %mul3A_71 = arith.constant 16 : i32
      %mul3A_72 = arith.muli %scan3A_47, %mul3A_71 : i32
      %add3A_73 = arith.constant 0 : i32
      %add3A_74 = arith.addi %mul3A_72, %add3A_73 : i32
      %dma_start3A = arith.constant 0 : i32
      %dma_start3A_75 = tpu.memref_slice %arg10[%add3A_74, %dma_start3A] : memref<256x50xf32, #tpu.memory_space<vmem>> -> memref<1x50xf32, #tpu.memory_space<vmem>>
      %dma_start3A_76 = arith.constant 0 : i32
      %dma_start3A_77 = tpu.memref_slice %arg4[%reduce_sum3A_60, %dma_start3A_76] : memref<1000000x50xf32, #tpu.memory_space<hbm>> -> memref<1x50xf32, #tpu.memory_space<hbm>>
      %dma_start3A_78 = arith.constant 0 : i32
      %dma_start3A_79 = tpu.memref_slice %arg10[%add3A_74, %dma_start3A_78] : memref<256x50xf32, #tpu.memory_space<vmem>> -> memref<1x50xf32, #tpu.memory_space<vmem>>
      %dma_start3A_80 = arith.constant 0 : i32
      %dma_start3A_81 = tpu.memref_slice %arg4[%reduce_sum3A_60, %dma_start3A_80] : memref<1000000x50xf32, #tpu.memory_space<hbm>> -> memref<1x50xf32, #tpu.memory_space<hbm>>
      tpu.enqueue_dma source(%dma_start3A_81 : memref<1x50xf32, #tpu.memory_space<hbm>>) target(%dma_start3A_79 : memref<1x50xf32, #tpu.memory_space<vmem>>) target_semaphore(%arg12 : memref<!tpu.dma_semaphore, #tpu.memory_space<semaphore_mem>>)
      %dma_start3A_82 = arith.constant 0 : i32
      %dma_start3A_83 = tpu.memref_slice %arg11[%add3A_74, %dma_start3A_82] : memref<256x50xf32, #tpu.memory_space<vmem>> -> memref<1x50xf32, #tpu.memory_space<vmem>>
      %dma_start3A_84 = arith.constant 0 : i32
      %dma_start3A_85 = tpu.memref_slice %arg5[%reduce_sum3A_70, %dma_start3A_84] : memref<1000000x50xf32, #tpu.memory_space<hbm>> -> memref<1x50xf32, #tpu.memory_space<hbm>>
      %dma_start3A_86 = arith.constant 0 : i32
      %dma_start3A_87 = tpu.memref_slice %arg11[%add3A_74, %dma_start3A_86] : memref<256x50xf32, #tpu.memory_space<vmem>> -> memref<1x50xf32, #tpu.memory_space<vmem>>
      %dma_start3A_88 = arith.constant 0 : i32
      %dma_start3A_89 = tpu.memref_slice %arg5[%reduce_sum3A_70, %dma_start3A_88] : memref<1000000x50xf32, #tpu.memory_space<hbm>> -> memref<1x50xf32, #tpu.memory_space<hbm>>
      tpu.enqueue_dma source(%dma_start3A_89 : memref<1x50xf32, #tpu.memory_space<hbm>>) target(%dma_start3A_87 : memref<1x50xf32, #tpu.memory_space<vmem>>) target_semaphore(%arg12 : memref<!tpu.dma_semaphore, #tpu.memory_space<semaphore_mem>>)
      %eq3A_90 = arith.constant 1 : i32
      %eq3A_91 = vector.broadcast %eq3A_90 : i32 to vector<16xi32>
      %eq3A_92 = arith.cmpi eq, %iota3A, %eq3A_91 : vector<16xi32>
      %jit3A_93 = arith.constant 0 : i32
      %broadcast_in_dim3A_94 = vector.broadcast %jit3A_93 : i32 to vector<16xi32>
      %select_n3A_95 = arith.select %eq3A_92, %get3A_53, %broadcast_in_dim3A_94 : vector<16xi1>, vector<16xi32>
      %reduce_sum3A_96 = arith.constant true
      %reduce_sum3A_97 = vector.broadcast %reduce_sum3A_96 : i1 to vector<16xi1>
      %reduce_sum3A_98 = tpu.scan <sum>, %select_n3A_95 masked %reduce_sum3A_97 : vector<16xi32>, vector<16xi1> -> vector<16xi32>
      %reduce_sum3A_99 = vector.extract %reduce_sum3A_98[15] : i32 from vector<16xi32>
      %eq3A_100 = arith.constant 1 : i32
      %eq3A_101 = vector.broadcast %eq3A_100 : i32 to vector<16xi32>
      %eq3A_102 = arith.cmpi eq, %iota3A, %eq3A_101 : vector<16xi32>
      %jit3A_103 = arith.constant 0 : i32
      %broadcast_in_dim3A_104 = vector.broadcast %jit3A_103 : i32 to vector<16xi32>
      %select_n3A_105 = arith.select %eq3A_102, %get3A_55, %broadcast_in_dim3A_104 : vector<16xi1>, vector<16xi32>
      %reduce_sum3A_106 = arith.constant true
      %reduce_sum3A_107 = vector.broadcast %reduce_sum3A_106 : i1 to vector<16xi1>
      %reduce_sum3A_108 = tpu.scan <sum>, %select_n3A_105 masked %reduce_sum3A_107 : vector<16xi32>, vector<16xi1> -> vector<16xi32>
      %reduce_sum3A_109 = vector.extract %reduce_sum3A_108[15] : i32 from vector<16xi32>
      %mul3A_110 = arith.constant 16 : i32
      %mul3A_111 = arith.muli %scan3A_47, %mul3A_110 : i32
      %add3A_112 = arith.constant 1 : i32
      %add3A_113 = arith.addi %mul3A_111, %add3A_112 : i32
      %dma_start3A_114 = arith.constant 0 : i32
      %dma_start3A_115 = tpu.memref_slice %arg10[%add3A_113, %dma_start3A_114] : memref<256x50xf32, #tpu.memory_space<vmem>> -> memref<1x50xf32, #tpu.memory_space<vmem>>
      %dma_start3A_116 = arith.constant 0 : i32
      %dma_start3A_117 = tpu.memref_slice %arg4[%reduce_sum3A_99, %dma_start3A_116] : memref<1000000x50xf32, #tpu.memory_space<hbm>> -> memref<1x50xf32, #tpu.memory_space<hbm>>
      %dma_start3A_118 = arith.constant 0 : i32
      %dma_start3A_119 = tpu.memref_slice %arg10[%add3A_113, %dma_start3A_118] : memref<256x50xf32, #tpu.memory_space<vmem>> -> memref<1x50xf32, #tpu.memory_space<vmem>>
      %dma_start3A_120 = arith.constant 0 : i32
      %dma_start3A_121 = tpu.memref_slice %arg4[%reduce_sum3A_99, %dma_start3A_120] : memref<1000000x50xf32, #tpu.memory_space<hbm>> -> memref<1x50xf32, #tpu.memory_space<hbm>>
      tpu.enqueue_dma source(%dma_start3A_121 : memref<1x50xf32, #tpu.memory_space<hbm>>) target(%dma_start3A_119 : memref<1x50xf32, #tpu.memory_space<vmem>>) target_semaphore(%arg12 : memref<!tpu.dma_semaphore, #tpu.memory_space<semaphore_mem>>)
      %dma_start3A_122 = arith.constant 0 : i32
      %dma_start3A_123 = tpu.memref_slice %arg11[%add3A_113, %dma_start3A_122] : memref<256x50xf32, #tpu.memory_space<vmem>> -> memref<1x50xf32, #tpu.memory_space<vmem>>
      %dma_start3A_124 = arith.constant 0 : i32
      %dma_start3A_125 = tpu.memref_slice %arg5[%reduce_sum3A_109, %dma_start3A_124] : memref<1000000x50xf32, #tpu.memory_space<hbm>> -> memref<1x50xf32, #tpu.memory_space<hbm>>
      %dma_start3A_126 = arith.constant 0 : i32
      %dma_start3A_127 = tpu.memref_slice %arg11[%add3A_113, %dma_start3A_126] : memref<256x50xf32, #tpu.memory_space<vmem>> -> memref<1x50xf32, #tpu.memory_space<vmem>>
      %dma_start3A_128 = arith.constant 0 : i32
      %dma_start3A_129 = tpu.memref_slice %arg5[%reduce_sum3A_109, %dma_start3A_128] : memref<1000000x50xf32, #tpu.memory_space<hbm>> -> memref<1x50xf32, #tpu.memory_space<hbm>>
      tpu.enqueue_dma source(%dma_start3A_129 : memref<1x50xf32, #tpu.memory_space<hbm>>) target(%dma_start3A_127 : memref<1x50xf32, #tpu.memory_space<vmem>>) target_semaphore(%arg12 : memref<!tpu.dma_semaphore, #tpu.memory_space<semaphore_mem>>)
      %eq3A_130 = arith.constant 2 : i32
      %eq3A_131 = vector.broadcast %eq3A_130 : i32 to vector<16xi32>
      %eq3A_132 = arith.cmpi eq, %iota3A, %eq3A_131 : vector<16xi32>
      %jit3A_133 = arith.constant 0 : i32
      %broadcast_in_dim3A_134 = vector.broadcast %jit3A_133 : i32 to vector<16xi32>
      %select_n3A_135 = arith.select %eq3A_132, %get3A_53, %broadcast_in_dim3A_134 : vector<16xi1>, vector<16xi32>
      %reduce_sum3A_136 = arith.constant true
      %reduce_sum3A_137 = vector.broadcast %reduce_sum3A_136 : i1 to vector<16xi1>
      %reduce_sum3A_138 = tpu.scan <sum>, %select_n3A_135 masked %reduce_sum3A_137 : vector<16xi32>, vector<16xi1> -> vector<16xi32>
      %reduce_sum3A_139 = vector.extract %reduce_sum3A_138[15] : i32 from vector<16xi32>
      %eq3A_140 = arith.constant 2 : i32
      %eq3A_141 = vector.broadcast %eq3A_140 : i32 to vector<16xi32>
      %eq3A_142 = arith.cmpi eq, %iota3A, %eq3A_141 : vector<16xi32>
      %jit3A_143 = arith.constant 0 : i32
      %broadcast_in_dim3A_144 = vector.broadcast %jit3A_143 : i32 to vector<16xi32>
      %select_n3A_145 = arith.select %eq3A_142, %get3A_55, %broadcast_in_dim3A_144 : vector<16xi1>, vector<16xi32>
      %reduce_sum3A_146 = arith.constant true
      %reduce_sum3A_147 = vector.broadcast %reduce_sum3A_146 : i1 to vector<16xi1>
      %reduce_sum3A_148 = tpu.scan <sum>, %select_n3A_145 masked %reduce_sum3A_147 : vector<16xi32>, vector<16xi1> -> vector<16xi32>
      %reduce_sum3A_149 = vector.extract %reduce_sum3A_148[15] : i32 from vector<16xi32>
      %mul3A_150 = arith.constant 16 : i32
      %mul3A_151 = arith.muli %scan3A_47, %mul3A_150 : i32
      %add3A_152 = arith.constant 2 : i32
      %add3A_153 = arith.addi %mul3A_151, %add3A_152 : i32
      %dma_start3A_154 = arith.constant 0 : i32
      %dma_start3A_155 = tpu.memref_slice %arg10[%add3A_153, %dma_start3A_154] : memref<256x50xf32, #tpu.memory_space<vmem>> -> memref<1x50xf32, #tpu.memory_space<vmem>>
      %dma_start3A_156 = arith.constant 0 : i32
      %dma_start3A_157 = tpu.memref_slice %arg4[%reduce_sum3A_139, %dma_start3A_156] : memref<1000000x50xf32, #tpu.memory_space<hbm>> -> memref<1x50xf32, #tpu.memory_space<hbm>>
      %dma_start3A_158 = arith.constant 0 : i32
      %dma_start3A_159 = tpu.memref_slice %arg10[%add3A_153, %dma_start3A_158] : memref<256x50xf32, #tpu.memory_space<vmem>> -> memref<1x50xf32, #tpu.memory_space<vmem>>
      %dma_start3A_160 = arith.constant 0 : i32
      %dma_start3A_161 = tpu.memref_slice %arg4[%reduce_sum3A_139, %dma_start3A_160] : memref<1000000x50xf32, #tpu.memory_space<hbm>> -> memref<1x50xf32, #tpu.memory_space<hbm>>
      tpu.enqueue_dma source(%dma_start3A_161 : memref<1x50xf32, #tpu.memory_space<hbm>>) target(%dma_start3A_159 : memref<1x50xf32, #tpu.memory_space<vmem>>) target_semaphore(%arg12 : memref<!tpu.dma_semaphore, #tpu.memory_space<semaphore_mem>>)
      %dma_start3A_162 = arith.constant 0 : i32
      %dma_start3A_163 = tpu.memref_slice %arg11[%add3A_153, %dma_start3A_162] : memref<256x50xf32, #tpu.memory_space<vmem>> -> memref<1x50xf32, #tpu.memory_space<vmem>>
      %dma_start3A_164 = arith.constant 0 : i32
      %dma_start3A_165 = tpu.memref_slice %arg5[%reduce_sum3A_149, %dma_start3A_164] : memref<1000000x50xf32, #tpu.memory_space<hbm>> -> memref<1x50xf32, #tpu.memory_space<hbm>>
      %dma_start3A_166 = arith.constant 0 : i32
      %dma_start3A_167 = tpu.memref_slice %arg11[%add3A_153, %dma_start3A_166] : memref<256x50xf32, #tpu.memory_space<vmem>> -> memref<1x50xf32, #tpu.memory_space<vmem>>
      %dma_start3A_168 = arith.constant 0 : i32
      %dma_start3A_169 = tpu.memref_slice %arg5[%reduce_sum3A_149, %dma_start3A_168] : memref<1000000x50xf32, #tpu.memory_space<hbm>> -> memref<1x50xf32, #tpu.memory_space<hbm>>
      tpu.enqueue_dma source(%dma_start3A_169 : memref<1x50xf32, #tpu.memory_space<hbm>>) target(%dma_start3A_167 : memref<1x50xf32, #tpu.memory_space<vmem>>) target_semaphore(%arg12 : memref<!tpu.dma_semaphore, #tpu.memory_space<semaphore_mem>>)
      %eq3A_170 = arith.constant 3 : i32
      %eq3A_171 = vector.broadcast %eq3A_170 : i32 to vector<16xi32>
      %eq3A_172 = arith.cmpi eq, %iota3A, %eq3A_171 : vector<16xi32>
      %jit3A_173 = arith.constant 0 : i32
      %broadcast_in_dim3A_174 = vector.broadcast %jit3A_173 : i32 to vector<16xi32>
      %select_n3A_175 = arith.select %eq3A_172, %get3A_53, %broadcast_in_dim3A_174 : vector<16xi1>, vector<16xi32>
      %reduce_sum3A_176 = arith.constant true
      %reduce_sum3A_177 = vector.broadcast %reduce_sum3A_176 : i1 to vector<16xi1>
      %reduce_sum3A_178 = tpu.scan <sum>, %select_n3A_175 masked %reduce_sum3A_177 : vector<16xi32>, vector<16xi1> -> vector<16xi32>
      %reduce_sum3A_179 = vector.extract %reduce_sum3A_178[15] : i32 from vector<16xi32>
      %eq3A_180 = arith.constant 3 : i32
      %eq3A_181 = vector.broadcast %eq3A_180 : i32 to vector<16xi32>
      %eq3A_182 = arith.cmpi eq, %iota3A, %eq3A_181 : vector<16xi32>
      %jit3A_183 = arith.constant 0 : i32
      %broadcast_in_dim3A_184 = vector.broadcast %jit3A_183 : i32 to vector<16xi32>
      %select_n3A_185 = arith.select %eq3A_182, %get3A_55, %broadcast_in_dim3A_184 : vector<16xi1>, vector<16xi32>
      %reduce_sum3A_186 = arith.constant true
      %reduce_sum3A_187 = vector.broadcast %reduce_sum3A_186 : i1 to vector<16xi1>
      %reduce_sum3A_188 = tpu.scan <sum>, %select_n3A_185 masked %reduce_sum3A_187 : vector<16xi32>, vector<16xi1> -> vector<16xi32>
      %reduce_sum3A_189 = vector.extract %reduce_sum3A_188[15] : i32 from vector<16xi32>
      %mul3A_190 = arith.constant 16 : i32
      %mul3A_191 = arith.muli %scan3A_47, %mul3A_190 : i32
      %add3A_192 = arith.constant 3 : i32
      %add3A_193 = arith.addi %mul3A_191, %add3A_192 : i32
      %dma_start3A_194 = arith.constant 0 : i32
      %dma_start3A_195 = tpu.memref_slice %arg10[%add3A_193, %dma_start3A_194] : memref<256x50xf32, #tpu.memory_space<vmem>> -> memref<1x50xf32, #tpu.memory_space<vmem>>
      %dma_start3A_196 = arith.constant 0 : i32
      %dma_start3A_197 = tpu.memref_slice %arg4[%reduce_sum3A_179, %dma_start3A_196] : memref<1000000x50xf32, #tpu.memory_space<hbm>> -> memref<1x50xf32, #tpu.memory_space<hbm>>
      %dma_start3A_198 = arith.constant 0 : i32
      %dma_start3A_199 = tpu.memref_slice %arg10[%add3A_193, %dma_start3A_198] : memref<256x50xf32, #tpu.memory_space<vmem>> -> memref<1x50xf32, #tpu.memory_space<vmem>>
      %dma_start3A_200 = arith.constant 0 : i32
      %dma_start3A_201 = tpu.memref_slice %arg4[%reduce_sum3A_179, %dma_start3A_200] : memref<1000000x50xf32, #tpu.memory_space<hbm>> -> memref<1x50xf32, #tpu.memory_space<hbm>>
      tpu.enqueue_dma source(%dma_start3A_201 : memref<1x50xf32, #tpu.memory_space<hbm>>) target(%dma_start3A_199 : memref<1x50xf32, #tpu.memory_space<vmem>>) target_semaphore(%arg12 : memref<!tpu.dma_semaphore, #tpu.memory_space<semaphore_mem>>)
      %dma_start3A_202 = arith.constant 0 : i32
      %dma_start3A_203 = tpu.memref_slice %arg11[%add3A_193, %dma_start3A_202] : memref<256x50xf32, #tpu.memory_space<vmem>> -> memref<1x50xf32, #tpu.memory_space<vmem>>
      %dma_start3A_204 = arith.constant 0 : i32
      %dma_start3A_205 = tpu.memref_slice %arg5[%reduce_sum3A_189, %dma_start3A_204] : memref<1000000x50xf32, #tpu.memory_space<hbm>> -> memref<1x50xf32, #tpu.memory_space<hbm>>
      %dma_start3A_206 = arith.constant 0 : i32
      %dma_start3A_207 = tpu.memref_slice %arg11[%add3A_193, %dma_start3A_206] : memref<256x50xf32, #tpu.memory_space<vmem>> -> memref<1x50xf32, #tpu.memory_space<vmem>>
      %dma_start3A_208 = arith.constant 0 : i32
      %dma_start3A_209 = tpu.memref_slice %arg5[%reduce_sum3A_189, %dma_start3A_208] : memref<1000000x50xf32, #tpu.memory_space<hbm>> -> memref<1x50xf32, #tpu.memory_space<hbm>>
      tpu.enqueue_dma source(%dma_start3A_209 : memref<1x50xf32, #tpu.memory_space<hbm>>) target(%dma_start3A_207 : memref<1x50xf32, #tpu.memory_space<vmem>>) target_semaphore(%arg12 : memref<!tpu.dma_semaphore, #tpu.memory_space<semaphore_mem>>)
      %eq3A_210 = arith.constant 4 : i32
      %eq3A_211 = vector.broadcast %eq3A_210 : i32 to vector<16xi32>
      %eq3A_212 = arith.cmpi eq, %iota3A, %eq3A_211 : vector<16xi32>
      %jit3A_213 = arith.constant 0 : i32
      %broadcast_in_dim3A_214 = vector.broadcast %jit3A_213 : i32 to vector<16xi32>
      %select_n3A_215 = arith.select %eq3A_212, %get3A_53, %broadcast_in_dim3A_214 : vector<16xi1>, vector<16xi32>
      %reduce_sum3A_216 = arith.constant true
      %reduce_sum3A_217 = vector.broadcast %reduce_sum3A_216 : i1 to vector<16xi1>
      %reduce_sum3A_218 = tpu.scan <sum>, %select_n3A_215 masked %reduce_sum3A_217 : vector<16xi32>, vector<16xi1> -> vector<16xi32>
      %reduce_sum3A_219 = vector.extract %reduce_sum3A_218[15] : i32 from vector<16xi32>
      %eq3A_220 = arith.constant 4 : i32
      %eq3A_221 = vector.broadcast %eq3A_220 : i32 to vector<16xi32>
      %eq3A_222 = arith.cmpi eq, %iota3A, %eq3A_221 : vector<16xi32>
      %jit3A_223 = arith.constant 0 : i32
      %broadcast_in_dim3A_224 = vector.broadcast %jit3A_223 : i32 to vector<16xi32>
      %select_n3A_225 = arith.select %eq3A_222, %get3A_55, %broadcast_in_dim3A_224 : vector<16xi1>, vector<16xi32>
      %reduce_sum3A_226 = arith.constant true
      %reduce_sum3A_227 = vector.broadcast %reduce_sum3A_226 : i1 to vector<16xi1>
      %reduce_sum3A_228 = tpu.scan <sum>, %select_n3A_225 masked %reduce_sum3A_227 : vector<16xi32>, vector<16xi1> -> vector<16xi32>
      %reduce_sum3A_229 = vector.extract %reduce_sum3A_228[15] : i32 from vector<16xi32>
      %mul3A_230 = arith.constant 16 : i32
      %mul3A_231 = arith.muli %scan3A_47, %mul3A_230 : i32
      %add3A_232 = arith.constant 4 : i32
      %add3A_233 = arith.addi %mul3A_231, %add3A_232 : i32
      %dma_start3A_234 = arith.constant 0 : i32
      %dma_start3A_235 = tpu.memref_slice %arg10[%add3A_233, %dma_start3A_234] : memref<256x50xf32, #tpu.memory_space<vmem>> -> memref<1x50xf32, #tpu.memory_space<vmem>>
      %dma_start3A_236 = arith.constant 0 : i32
      %dma_start3A_237 = tpu.memref_slice %arg4[%reduce_sum3A_219, %dma_start3A_236] : memref<1000000x50xf32, #tpu.memory_space<hbm>> -> memref<1x50xf32, #tpu.memory_space<hbm>>
      %dma_start3A_238 = arith.constant 0 : i32
      %dma_start3A_239 = tpu.memref_slice %arg10[%add3A_233, %dma_start3A_238] : memref<256x50xf32, #tpu.memory_space<vmem>> -> memref<1x50xf32, #tpu.memory_space<vmem>>
      %dma_start3A_240 = arith.constant 0 : i32
      %dma_start3A_241 = tpu.memref_slice %arg4[%reduce_sum3A_219, %dma_start3A_240] : memref<1000000x50xf32, #tpu.memory_space<hbm>> -> memref<1x50xf32, #tpu.memory_space<hbm>>
      tpu.enqueue_dma source(%dma_start3A_241 : memref<1x50xf32, #tpu.memory_space<hbm>>) target(%dma_start3A_239 : memref<1x50xf32, #tpu.memory_space<vmem>>) target_semaphore(%arg12 : memref<!tpu.dma_semaphore, #tpu.memory_space<semaphore_mem>>)
      %dma_start3A_242 = arith.constant 0 : i32
      %dma_start3A_243 = tpu.memref_slice %arg11[%add3A_233, %dma_start3A_242] : memref<256x50xf32, #tpu.memory_space<vmem>> -> memref<1x50xf32, #tpu.memory_space<vmem>>
      %dma_start3A_244 = arith.constant 0 : i32
      %dma_start3A_245 = tpu.memref_slice %arg5[%reduce_sum3A_229, %dma_start3A_244] : memref<1000000x50xf32, #tpu.memory_space<hbm>> -> memref<1x50xf32, #tpu.memory_space<hbm>>
      %dma_start3A_246 = arith.constant 0 : i32
      %dma_start3A_247 = tpu.memref_slice %arg11[%add3A_233, %dma_start3A_246] : memref<256x50xf32, #tpu.memory_space<vmem>> -> memref<1x50xf32, #tpu.memory_space<vmem>>
      %dma_start3A_248 = arith.constant 0 : i32
      %dma_start3A_249 = tpu.memref_slice %arg5[%reduce_sum3A_229, %dma_start3A_248] : memref<1000000x50xf32, #tpu.memory_space<hbm>> -> memref<1x50xf32, #tpu.memory_space<hbm>>
      tpu.enqueue_dma source(%dma_start3A_249 : memref<1x50xf32, #tpu.memory_space<hbm>>) target(%dma_start3A_247 : memref<1x50xf32, #tpu.memory_space<vmem>>) target_semaphore(%arg12 : memref<!tpu.dma_semaphore, #tpu.memory_space<semaphore_mem>>)
      %eq3A_250 = arith.constant 5 : i32
      %eq3A_251 = vector.broadcast %eq3A_250 : i32 to vector<16xi32>
      %eq3A_252 = arith.cmpi eq, %iota3A, %eq3A_251 : vector<16xi32>
      %jit3A_253 = arith.constant 0 : i32
      %broadcast_in_dim3A_254 = vector.broadcast %jit3A_253 : i32 to vector<16xi32>
      %select_n3A_255 = arith.select %eq3A_252, %get3A_53, %broadcast_in_dim3A_254 : vector<16xi1>, vector<16xi32>
      %reduce_sum3A_256 = arith.constant true
      %reduce_sum3A_257 = vector.broadcast %reduce_sum3A_256 : i1 to vector<16xi1>
      %reduce_sum3A_258 = tpu.scan <sum>, %select_n3A_255 masked %reduce_sum3A_257 : vector<16xi32>, vector<16xi1> -> vector<16xi32>
      %reduce_sum3A_259 = vector.extract %reduce_sum3A_258[15] : i32 from vector<16xi32>
      %eq3A_260 = arith.constant 5 : i32
      %eq3A_261 = vector.broadcast %eq3A_260 : i32 to vector<16xi32>
      %eq3A_262 = arith.cmpi eq, %iota3A, %eq3A_261 : vector<16xi32>
      %jit3A_263 = arith.constant 0 : i32
      %broadcast_in_dim3A_264 = vector.broadcast %jit3A_263 : i32 to vector<16xi32>
      %select_n3A_265 = arith.select %eq3A_262, %get3A_55, %broadcast_in_dim3A_264 : vector<16xi1>, vector<16xi32>
      %reduce_sum3A_266 = arith.constant true
      %reduce_sum3A_267 = vector.broadcast %reduce_sum3A_266 : i1 to vector<16xi1>
      %reduce_sum3A_268 = tpu.scan <sum>, %select_n3A_265 masked %reduce_sum3A_267 : vector<16xi32>, vector<16xi1> -> vector<16xi32>
      %reduce_sum3A_269 = vector.extract %reduce_sum3A_268[15] : i32 from vector<16xi32>
      %mul3A_270 = arith.constant 16 : i32
      %mul3A_271 = arith.muli %scan3A_47, %mul3A_270 : i32
      %add3A_272 = arith.constant 5 : i32
      %add3A_273 = arith.addi %mul3A_271, %add3A_272 : i32
      %dma_start3A_274 = arith.constant 0 : i32
      %dma_start3A_275 = tpu.memref_slice %arg10[%add3A_273, %dma_start3A_274] : memref<256x50xf32, #tpu.memory_space<vmem>> -> memref<1x50xf32, #tpu.memory_space<vmem>>
      %dma_start3A_276 = arith.constant 0 : i32
      %dma_start3A_277 = tpu.memref_slice %arg4[%reduce_sum3A_259, %dma_start3A_276] : memref<1000000x50xf32, #tpu.memory_space<hbm>> -> memref<1x50xf32, #tpu.memory_space<hbm>>
      %dma_start3A_278 = arith.constant 0 : i32
      %dma_start3A_279 = tpu.memref_slice %arg10[%add3A_273, %dma_start3A_278] : memref<256x50xf32, #tpu.memory_space<vmem>> -> memref<1x50xf32, #tpu.memory_space<vmem>>
      %dma_start3A_280 = arith.constant 0 : i32
      %dma_start3A_281 = tpu.memref_slice %arg4[%reduce_sum3A_259, %dma_start3A_280] : memref<1000000x50xf32, #tpu.memory_space<hbm>> -> memref<1x50xf32, #tpu.memory_space<hbm>>
      tpu.enqueue_dma source(%dma_start3A_281 : memref<1x50xf32, #tpu.memory_space<hbm>>) target(%dma_start3A_279 : memref<1x50xf32, #tpu.memory_space<vmem>>) target_semaphore(%arg12 : memref<!tpu.dma_semaphore, #tpu.memory_space<semaphore_mem>>)
      %dma_start3A_282 = arith.constant 0 : i32
      %dma_start3A_283 = tpu.memref_slice %arg11[%add3A_273, %dma_start3A_282] : memref<256x50xf32, #tpu.memory_space<vmem>> -> memref<1x50xf32, #tpu.memory_space<vmem>>
      %dma_start3A_284 = arith.constant 0 : i32
      %dma_start3A_285 = tpu.memref_slice %arg5[%reduce_sum3A_269, %dma_start3A_284] : memref<1000000x50xf32, #tpu.memory_space<hbm>> -> memref<1x50xf32, #tpu.memory_space<hbm>>
      %dma_start3A_286 = arith.constant 0 : i32
      %dma_start3A_287 = tpu.memref_slice %arg11[%add3A_273, %dma_start3A_286] : memref<256x50xf32, #tpu.memory_space<vmem>> -> memref<1x50xf32, #tpu.memory_space<vmem>>
      %dma_start3A_288 = arith.constant 0 : i32
      %dma_start3A_289 = tpu.memref_slice %arg5[%reduce_sum3A_269, %dma_start3A_288] : memref<1000000x50xf32, #tpu.memory_space<hbm>> -> memref<1x50xf32, #tpu.memory_space<hbm>>
      tpu.enqueue_dma source(%dma_start3A_289 : memref<1x50xf32, #tpu.memory_space<hbm>>) target(%dma_start3A_287 : memref<1x50xf32, #tpu.memory_space<vmem>>) target_semaphore(%arg12 : memref<!tpu.dma_semaphore, #tpu.memory_space<semaphore_mem>>)
      %eq3A_290 = arith.constant 6 : i32
      %eq3A_291 = vector.broadcast %eq3A_290 : i32 to vector<16xi32>
      %eq3A_292 = arith.cmpi eq, %iota3A, %eq3A_291 : vector<16xi32>
      %jit3A_293 = arith.constant 0 : i32
      %broadcast_in_dim3A_294 = vector.broadcast %jit3A_293 : i32 to vector<16xi32>
      %select_n3A_295 = arith.select %eq3A_292, %get3A_53, %broadcast_in_dim3A_294 : vector<16xi1>, vector<16xi32>
      %reduce_sum3A_296 = arith.constant true
      %reduce_sum3A_297 = vector.broadcast %reduce_sum3A_296 : i1 to vector<16xi1>
      %reduce_sum3A_298 = tpu.scan <sum>, %select_n3A_295 masked %reduce_sum3A_297 : vector<16xi32>, vector<16xi1> -> vector<16xi32>
      %reduce_sum3A_299 = vector.extract %reduce_sum3A_298[15] : i32 from vector<16xi32>
      %eq3A_300 = arith.constant 6 : i32
      %eq3A_301 = vector.broadcast %eq3A_300 : i32 to vector<16xi32>
      %eq3A_302 = arith.cmpi eq, %iota3A, %eq3A_301 : vector<16xi32>
      %jit3A_303 = arith.constant 0 : i32
      %broadcast_in_dim3A_304 = vector.broadcast %jit3A_303 : i32 to vector<16xi32>
      %select_n3A_305 = arith.select %eq3A_302, %get3A_55, %broadcast_in_dim3A_304 : vector<16xi1>, vector<16xi32>
      %reduce_sum3A_306 = arith.constant true
      %reduce_sum3A_307 = vector.broadcast %reduce_sum3A_306 : i1 to vector<16xi1>
      %reduce_sum3A_308 = tpu.scan <sum>, %select_n3A_305 masked %reduce_sum3A_307 : vector<16xi32>, vector<16xi1> -> vector<16xi32>
      %reduce_sum3A_309 = vector.extract %reduce_sum3A_308[15] : i32 from vector<16xi32>
      %mul3A_310 = arith.constant 16 : i32
      %mul3A_311 = arith.muli %scan3A_47, %mul3A_310 : i32
      %add3A_312 = arith.constant 6 : i32
      %add3A_313 = arith.addi %mul3A_311, %add3A_312 : i32
      %dma_start3A_314 = arith.constant 0 : i32
      %dma_start3A_315 = tpu.memref_slice %arg10[%add3A_313, %dma_start3A_314] : memref<256x50xf32, #tpu.memory_space<vmem>> -> memref<1x50xf32, #tpu.memory_space<vmem>>
      %dma_start3A_316 = arith.constant 0 : i32
      %dma_start3A_317 = tpu.memref_slice %arg4[%reduce_sum3A_299, %dma_start3A_316] : memref<1000000x50xf32, #tpu.memory_space<hbm>> -> memref<1x50xf32, #tpu.memory_space<hbm>>
      %dma_start3A_318 = arith.constant 0 : i32
      %dma_start3A_319 = tpu.memref_slice %arg10[%add3A_313, %dma_start3A_318] : memref<256x50xf32, #tpu.memory_space<vmem>> -> memref<1x50xf32, #tpu.memory_space<vmem>>
      %dma_start3A_320 = arith.constant 0 : i32
      %dma_start3A_321 = tpu.memref_slice %arg4[%reduce_sum3A_299, %dma_start3A_320] : memref<1000000x50xf32, #tpu.memory_space<hbm>> -> memref<1x50xf32, #tpu.memory_space<hbm>>
      tpu.enqueue_dma source(%dma_start3A_321 : memref<1x50xf32, #tpu.memory_space<hbm>>) target(%dma_start3A_319 : memref<1x50xf32, #tpu.memory_space<vmem>>) target_semaphore(%arg12 : memref<!tpu.dma_semaphore, #tpu.memory_space<semaphore_mem>>)
      %dma_start3A_322 = arith.constant 0 : i32
      %dma_start3A_323 = tpu.memref_slice %arg11[%add3A_313, %dma_start3A_322] : memref<256x50xf32, #tpu.memory_space<vmem>> -> memref<1x50xf32, #tpu.memory_space<vmem>>
      %dma_start3A_324 = arith.constant 0 : i32
      %dma_start3A_325 = tpu.memref_slice %arg5[%reduce_sum3A_309, %dma_start3A_324] : memref<1000000x50xf32, #tpu.memory_space<hbm>> -> memref<1x50xf32, #tpu.memory_space<hbm>>
      %dma_start3A_326 = arith.constant 0 : i32
      %dma_start3A_327 = tpu.memref_slice %arg11[%add3A_313, %dma_start3A_326] : memref<256x50xf32, #tpu.memory_space<vmem>> -> memref<1x50xf32, #tpu.memory_space<vmem>>
      %dma_start3A_328 = arith.constant 0 : i32
      %dma_start3A_329 = tpu.memref_slice %arg5[%reduce_sum3A_309, %dma_start3A_328] : memref<1000000x50xf32, #tpu.memory_space<hbm>> -> memref<1x50xf32, #tpu.memory_space<hbm>>
      tpu.enqueue_dma source(%dma_start3A_329 : memref<1x50xf32, #tpu.memory_space<hbm>>) target(%dma_start3A_327 : memref<1x50xf32, #tpu.memory_space<vmem>>) target_semaphore(%arg12 : memref<!tpu.dma_semaphore, #tpu.memory_space<semaphore_mem>>)
      %eq3A_330 = arith.constant 7 : i32
      %eq3A_331 = vector.broadcast %eq3A_330 : i32 to vector<16xi32>
      %eq3A_332 = arith.cmpi eq, %iota3A, %eq3A_331 : vector<16xi32>
      %jit3A_333 = arith.constant 0 : i32
      %broadcast_in_dim3A_334 = vector.broadcast %jit3A_333 : i32 to vector<16xi32>
      %select_n3A_335 = arith.select %eq3A_332, %get3A_53, %broadcast_in_dim3A_334 : vector<16xi1>, vector<16xi32>
      %reduce_sum3A_336 = arith.constant true
      %reduce_sum3A_337 = vector.broadcast %reduce_sum3A_336 : i1 to vector<16xi1>
      %reduce_sum3A_338 = tpu.scan <sum>, %select_n3A_335 masked %reduce_sum3A_337 : vector<16xi32>, vector<16xi1> -> vector<16xi32>
      %reduce_sum3A_339 = vector.extract %reduce_sum3A_338[15] : i32 from vector<16xi32>
      %eq3A_340 = arith.constant 7 : i32
      %eq3A_341 = vector.broadcast %eq3A_340 : i32 to vector<16xi32>
      %eq3A_342 = arith.cmpi eq, %iota3A, %eq3A_341 : vector<16xi32>
      %jit3A_343 = arith.constant 0 : i32
      %broadcast_in_dim3A_344 = vector.broadcast %jit3A_343 : i32 to vector<16xi32>
      %select_n3A_345 = arith.select %eq3A_342, %get3A_55, %broadcast_in_dim3A_344 : vector<16xi1>, vector<16xi32>
      %reduce_sum3A_346 = arith.constant true
      %reduce_sum3A_347 = vector.broadcast %reduce_sum3A_346 : i1 to vector<16xi1>
      %reduce_sum3A_348 = tpu.scan <sum>, %select_n3A_345 masked %reduce_sum3A_347 : vector<16xi32>, vector<16xi1> -> vector<16xi32>
      %reduce_sum3A_349 = vector.extract %reduce_sum3A_348[15] : i32 from vector<16xi32>
      %mul3A_350 = arith.constant 16 : i32
      %mul3A_351 = arith.muli %scan3A_47, %mul3A_350 : i32
      %add3A_352 = arith.constant 7 : i32
      %add3A_353 = arith.addi %mul3A_351, %add3A_352 : i32
      %dma_start3A_354 = arith.constant 0 : i32
      %dma_start3A_355 = tpu.memref_slice %arg10[%add3A_353, %dma_start3A_354] : memref<256x50xf32, #tpu.memory_space<vmem>> -> memref<1x50xf32, #tpu.memory_space<vmem>>
      %dma_start3A_356 = arith.constant 0 : i32
      %dma_start3A_357 = tpu.memref_slice %arg4[%reduce_sum3A_339, %dma_start3A_356] : memref<1000000x50xf32, #tpu.memory_space<hbm>> -> memref<1x50xf32, #tpu.memory_space<hbm>>
      %dma_start3A_358 = arith.constant 0 : i32
      %dma_start3A_359 = tpu.memref_slice %arg10[%add3A_353, %dma_start3A_358] : memref<256x50xf32, #tpu.memory_space<vmem>> -> memref<1x50xf32, #tpu.memory_space<vmem>>
      %dma_start3A_360 = arith.constant 0 : i32
      %dma_start3A_361 = tpu.memref_slice %arg4[%reduce_sum3A_339, %dma_start3A_360] : memref<1000000x50xf32, #tpu.memory_space<hbm>> -> memref<1x50xf32, #tpu.memory_space<hbm>>
      tpu.enqueue_dma source(%dma_start3A_361 : memref<1x50xf32, #tpu.memory_space<hbm>>) target(%dma_start3A_359 : memref<1x50xf32, #tpu.memory_space<vmem>>) target_semaphore(%arg12 : memref<!tpu.dma_semaphore, #tpu.memory_space<semaphore_mem>>)
      %dma_start3A_362 = arith.constant 0 : i32
      %dma_start3A_363 = tpu.memref_slice %arg11[%add3A_353, %dma_start3A_362] : memref<256x50xf32, #tpu.memory_space<vmem>> -> memref<1x50xf32, #tpu.memory_space<vmem>>
      %dma_start3A_364 = arith.constant 0 : i32
      %dma_start3A_365 = tpu.memref_slice %arg5[%reduce_sum3A_349, %dma_start3A_364] : memref<1000000x50xf32, #tpu.memory_space<hbm>> -> memref<1x50xf32, #tpu.memory_space<hbm>>
      %dma_start3A_366 = arith.constant 0 : i32
      %dma_start3A_367 = tpu.memref_slice %arg11[%add3A_353, %dma_start3A_366] : memref<256x50xf32, #tpu.memory_space<vmem>> -> memref<1x50xf32, #tpu.memory_space<vmem>>
      %dma_start3A_368 = arith.constant 0 : i32
      %dma_start3A_369 = tpu.memref_slice %arg5[%reduce_sum3A_349, %dma_start3A_368] : memref<1000000x50xf32, #tpu.memory_space<hbm>> -> memref<1x50xf32, #tpu.memory_space<hbm>>
      tpu.enqueue_dma source(%dma_start3A_369 : memref<1x50xf32, #tpu.memory_space<hbm>>) target(%dma_start3A_367 : memref<1x50xf32, #tpu.memory_space<vmem>>) target_semaphore(%arg12 : memref<!tpu.dma_semaphore, #tpu.memory_space<semaphore_mem>>)
      %eq3A_370 = arith.constant 8 : i32
      %eq3A_371 = vector.broadcast %eq3A_370 : i32 to vector<16xi32>
      %eq3A_372 = arith.cmpi eq, %iota3A, %eq3A_371 : vector<16xi32>
      %jit3A_373 = arith.constant 0 : i32
      %broadcast_in_dim3A_374 = vector.broadcast %jit3A_373 : i32 to vector<16xi32>
      %select_n3A_375 = arith.select %eq3A_372, %get3A_53, %broadcast_in_dim3A_374 : vector<16xi1>, vector<16xi32>
      %reduce_sum3A_376 = arith.constant true
      %reduce_sum3A_377 = vector.broadcast %reduce_sum3A_376 : i1 to vector<16xi1>
      %reduce_sum3A_378 = tpu.scan <sum>, %select_n3A_375 masked %reduce_sum3A_377 : vector<16xi32>, vector<16xi1> -> vector<16xi32>
      %reduce_sum3A_379 = vector.extract %reduce_sum3A_378[15] : i32 from vector<16xi32>
      %eq3A_380 = arith.constant 8 : i32
      %eq3A_381 = vector.broadcast %eq3A_380 : i32 to vector<16xi32>
      %eq3A_382 = arith.cmpi eq, %iota3A, %eq3A_381 : vector<16xi32>
      %jit3A_383 = arith.constant 0 : i32
      %broadcast_in_dim3A_384 = vector.broadcast %jit3A_383 : i32 to vector<16xi32>
      %select_n3A_385 = arith.select %eq3A_382, %get3A_55, %broadcast_in_dim3A_384 : vector<16xi1>, vector<16xi32>
      %reduce_sum3A_386 = arith.constant true
      %reduce_sum3A_387 = vector.broadcast %reduce_sum3A_386 : i1 to vector<16xi1>
      %reduce_sum3A_388 = tpu.scan <sum>, %select_n3A_385 masked %reduce_sum3A_387 : vector<16xi32>, vector<16xi1> -> vector<16xi32>
      %reduce_sum3A_389 = vector.extract %reduce_sum3A_388[15] : i32 from vector<16xi32>
      %mul3A_390 = arith.constant 16 : i32
      %mul3A_391 = arith.muli %scan3A_47, %mul3A_390 : i32
      %add3A_392 = arith.constant 8 : i32
      %add3A_393 = arith.addi %mul3A_391, %add3A_392 : i32
      %dma_start3A_394 = arith.constant 0 : i32
      %dma_start3A_395 = tpu.memref_slice %arg10[%add3A_393, %dma_start3A_394] : memref<256x50xf32, #tpu.memory_space<vmem>> -> memref<1x50xf32, #tpu.memory_space<vmem>>
      %dma_start3A_396 = arith.constant 0 : i32
      %dma_start3A_397 = tpu.memref_slice %arg4[%reduce_sum3A_379, %dma_start3A_396] : memref<1000000x50xf32, #tpu.memory_space<hbm>> -> memref<1x50xf32, #tpu.memory_space<hbm>>
      %dma_start3A_398 = arith.constant 0 : i32
      %dma_start3A_399 = tpu.memref_slice %arg10[%add3A_393, %dma_start3A_398] : memref<256x50xf32, #tpu.memory_space<vmem>> -> memref<1x50xf32, #tpu.memory_space<vmem>>
      %dma_start3A_400 = arith.constant 0 : i32
      %dma_start3A_401 = tpu.memref_slice %arg4[%reduce_sum3A_379, %dma_start3A_400] : memref<1000000x50xf32, #tpu.memory_space<hbm>> -> memref<1x50xf32, #tpu.memory_space<hbm>>
      tpu.enqueue_dma source(%dma_start3A_401 : memref<1x50xf32, #tpu.memory_space<hbm>>) target(%dma_start3A_399 : memref<1x50xf32, #tpu.memory_space<vmem>>) target_semaphore(%arg12 : memref<!tpu.dma_semaphore, #tpu.memory_space<semaphore_mem>>)
      %dma_start3A_402 = arith.constant 0 : i32
      %dma_start3A_403 = tpu.memref_slice %arg11[%add3A_393, %dma_start3A_402] : memref<256x50xf32, #tpu.memory_space<vmem>> -> memref<1x50xf32, #tpu.memory_space<vmem>>
      %dma_start3A_404 = arith.constant 0 : i32
      %dma_start3A_405 = tpu.memref_slice %arg5[%reduce_sum3A_389, %dma_start3A_404] : memref<1000000x50xf32, #tpu.memory_space<hbm>> -> memref<1x50xf32, #tpu.memory_space<hbm>>
      %dma_start3A_406 = arith.constant 0 : i32
      %dma_start3A_407 = tpu.memref_slice %arg11[%add3A_393, %dma_start3A_406] : memref<256x50xf32, #tpu.memory_space<vmem>> -> memref<1x50xf32, #tpu.memory_space<vmem>>
      %dma_start3A_408 = arith.constant 0 : i32
      %dma_start3A_409 = tpu.memref_slice %arg5[%reduce_sum3A_389, %dma_start3A_408] : memref<1000000x50xf32, #tpu.memory_space<hbm>> -> memref<1x50xf32, #tpu.memory_space<hbm>>
      tpu.enqueue_dma source(%dma_start3A_409 : memref<1x50xf32, #tpu.memory_space<hbm>>) target(%dma_start3A_407 : memref<1x50xf32, #tpu.memory_space<vmem>>) target_semaphore(%arg12 : memref<!tpu.dma_semaphore, #tpu.memory_space<semaphore_mem>>)
      %eq3A_410 = arith.constant 9 : i32
      %eq3A_411 = vector.broadcast %eq3A_410 : i32 to vector<16xi32>
      %eq3A_412 = arith.cmpi eq, %iota3A, %eq3A_411 : vector<16xi32>
      %jit3A_413 = arith.constant 0 : i32
      %broadcast_in_dim3A_414 = vector.broadcast %jit3A_413 : i32 to vector<16xi32>
      %select_n3A_415 = arith.select %eq3A_412, %get3A_53, %broadcast_in_dim3A_414 : vector<16xi1>, vector<16xi32>
      %reduce_sum3A_416 = arith.constant true
      %reduce_sum3A_417 = vector.broadcast %reduce_sum3A_416 : i1 to vector<16xi1>
      %reduce_sum3A_418 = tpu.scan <sum>, %select_n3A_415 masked %reduce_sum3A_417 : vector<16xi32>, vector<16xi1> -> vector<16xi32>
      %reduce_sum3A_419 = vector.extract %reduce_sum3A_418[15] : i32 from vector<16xi32>
      %eq3A_420 = arith.constant 9 : i32
      %eq3A_421 = vector.broadcast %eq3A_420 : i32 to vector<16xi32>
      %eq3A_422 = arith.cmpi eq, %iota3A, %eq3A_421 : vector<16xi32>
      %jit3A_423 = arith.constant 0 : i32
      %broadcast_in_dim3A_424 = vector.broadcast %jit3A_423 : i32 to vector<16xi32>
      %select_n3A_425 = arith.select %eq3A_422, %get3A_55, %broadcast_in_dim3A_424 : vector<16xi1>, vector<16xi32>
      %reduce_sum3A_426 = arith.constant true
      %reduce_sum3A_427 = vector.broadcast %reduce_sum3A_426 : i1 to vector<16xi1>
      %reduce_sum3A_428 = tpu.scan <sum>, %select_n3A_425 masked %reduce_sum3A_427 : vector<16xi32>, vector<16xi1> -> vector<16xi32>
      %reduce_sum3A_429 = vector.extract %reduce_sum3A_428[15] : i32 from vector<16xi32>
      %mul3A_430 = arith.constant 16 : i32
      %mul3A_431 = arith.muli %scan3A_47, %mul3A_430 : i32
      %add3A_432 = arith.constant 9 : i32
      %add3A_433 = arith.addi %mul3A_431, %add3A_432 : i32
      %dma_start3A_434 = arith.constant 0 : i32
      %dma_start3A_435 = tpu.memref_slice %arg10[%add3A_433, %dma_start3A_434] : memref<256x50xf32, #tpu.memory_space<vmem>> -> memref<1x50xf32, #tpu.memory_space<vmem>>
      %dma_start3A_436 = arith.constant 0 : i32
      %dma_start3A_437 = tpu.memref_slice %arg4[%reduce_sum3A_419, %dma_start3A_436] : memref<1000000x50xf32, #tpu.memory_space<hbm>> -> memref<1x50xf32, #tpu.memory_space<hbm>>
      %dma_start3A_438 = arith.constant 0 : i32
      %dma_start3A_439 = tpu.memref_slice %arg10[%add3A_433, %dma_start3A_438] : memref<256x50xf32, #tpu.memory_space<vmem>> -> memref<1x50xf32, #tpu.memory_space<vmem>>
      %dma_start3A_440 = arith.constant 0 : i32
      %dma_start3A_441 = tpu.memref_slice %arg4[%reduce_sum3A_419, %dma_start3A_440] : memref<1000000x50xf32, #tpu.memory_space<hbm>> -> memref<1x50xf32, #tpu.memory_space<hbm>>
      tpu.enqueue_dma source(%dma_start3A_441 : memref<1x50xf32, #tpu.memory_space<hbm>>) target(%dma_start3A_439 : memref<1x50xf32, #tpu.memory_space<vmem>>) target_semaphore(%arg12 : memref<!tpu.dma_semaphore, #tpu.memory_space<semaphore_mem>>)
      %dma_start3A_442 = arith.constant 0 : i32
      %dma_start3A_443 = tpu.memref_slice %arg11[%add3A_433, %dma_start3A_442] : memref<256x50xf32, #tpu.memory_space<vmem>> -> memref<1x50xf32, #tpu.memory_space<vmem>>
      %dma_start3A_444 = arith.constant 0 : i32
      %dma_start3A_445 = tpu.memref_slice %arg5[%reduce_sum3A_429, %dma_start3A_444] : memref<1000000x50xf32, #tpu.memory_space<hbm>> -> memref<1x50xf32, #tpu.memory_space<hbm>>
      %dma_start3A_446 = arith.constant 0 : i32
      %dma_start3A_447 = tpu.memref_slice %arg11[%add3A_433, %dma_start3A_446] : memref<256x50xf32, #tpu.memory_space<vmem>> -> memref<1x50xf32, #tpu.memory_space<vmem>>
      %dma_start3A_448 = arith.constant 0 : i32
      %dma_start3A_449 = tpu.memref_slice %arg5[%reduce_sum3A_429, %dma_start3A_448] : memref<1000000x50xf32, #tpu.memory_space<hbm>> -> memref<1x50xf32, #tpu.memory_space<hbm>>
      tpu.enqueue_dma source(%dma_start3A_449 : memref<1x50xf32, #tpu.memory_space<hbm>>) target(%dma_start3A_447 : memref<1x50xf32, #tpu.memory_space<vmem>>) target_semaphore(%arg12 : memref<!tpu.dma_semaphore, #tpu.memory_space<semaphore_mem>>)
      %eq3A_450 = arith.constant 10 : i32
      %eq3A_451 = vector.broadcast %eq3A_450 : i32 to vector<16xi32>
      %eq3A_452 = arith.cmpi eq, %iota3A, %eq3A_451 : vector<16xi32>
      %jit3A_453 = arith.constant 0 : i32
      %broadcast_in_dim3A_454 = vector.broadcast %jit3A_453 : i32 to vector<16xi32>
      %select_n3A_455 = arith.select %eq3A_452, %get3A_53, %broadcast_in_dim3A_454 : vector<16xi1>, vector<16xi32>
      %reduce_sum3A_456 = arith.constant true
      %reduce_sum3A_457 = vector.broadcast %reduce_sum3A_456 : i1 to vector<16xi1>
      %reduce_sum3A_458 = tpu.scan <sum>, %select_n3A_455 masked %reduce_sum3A_457 : vector<16xi32>, vector<16xi1> -> vector<16xi32>
      %reduce_sum3A_459 = vector.extract %reduce_sum3A_458[15] : i32 from vector<16xi32>
      %eq3A_460 = arith.constant 10 : i32
      %eq3A_461 = vector.broadcast %eq3A_460 : i32 to vector<16xi32>
      %eq3A_462 = arith.cmpi eq, %iota3A, %eq3A_461 : vector<16xi32>
      %jit3A_463 = arith.constant 0 : i32
      %broadcast_in_dim3A_464 = vector.broadcast %jit3A_463 : i32 to vector<16xi32>
      %select_n3A_465 = arith.select %eq3A_462, %get3A_55, %broadcast_in_dim3A_464 : vector<16xi1>, vector<16xi32>
      %reduce_sum3A_466 = arith.constant true
      %reduce_sum3A_467 = vector.broadcast %reduce_sum3A_466 : i1 to vector<16xi1>
      %reduce_sum3A_468 = tpu.scan <sum>, %select_n3A_465 masked %reduce_sum3A_467 : vector<16xi32>, vector<16xi1> -> vector<16xi32>
      %reduce_sum3A_469 = vector.extract %reduce_sum3A_468[15] : i32 from vector<16xi32>
      %mul3A_470 = arith.constant 16 : i32
      %mul3A_471 = arith.muli %scan3A_47, %mul3A_470 : i32
      %add3A_472 = arith.constant 10 : i32
      %add3A_473 = arith.addi %mul3A_471, %add3A_472 : i32
      %dma_start3A_474 = arith.constant 0 : i32
      %dma_start3A_475 = tpu.memref_slice %arg10[%add3A_473, %dma_start3A_474] : memref<256x50xf32, #tpu.memory_space<vmem>> -> memref<1x50xf32, #tpu.memory_space<vmem>>
      %dma_start3A_476 = arith.constant 0 : i32
      %dma_start3A_477 = tpu.memref_slice %arg4[%reduce_sum3A_459, %dma_start3A_476] : memref<1000000x50xf32, #tpu.memory_space<hbm>> -> memref<1x50xf32, #tpu.memory_space<hbm>>
      %dma_start3A_478 = arith.constant 0 : i32
      %dma_start3A_479 = tpu.memref_slice %arg10[%add3A_473, %dma_start3A_478] : memref<256x50xf32, #tpu.memory_space<vmem>> -> memref<1x50xf32, #tpu.memory_space<vmem>>
      %dma_start3A_480 = arith.constant 0 : i32
      %dma_start3A_481 = tpu.memref_slice %arg4[%reduce_sum3A_459, %dma_start3A_480] : memref<1000000x50xf32, #tpu.memory_space<hbm>> -> memref<1x50xf32, #tpu.memory_space<hbm>>
      tpu.enqueue_dma source(%dma_start3A_481 : memref<1x50xf32, #tpu.memory_space<hbm>>) target(%dma_start3A_479 : memref<1x50xf32, #tpu.memory_space<vmem>>) target_semaphore(%arg12 : memref<!tpu.dma_semaphore, #tpu.memory_space<semaphore_mem>>)
      %dma_start3A_482 = arith.constant 0 : i32
      %dma_start3A_483 = tpu.memref_slice %arg11[%add3A_473, %dma_start3A_482] : memref<256x50xf32, #tpu.memory_space<vmem>> -> memref<1x50xf32, #tpu.memory_space<vmem>>
      %dma_start3A_484 = arith.constant 0 : i32
      %dma_start3A_485 = tpu.memref_slice %arg5[%reduce_sum3A_469, %dma_start3A_484] : memref<1000000x50xf32, #tpu.memory_space<hbm>> -> memref<1x50xf32, #tpu.memory_space<hbm>>
      %dma_start3A_486 = arith.constant 0 : i32
      %dma_start3A_487 = tpu.memref_slice %arg11[%add3A_473, %dma_start3A_486] : memref<256x50xf32, #tpu.memory_space<vmem>> -> memref<1x50xf32, #tpu.memory_space<vmem>>
      %dma_start3A_488 = arith.constant 0 : i32
      %dma_start3A_489 = tpu.memref_slice %arg5[%reduce_sum3A_469, %dma_start3A_488] : memref<1000000x50xf32, #tpu.memory_space<hbm>> -> memref<1x50xf32, #tpu.memory_space<hbm>>
      tpu.enqueue_dma source(%dma_start3A_489 : memref<1x50xf32, #tpu.memory_space<hbm>>) target(%dma_start3A_487 : memref<1x50xf32, #tpu.memory_space<vmem>>) target_semaphore(%arg12 : memref<!tpu.dma_semaphore, #tpu.memory_space<semaphore_mem>>)
      %eq3A_490 = arith.constant 11 : i32
      %eq3A_491 = vector.broadcast %eq3A_490 : i32 to vector<16xi32>
      %eq3A_492 = arith.cmpi eq, %iota3A, %eq3A_491 : vector<16xi32>
      %jit3A_493 = arith.constant 0 : i32
      %broadcast_in_dim3A_494 = vector.broadcast %jit3A_493 : i32 to vector<16xi32>
      %select_n3A_495 = arith.select %eq3A_492, %get3A_53, %broadcast_in_dim3A_494 : vector<16xi1>, vector<16xi32>
      %reduce_sum3A_496 = arith.constant true
      %reduce_sum3A_497 = vector.broadcast %reduce_sum3A_496 : i1 to vector<16xi1>
      %reduce_sum3A_498 = tpu.scan <sum>, %select_n3A_495 masked %reduce_sum3A_497 : vector<16xi32>, vector<16xi1> -> vector<16xi32>
      %reduce_sum3A_499 = vector.extract %reduce_sum3A_498[15] : i32 from vector<16xi32>
      %eq3A_500 = arith.constant 11 : i32
      %eq3A_501 = vector.broadcast %eq3A_500 : i32 to vector<16xi32>
      %eq3A_502 = arith.cmpi eq, %iota3A, %eq3A_501 : vector<16xi32>
      %jit3A_503 = arith.constant 0 : i32
      %broadcast_in_dim3A_504 = vector.broadcast %jit3A_503 : i32 to vector<16xi32>
      %select_n3A_505 = arith.select %eq3A_502, %get3A_55, %broadcast_in_dim3A_504 : vector<16xi1>, vector<16xi32>
      %reduce_sum3A_506 = arith.constant true
      %reduce_sum3A_507 = vector.broadcast %reduce_sum3A_506 : i1 to vector<16xi1>
      %reduce_sum3A_508 = tpu.scan <sum>, %select_n3A_505 masked %reduce_sum3A_507 : vector<16xi32>, vector<16xi1> -> vector<16xi32>
      %reduce_sum3A_509 = vector.extract %reduce_sum3A_508[15] : i32 from vector<16xi32>
      %mul3A_510 = arith.constant 16 : i32
      %mul3A_511 = arith.muli %scan3A_47, %mul3A_510 : i32
      %add3A_512 = arith.constant 11 : i32
      %add3A_513 = arith.addi %mul3A_511, %add3A_512 : i32
      %dma_start3A_514 = arith.constant 0 : i32
      %dma_start3A_515 = tpu.memref_slice %arg10[%add3A_513, %dma_start3A_514] : memref<256x50xf32, #tpu.memory_space<vmem>> -> memref<1x50xf32, #tpu.memory_space<vmem>>
      %dma_start3A_516 = arith.constant 0 : i32
      %dma_start3A_517 = tpu.memref_slice %arg4[%reduce_sum3A_499, %dma_start3A_516] : memref<1000000x50xf32, #tpu.memory_space<hbm>> -> memref<1x50xf32, #tpu.memory_space<hbm>>
      %dma_start3A_518 = arith.constant 0 : i32
      %dma_start3A_519 = tpu.memref_slice %arg10[%add3A_513, %dma_start3A_518] : memref<256x50xf32, #tpu.memory_space<vmem>> -> memref<1x50xf32, #tpu.memory_space<vmem>>
      %dma_start3A_520 = arith.constant 0 : i32
      %dma_start3A_521 = tpu.memref_slice %arg4[%reduce_sum3A_499, %dma_start3A_520] : memref<1000000x50xf32, #tpu.memory_space<hbm>> -> memref<1x50xf32, #tpu.memory_space<hbm>>
      tpu.enqueue_dma source(%dma_start3A_521 : memref<1x50xf32, #tpu.memory_space<hbm>>) target(%dma_start3A_519 : memref<1x50xf32, #tpu.memory_space<vmem>>) target_semaphore(%arg12 : memref<!tpu.dma_semaphore, #tpu.memory_space<semaphore_mem>>)
      %dma_start3A_522 = arith.constant 0 : i32
      %dma_start3A_523 = tpu.memref_slice %arg11[%add3A_513, %dma_start3A_522] : memref<256x50xf32, #tpu.memory_space<vmem>> -> memref<1x50xf32, #tpu.memory_space<vmem>>
      %dma_start3A_524 = arith.constant 0 : i32
      %dma_start3A_525 = tpu.memref_slice %arg5[%reduce_sum3A_509, %dma_start3A_524] : memref<1000000x50xf32, #tpu.memory_space<hbm>> -> memref<1x50xf32, #tpu.memory_space<hbm>>
      %dma_start3A_526 = arith.constant 0 : i32
      %dma_start3A_527 = tpu.memref_slice %arg11[%add3A_513, %dma_start3A_526] : memref<256x50xf32, #tpu.memory_space<vmem>> -> memref<1x50xf32, #tpu.memory_space<vmem>>
      %dma_start3A_528 = arith.constant 0 : i32
      %dma_start3A_529 = tpu.memref_slice %arg5[%reduce_sum3A_509, %dma_start3A_528] : memref<1000000x50xf32, #tpu.memory_space<hbm>> -> memref<1x50xf32, #tpu.memory_space<hbm>>
      tpu.enqueue_dma source(%dma_start3A_529 : memref<1x50xf32, #tpu.memory_space<hbm>>) target(%dma_start3A_527 : memref<1x50xf32, #tpu.memory_space<vmem>>) target_semaphore(%arg12 : memref<!tpu.dma_semaphore, #tpu.memory_space<semaphore_mem>>)
      %eq3A_530 = arith.constant 12 : i32
      %eq3A_531 = vector.broadcast %eq3A_530 : i32 to vector<16xi32>
      %eq3A_532 = arith.cmpi eq, %iota3A, %eq3A_531 : vector<16xi32>
      %jit3A_533 = arith.constant 0 : i32
      %broadcast_in_dim3A_534 = vector.broadcast %jit3A_533 : i32 to vector<16xi32>
      %select_n3A_535 = arith.select %eq3A_532, %get3A_53, %broadcast_in_dim3A_534 : vector<16xi1>, vector<16xi32>
      %reduce_sum3A_536 = arith.constant true
      %reduce_sum3A_537 = vector.broadcast %reduce_sum3A_536 : i1 to vector<16xi1>
      %reduce_sum3A_538 = tpu.scan <sum>, %select_n3A_535 masked %reduce_sum3A_537 : vector<16xi32>, vector<16xi1> -> vector<16xi32>
      %reduce_sum3A_539 = vector.extract %reduce_sum3A_538[15] : i32 from vector<16xi32>
      %eq3A_540 = arith.constant 12 : i32
      %eq3A_541 = vector.broadcast %eq3A_540 : i32 to vector<16xi32>
      %eq3A_542 = arith.cmpi eq, %iota3A, %eq3A_541 : vector<16xi32>
      %jit3A_543 = arith.constant 0 : i32
      %broadcast_in_dim3A_544 = vector.broadcast %jit3A_543 : i32 to vector<16xi32>
      %select_n3A_545 = arith.select %eq3A_542, %get3A_55, %broadcast_in_dim3A_544 : vector<16xi1>, vector<16xi32>
      %reduce_sum3A_546 = arith.constant true
      %reduce_sum3A_547 = vector.broadcast %reduce_sum3A_546 : i1 to vector<16xi1>
      %reduce_sum3A_548 = tpu.scan <sum>, %select_n3A_545 masked %reduce_sum3A_547 : vector<16xi32>, vector<16xi1> -> vector<16xi32>
      %reduce_sum3A_549 = vector.extract %reduce_sum3A_548[15] : i32 from vector<16xi32>
      %mul3A_550 = arith.constant 16 : i32
      %mul3A_551 = arith.muli %scan3A_47, %mul3A_550 : i32
      %add3A_552 = arith.constant 12 : i32
      %add3A_553 = arith.addi %mul3A_551, %add3A_552 : i32
      %dma_start3A_554 = arith.constant 0 : i32
      %dma_start3A_555 = tpu.memref_slice %arg10[%add3A_553, %dma_start3A_554] : memref<256x50xf32, #tpu.memory_space<vmem>> -> memref<1x50xf32, #tpu.memory_space<vmem>>
      %dma_start3A_556 = arith.constant 0 : i32
      %dma_start3A_557 = tpu.memref_slice %arg4[%reduce_sum3A_539, %dma_start3A_556] : memref<1000000x50xf32, #tpu.memory_space<hbm>> -> memref<1x50xf32, #tpu.memory_space<hbm>>
      %dma_start3A_558 = arith.constant 0 : i32
      %dma_start3A_559 = tpu.memref_slice %arg10[%add3A_553, %dma_start3A_558] : memref<256x50xf32, #tpu.memory_space<vmem>> -> memref<1x50xf32, #tpu.memory_space<vmem>>
      %dma_start3A_560 = arith.constant 0 : i32
      %dma_start3A_561 = tpu.memref_slice %arg4[%reduce_sum3A_539, %dma_start3A_560] : memref<1000000x50xf32, #tpu.memory_space<hbm>> -> memref<1x50xf32, #tpu.memory_space<hbm>>
      tpu.enqueue_dma source(%dma_start3A_561 : memref<1x50xf32, #tpu.memory_space<hbm>>) target(%dma_start3A_559 : memref<1x50xf32, #tpu.memory_space<vmem>>) target_semaphore(%arg12 : memref<!tpu.dma_semaphore, #tpu.memory_space<semaphore_mem>>)
      %dma_start3A_562 = arith.constant 0 : i32
      %dma_start3A_563 = tpu.memref_slice %arg11[%add3A_553, %dma_start3A_562] : memref<256x50xf32, #tpu.memory_space<vmem>> -> memref<1x50xf32, #tpu.memory_space<vmem>>
      %dma_start3A_564 = arith.constant 0 : i32
      %dma_start3A_565 = tpu.memref_slice %arg5[%reduce_sum3A_549, %dma_start3A_564] : memref<1000000x50xf32, #tpu.memory_space<hbm>> -> memref<1x50xf32, #tpu.memory_space<hbm>>
      %dma_start3A_566 = arith.constant 0 : i32
      %dma_start3A_567 = tpu.memref_slice %arg11[%add3A_553, %dma_start3A_566] : memref<256x50xf32, #tpu.memory_space<vmem>> -> memref<1x50xf32, #tpu.memory_space<vmem>>
      %dma_start3A_568 = arith.constant 0 : i32
      %dma_start3A_569 = tpu.memref_slice %arg5[%reduce_sum3A_549, %dma_start3A_568] : memref<1000000x50xf32, #tpu.memory_space<hbm>> -> memref<1x50xf32, #tpu.memory_space<hbm>>
      tpu.enqueue_dma source(%dma_start3A_569 : memref<1x50xf32, #tpu.memory_space<hbm>>) target(%dma_start3A_567 : memref<1x50xf32, #tpu.memory_space<vmem>>) target_semaphore(%arg12 : memref<!tpu.dma_semaphore, #tpu.memory_space<semaphore_mem>>)
      %eq3A_570 = arith.constant 13 : i32
      %eq3A_571 = vector.broadcast %eq3A_570 : i32 to vector<16xi32>
      %eq3A_572 = arith.cmpi eq, %iota3A, %eq3A_571 : vector<16xi32>
      %jit3A_573 = arith.constant 0 : i32
      %broadcast_in_dim3A_574 = vector.broadcast %jit3A_573 : i32 to vector<16xi32>
      %select_n3A_575 = arith.select %eq3A_572, %get3A_53, %broadcast_in_dim3A_574 : vector<16xi1>, vector<16xi32>
      %reduce_sum3A_576 = arith.constant true
      %reduce_sum3A_577 = vector.broadcast %reduce_sum3A_576 : i1 to vector<16xi1>
      %reduce_sum3A_578 = tpu.scan <sum>, %select_n3A_575 masked %reduce_sum3A_577 : vector<16xi32>, vector<16xi1> -> vector<16xi32>
      %reduce_sum3A_579 = vector.extract %reduce_sum3A_578[15] : i32 from vector<16xi32>
      %eq3A_580 = arith.constant 13 : i32
      %eq3A_581 = vector.broadcast %eq3A_580 : i32 to vector<16xi32>
      %eq3A_582 = arith.cmpi eq, %iota3A, %eq3A_581 : vector<16xi32>
      %jit3A_583 = arith.constant 0 : i32
      %broadcast_in_dim3A_584 = vector.broadcast %jit3A_583 : i32 to vector<16xi32>
      %select_n3A_585 = arith.select %eq3A_582, %get3A_55, %broadcast_in_dim3A_584 : vector<16xi1>, vector<16xi32>
      %reduce_sum3A_586 = arith.constant true
      %reduce_sum3A_587 = vector.broadcast %reduce_sum3A_586 : i1 to vector<16xi1>
      %reduce_sum3A_588 = tpu.scan <sum>, %select_n3A_585 masked %reduce_sum3A_587 : vector<16xi32>, vector<16xi1> -> vector<16xi32>
      %reduce_sum3A_589 = vector.extract %reduce_sum3A_588[15] : i32 from vector<16xi32>
      %mul3A_590 = arith.constant 16 : i32
      %mul3A_591 = arith.muli %scan3A_47, %mul3A_590 : i32
      %add3A_592 = arith.constant 13 : i32
      %add3A_593 = arith.addi %mul3A_591, %add3A_592 : i32
      %dma_start3A_594 = arith.constant 0 : i32
      %dma_start3A_595 = tpu.memref_slice %arg10[%add3A_593, %dma_start3A_594] : memref<256x50xf32, #tpu.memory_space<vmem>> -> memref<1x50xf32, #tpu.memory_space<vmem>>
      %dma_start3A_596 = arith.constant 0 : i32
      %dma_start3A_597 = tpu.memref_slice %arg4[%reduce_sum3A_579, %dma_start3A_596] : memref<1000000x50xf32, #tpu.memory_space<hbm>> -> memref<1x50xf32, #tpu.memory_space<hbm>>
      %dma_start3A_598 = arith.constant 0 : i32
      %dma_start3A_599 = tpu.memref_slice %arg10[%add3A_593, %dma_start3A_598] : memref<256x50xf32, #tpu.memory_space<vmem>> -> memref<1x50xf32, #tpu.memory_space<vmem>>
      %dma_start3A_600 = arith.constant 0 : i32
      %dma_start3A_601 = tpu.memref_slice %arg4[%reduce_sum3A_579, %dma_start3A_600] : memref<1000000x50xf32, #tpu.memory_space<hbm>> -> memref<1x50xf32, #tpu.memory_space<hbm>>
      tpu.enqueue_dma source(%dma_start3A_601 : memref<1x50xf32, #tpu.memory_space<hbm>>) target(%dma_start3A_599 : memref<1x50xf32, #tpu.memory_space<vmem>>) target_semaphore(%arg12 : memref<!tpu.dma_semaphore, #tpu.memory_space<semaphore_mem>>)
      %dma_start3A_602 = arith.constant 0 : i32
      %dma_start3A_603 = tpu.memref_slice %arg11[%add3A_593, %dma_start3A_602] : memref<256x50xf32, #tpu.memory_space<vmem>> -> memref<1x50xf32, #tpu.memory_space<vmem>>
      %dma_start3A_604 = arith.constant 0 : i32
      %dma_start3A_605 = tpu.memref_slice %arg5[%reduce_sum3A_589, %dma_start3A_604] : memref<1000000x50xf32, #tpu.memory_space<hbm>> -> memref<1x50xf32, #tpu.memory_space<hbm>>
      %dma_start3A_606 = arith.constant 0 : i32
      %dma_start3A_607 = tpu.memref_slice %arg11[%add3A_593, %dma_start3A_606] : memref<256x50xf32, #tpu.memory_space<vmem>> -> memref<1x50xf32, #tpu.memory_space<vmem>>
      %dma_start3A_608 = arith.constant 0 : i32
      %dma_start3A_609 = tpu.memref_slice %arg5[%reduce_sum3A_589, %dma_start3A_608] : memref<1000000x50xf32, #tpu.memory_space<hbm>> -> memref<1x50xf32, #tpu.memory_space<hbm>>
      tpu.enqueue_dma source(%dma_start3A_609 : memref<1x50xf32, #tpu.memory_space<hbm>>) target(%dma_start3A_607 : memref<1x50xf32, #tpu.memory_space<vmem>>) target_semaphore(%arg12 : memref<!tpu.dma_semaphore, #tpu.memory_space<semaphore_mem>>)
      %eq3A_610 = arith.constant 14 : i32
      %eq3A_611 = vector.broadcast %eq3A_610 : i32 to vector<16xi32>
      %eq3A_612 = arith.cmpi eq, %iota3A, %eq3A_611 : vector<16xi32>
      %jit3A_613 = arith.constant 0 : i32
      %broadcast_in_dim3A_614 = vector.broadcast %jit3A_613 : i32 to vector<16xi32>
      %select_n3A_615 = arith.select %eq3A_612, %get3A_53, %broadcast_in_dim3A_614 : vector<16xi1>, vector<16xi32>
      %reduce_sum3A_616 = arith.constant true
      %reduce_sum3A_617 = vector.broadcast %reduce_sum3A_616 : i1 to vector<16xi1>
      %reduce_sum3A_618 = tpu.scan <sum>, %select_n3A_615 masked %reduce_sum3A_617 : vector<16xi32>, vector<16xi1> -> vector<16xi32>
      %reduce_sum3A_619 = vector.extract %reduce_sum3A_618[15] : i32 from vector<16xi32>
      %eq3A_620 = arith.constant 14 : i32
      %eq3A_621 = vector.broadcast %eq3A_620 : i32 to vector<16xi32>
      %eq3A_622 = arith.cmpi eq, %iota3A, %eq3A_621 : vector<16xi32>
      %jit3A_623 = arith.constant 0 : i32
      %broadcast_in_dim3A_624 = vector.broadcast %jit3A_623 : i32 to vector<16xi32>
      %select_n3A_625 = arith.select %eq3A_622, %get3A_55, %broadcast_in_dim3A_624 : vector<16xi1>, vector<16xi32>
      %reduce_sum3A_626 = arith.constant true
      %reduce_sum3A_627 = vector.broadcast %reduce_sum3A_626 : i1 to vector<16xi1>
      %reduce_sum3A_628 = tpu.scan <sum>, %select_n3A_625 masked %reduce_sum3A_627 : vector<16xi32>, vector<16xi1> -> vector<16xi32>
      %reduce_sum3A_629 = vector.extract %reduce_sum3A_628[15] : i32 from vector<16xi32>
      %mul3A_630 = arith.constant 16 : i32
      %mul3A_631 = arith.muli %scan3A_47, %mul3A_630 : i32
      %add3A_632 = arith.constant 14 : i32
      %add3A_633 = arith.addi %mul3A_631, %add3A_632 : i32
      %dma_start3A_634 = arith.constant 0 : i32
      %dma_start3A_635 = tpu.memref_slice %arg10[%add3A_633, %dma_start3A_634] : memref<256x50xf32, #tpu.memory_space<vmem>> -> memref<1x50xf32, #tpu.memory_space<vmem>>
      %dma_start3A_636 = arith.constant 0 : i32
      %dma_start3A_637 = tpu.memref_slice %arg4[%reduce_sum3A_619, %dma_start3A_636] : memref<1000000x50xf32, #tpu.memory_space<hbm>> -> memref<1x50xf32, #tpu.memory_space<hbm>>
      %dma_start3A_638 = arith.constant 0 : i32
      %dma_start3A_639 = tpu.memref_slice %arg10[%add3A_633, %dma_start3A_638] : memref<256x50xf32, #tpu.memory_space<vmem>> -> memref<1x50xf32, #tpu.memory_space<vmem>>
      %dma_start3A_640 = arith.constant 0 : i32
      %dma_start3A_641 = tpu.memref_slice %arg4[%reduce_sum3A_619, %dma_start3A_640] : memref<1000000x50xf32, #tpu.memory_space<hbm>> -> memref<1x50xf32, #tpu.memory_space<hbm>>
      tpu.enqueue_dma source(%dma_start3A_641 : memref<1x50xf32, #tpu.memory_space<hbm>>) target(%dma_start3A_639 : memref<1x50xf32, #tpu.memory_space<vmem>>) target_semaphore(%arg12 : memref<!tpu.dma_semaphore, #tpu.memory_space<semaphore_mem>>)
      %dma_start3A_642 = arith.constant 0 : i32
      %dma_start3A_643 = tpu.memref_slice %arg11[%add3A_633, %dma_start3A_642] : memref<256x50xf32, #tpu.memory_space<vmem>> -> memref<1x50xf32, #tpu.memory_space<vmem>>
      %dma_start3A_644 = arith.constant 0 : i32
      %dma_start3A_645 = tpu.memref_slice %arg5[%reduce_sum3A_629, %dma_start3A_644] : memref<1000000x50xf32, #tpu.memory_space<hbm>> -> memref<1x50xf32, #tpu.memory_space<hbm>>
      %dma_start3A_646 = arith.constant 0 : i32
      %dma_start3A_647 = tpu.memref_slice %arg11[%add3A_633, %dma_start3A_646] : memref<256x50xf32, #tpu.memory_space<vmem>> -> memref<1x50xf32, #tpu.memory_space<vmem>>
      %dma_start3A_648 = arith.constant 0 : i32
      %dma_start3A_649 = tpu.memref_slice %arg5[%reduce_sum3A_629, %dma_start3A_648] : memref<1000000x50xf32, #tpu.memory_space<hbm>> -> memref<1x50xf32, #tpu.memory_space<hbm>>
      tpu.enqueue_dma source(%dma_start3A_649 : memref<1x50xf32, #tpu.memory_space<hbm>>) target(%dma_start3A_647 : memref<1x50xf32, #tpu.memory_space<vmem>>) target_semaphore(%arg12 : memref<!tpu.dma_semaphore, #tpu.memory_space<semaphore_mem>>)
      %eq3A_650 = arith.constant 15 : i32
      %eq3A_651 = vector.broadcast %eq3A_650 : i32 to vector<16xi32>
      %eq3A_652 = arith.cmpi eq, %iota3A, %eq3A_651 : vector<16xi32>
      %jit3A_653 = arith.constant 0 : i32
      %broadcast_in_dim3A_654 = vector.broadcast %jit3A_653 : i32 to vector<16xi32>
      %select_n3A_655 = arith.select %eq3A_652, %get3A_53, %broadcast_in_dim3A_654 : vector<16xi1>, vector<16xi32>
      %reduce_sum3A_656 = arith.constant true
      %reduce_sum3A_657 = vector.broadcast %reduce_sum3A_656 : i1 to vector<16xi1>
      %reduce_sum3A_658 = tpu.scan <sum>, %select_n3A_655 masked %reduce_sum3A_657 : vector<16xi32>, vector<16xi1> -> vector<16xi32>
      %reduce_sum3A_659 = vector.extract %reduce_sum3A_658[15] : i32 from vector<16xi32>
      %eq3A_660 = arith.constant 15 : i32
      %eq3A_661 = vector.broadcast %eq3A_660 : i32 to vector<16xi32>
      %eq3A_662 = arith.cmpi eq, %iota3A, %eq3A_661 : vector<16xi32>
      %jit3A_663 = arith.constant 0 : i32
      %broadcast_in_dim3A_664 = vector.broadcast %jit3A_663 : i32 to vector<16xi32>
      %select_n3A_665 = arith.select %eq3A_662, %get3A_55, %broadcast_in_dim3A_664 : vector<16xi1>, vector<16xi32>
      %reduce_sum3A_666 = arith.constant true
      %reduce_sum3A_667 = vector.broadcast %reduce_sum3A_666 : i1 to vector<16xi1>
      %reduce_sum3A_668 = tpu.scan <sum>, %select_n3A_665 masked %reduce_sum3A_667 : vector<16xi32>, vector<16xi1> -> vector<16xi32>
      %reduce_sum3A_669 = vector.extract %reduce_sum3A_668[15] : i32 from vector<16xi32>
      %mul3A_670 = arith.constant 16 : i32
      %mul3A_671 = arith.muli %scan3A_47, %mul3A_670 : i32
      %add3A_672 = arith.constant 15 : i32
      %add3A_673 = arith.addi %mul3A_671, %add3A_672 : i32
      %dma_start3A_674 = arith.constant 0 : i32
      %dma_start3A_675 = tpu.memref_slice %arg10[%add3A_673, %dma_start3A_674] : memref<256x50xf32, #tpu.memory_space<vmem>> -> memref<1x50xf32, #tpu.memory_space<vmem>>
      %dma_start3A_676 = arith.constant 0 : i32
      %dma_start3A_677 = tpu.memref_slice %arg4[%reduce_sum3A_659, %dma_start3A_676] : memref<1000000x50xf32, #tpu.memory_space<hbm>> -> memref<1x50xf32, #tpu.memory_space<hbm>>
      %dma_start3A_678 = arith.constant 0 : i32
      %dma_start3A_679 = tpu.memref_slice %arg10[%add3A_673, %dma_start3A_678] : memref<256x50xf32, #tpu.memory_space<vmem>> -> memref<1x50xf32, #tpu.memory_space<vmem>>
      %dma_start3A_680 = arith.constant 0 : i32
      %dma_start3A_681 = tpu.memref_slice %arg4[%reduce_sum3A_659, %dma_start3A_680] : memref<1000000x50xf32, #tpu.memory_space<hbm>> -> memref<1x50xf32, #tpu.memory_space<hbm>>
      tpu.enqueue_dma source(%dma_start3A_681 : memref<1x50xf32, #tpu.memory_space<hbm>>) target(%dma_start3A_679 : memref<1x50xf32, #tpu.memory_space<vmem>>) target_semaphore(%arg12 : memref<!tpu.dma_semaphore, #tpu.memory_space<semaphore_mem>>)
      %dma_start3A_682 = arith.constant 0 : i32
      %dma_start3A_683 = tpu.memref_slice %arg11[%add3A_673, %dma_start3A_682] : memref<256x50xf32, #tpu.memory_space<vmem>> -> memref<1x50xf32, #tpu.memory_space<vmem>>
      %dma_start3A_684 = arith.constant 0 : i32
      %dma_start3A_685 = tpu.memref_slice %arg5[%reduce_sum3A_669, %dma_start3A_684] : memref<1000000x50xf32, #tpu.memory_space<hbm>> -> memref<1x50xf32, #tpu.memory_space<hbm>>
      %dma_start3A_686 = arith.constant 0 : i32
      %dma_start3A_687 = tpu.memref_slice %arg11[%add3A_673, %dma_start3A_686] : memref<256x50xf32, #tpu.memory_space<vmem>> -> memref<1x50xf32, #tpu.memory_space<vmem>>
      %dma_start3A_688 = arith.constant 0 : i32
      %dma_start3A_689 = tpu.memref_slice %arg5[%reduce_sum3A_669, %dma_start3A_688] : memref<1000000x50xf32, #tpu.memory_space<hbm>> -> memref<1x50xf32, #tpu.memory_space<hbm>>
      tpu.enqueue_dma source(%dma_start3A_689 : memref<1x50xf32, #tpu.memory_space<hbm>>) target(%dma_start3A_687 : memref<1x50xf32, #tpu.memory_space<vmem>>) target_semaphore(%arg12 : memref<!tpu.dma_semaphore, #tpu.memory_space<semaphore_mem>>)
      %scan3A_690 = arith.constant 0 : i32
      scf.yield %scan3A_690 : i32
    }
    %scan3A_8 = arith.constant 16 : i32
    %dma_wait3A = arith.constant 0 : i32
    %dma_wait3A_9 = arith.constant 0 : i32
    %dma_wait3A_10 = tpu.memref_slice %arg6[%dma_wait3A, %dma_wait3A_9] : memref<16384x50xf32, #tpu.memory_space<hbm>> -> memref<256x50xf32, #tpu.memory_space<hbm>>
    %dma_wait3A_11 = arith.constant 0 : i32
    %dma_wait3A_12 = arith.constant 0 : i32
    %dma_wait3A_13 = tpu.memref_slice %arg6[%dma_wait3A_11, %dma_wait3A_12] : memref<16384x50xf32, #tpu.memory_space<hbm>> -> memref<256x50xf32, #tpu.memory_space<hbm>>
    tpu.wait_dma2 semaphore(%arg12 : memref<!tpu.dma_semaphore, #tpu.memory_space<semaphore_mem>>) src(%dma_wait3A_13 : memref<256x50xf32, #tpu.memory_space<hbm>>) dst(%arg10 : memref<256x50xf32, #tpu.memory_space<vmem>>)
    %dma_wait3A_14 = arith.constant 0 : i32
    %dma_wait3A_15 = arith.constant 0 : i32
    %dma_wait3A_16 = tpu.memref_slice %arg6[%dma_wait3A_14, %dma_wait3A_15] : memref<16384x50xf32, #tpu.memory_space<hbm>> -> memref<256x50xf32, #tpu.memory_space<hbm>>
    %dma_wait3A_17 = arith.constant 0 : i32
    %dma_wait3A_18 = arith.constant 0 : i32
    %dma_wait3A_19 = tpu.memref_slice %arg6[%dma_wait3A_17, %dma_wait3A_18] : memref<16384x50xf32, #tpu.memory_space<hbm>> -> memref<256x50xf32, #tpu.memory_space<hbm>>
    tpu.wait_dma2 semaphore(%arg12 : memref<!tpu.dma_semaphore, #tpu.memory_space<semaphore_mem>>) src(%dma_wait3A_19 : memref<256x50xf32, #tpu.memory_space<hbm>>) dst(%arg11 : memref<256x50xf32, #tpu.memory_space<vmem>>)
    %add3A_20 = arith.constant 0 : i32
    %add3A_21 = arith.addi %mul3A_2, %add3A_20 : i32
    "tpu.region"() ({
      %run_scoped3A = tpu.sem_alloc : memref<!tpu.dma_semaphore, #tpu.memory_space<semaphore_mem>>
      %dma_start3A = arith.constant 0 : i32
      %dma_start3A_47 = tpu.memref_slice %arg6[%add3A_21, %dma_start3A] : memref<16384x50xf32, #tpu.memory_space<hbm>> -> memref<256x50xf32, #tpu.memory_space<hbm>>
      %dma_start3A_48 = arith.constant 0 : i32
      %dma_start3A_49 = tpu.memref_slice %arg6[%add3A_21, %dma_start3A_48] : memref<16384x50xf32, #tpu.memory_space<hbm>> -> memref<256x50xf32, #tpu.memory_space<hbm>>
      tpu.enqueue_dma source(%arg10 : memref<256x50xf32, #tpu.memory_space<vmem>>) target(%dma_start3A_49 : memref<256x50xf32, #tpu.memory_space<hbm>>) target_semaphore(%run_scoped3A : memref<!tpu.dma_semaphore, #tpu.memory_space<semaphore_mem>>)
      %dma_wait3A_50 = arith.constant 0 : i32
      %dma_wait3A_51 = tpu.memref_slice %arg6[%add3A_21, %dma_wait3A_50] : memref<16384x50xf32, #tpu.memory_space<hbm>> -> memref<256x50xf32, #tpu.memory_space<hbm>>
      %dma_wait3A_52 = arith.constant 0 : i32
      %dma_wait3A_53 = tpu.memref_slice %arg6[%add3A_21, %dma_wait3A_52] : memref<16384x50xf32, #tpu.memory_space<hbm>> -> memref<256x50xf32, #tpu.memory_space<hbm>>
      tpu.wait_dma2 semaphore(%run_scoped3A : memref<!tpu.dma_semaphore, #tpu.memory_space<semaphore_mem>>) src(%arg10 : memref<256x50xf32, #tpu.memory_space<vmem>>) dst(%dma_wait3A_53 : memref<256x50xf32, #tpu.memory_space<hbm>>)
      tpu.yield
    }) : () -> ()
    %add3A_22 = arith.constant 0 : i32
    %add3A_23 = arith.addi %mul3A_2, %add3A_22 : i32
    "tpu.region"() ({
      %run_scoped3A = tpu.sem_alloc : memref<!tpu.dma_semaphore, #tpu.memory_space<semaphore_mem>>
      %dma_start3A = arith.constant 0 : i32
      %dma_start3A_47 = tpu.memref_slice %arg7[%add3A_23, %dma_start3A] : memref<16384x50xf32, #tpu.memory_space<hbm>> -> memref<256x50xf32, #tpu.memory_space<hbm>>
      %dma_start3A_48 = arith.constant 0 : i32
      %dma_start3A_49 = tpu.memref_slice %arg7[%add3A_23, %dma_start3A_48] : memref<16384x50xf32, #tpu.memory_space<hbm>> -> memref<256x50xf32, #tpu.memory_space<hbm>>
      tpu.enqueue_dma source(%arg11 : memref<256x50xf32, #tpu.memory_space<vmem>>) target(%dma_start3A_49 : memref<256x50xf32, #tpu.memory_space<hbm>>) target_semaphore(%run_scoped3A : memref<!tpu.dma_semaphore, #tpu.memory_space<semaphore_mem>>)
      %dma_wait3A_50 = arith.constant 0 : i32
      %dma_wait3A_51 = tpu.memref_slice %arg7[%add3A_23, %dma_wait3A_50] : memref<16384x50xf32, #tpu.memory_space<hbm>> -> memref<256x50xf32, #tpu.memory_space<hbm>>
      %dma_wait3A_52 = arith.constant 0 : i32
      %dma_wait3A_53 = tpu.memref_slice %arg7[%add3A_23, %dma_wait3A_52] : memref<16384x50xf32, #tpu.memory_space<hbm>> -> memref<256x50xf32, #tpu.memory_space<hbm>>
      tpu.wait_dma2 semaphore(%run_scoped3A : memref<!tpu.dma_semaphore, #tpu.memory_space<semaphore_mem>>) src(%arg11 : memref<256x50xf32, #tpu.memory_space<vmem>>) dst(%dma_wait3A_53 : memref<256x50xf32, #tpu.memory_space<hbm>>)
      tpu.yield
    }) : () -> ()
    %scan3A_24 = arith.constant 0 : i32
    %scan3A_25 = arith.constant 0 : i32
    %scan3A_26 = arith.constant 16 : i32
    %scan3A_27 = arith.addi %scan3A_25, %scan3A_26 : i32
    %scan3A_28 = arith.constant 1 : i32
    %scan3A_29 = scf.for %scan3A_47 = %scan3A_25 to %scan3A_27 step %scan3A_28 iter_args(%scan3A_48 = %scan3A_24) -> (i32)  : i32 {
      %mul3A_49 = arith.constant 16 : i32
      %mul3A_50 = arith.muli %scan3A_47, %mul3A_49 : i32
      %add3A_51 = arith.constant 256 : i32
      %add3A_52 = arith.addi %add3A_51, %mul3A_50 : i32
      %multiple_of3A = tpu.assume_multiple %add3A_52, 16 : i32
      %get3A = arith.index_cast %multiple_of3A : i32 to index
      %get3A_53 = tpu.vector_load %arg8[%get3A] {strides = array<i32>} : memref<512xi32, #tpu.memory_space<vmem>>, vector<16xi32>,
      %get3A_54 = arith.index_cast %multiple_of3A : i32 to index
      %get3A_55 = tpu.vector_load %arg9[%get3A_54] {strides = array<i32>} : memref<512xi32, #tpu.memory_space<vmem>>, vector<16xi32>,
      %eq3A = arith.constant 0 : i32
      %eq3A_56 = vector.broadcast %eq3A : i32 to vector<16xi32>
      %eq3A_57 = arith.cmpi eq, %iota3A, %eq3A_56 : vector<16xi32>
      %jit3A = arith.constant 0 : i32
      %broadcast_in_dim3A = vector.broadcast %jit3A : i32 to vector<16xi32>
      %select_n3A = arith.select %eq3A_57, %get3A_53, %broadcast_in_dim3A : vector<16xi1>, vector<16xi32>
      %reduce_sum3A = arith.constant true
      %reduce_sum3A_58 = vector.broadcast %reduce_sum3A : i1 to vector<16xi1>
      %reduce_sum3A_59 = tpu.scan <sum>, %select_n3A masked %reduce_sum3A_58 : vector<16xi32>, vector<16xi1> -> vector<16xi32>
      %reduce_sum3A_60 = vector.extract %reduce_sum3A_59[15] : i32 from vector<16xi32>
      %eq3A_61 = arith.constant 0 : i32
      %eq3A_62 = vector.broadcast %eq3A_61 : i32 to vector<16xi32>
      %eq3A_63 = arith.cmpi eq, %iota3A, %eq3A_62 : vector<16xi32>
      %jit3A_64 = arith.constant 0 : i32
      %broadcast_in_dim3A_65 = vector.broadcast %jit3A_64 : i32 to vector<16xi32>
      %select_n3A_66 = arith.select %eq3A_63, %get3A_55, %broadcast_in_dim3A_65 : vector<16xi1>, vector<16xi32>
      %reduce_sum3A_67 = arith.constant true
      %reduce_sum3A_68 = vector.broadcast %reduce_sum3A_67 : i1 to vector<16xi1>
      %reduce_sum3A_69 = tpu.scan <sum>, %select_n3A_66 masked %reduce_sum3A_68 : vector<16xi32>, vector<16xi1> -> vector<16xi32>
      %reduce_sum3A_70 = vector.extract %reduce_sum3A_69[15] : i32 from vector<16xi32>
      %mul3A_71 = arith.constant 16 : i32
      %mul3A_72 = arith.muli %scan3A_47, %mul3A_71 : i32
      %add3A_73 = arith.constant 0 : i32
      %add3A_74 = arith.addi %mul3A_72, %add3A_73 : i32
      %dma_start3A = arith.constant 0 : i32
      %dma_start3A_75 = tpu.memref_slice %arg10[%add3A_74, %dma_start3A] : memref<256x50xf32, #tpu.memory_space<vmem>> -> memref<1x50xf32, #tpu.memory_space<vmem>>
      %dma_start3A_76 = arith.constant 0 : i32
      %dma_start3A_77 = tpu.memref_slice %arg4[%reduce_sum3A_60, %dma_start3A_76] : memref<1000000x50xf32, #tpu.memory_space<hbm>> -> memref<1x50xf32, #tpu.memory_space<hbm>>
      %dma_start3A_78 = arith.constant 0 : i32
      %dma_start3A_79 = tpu.memref_slice %arg10[%add3A_74, %dma_start3A_78] : memref<256x50xf32, #tpu.memory_space<vmem>> -> memref<1x50xf32, #tpu.memory_space<vmem>>
      %dma_start3A_80 = arith.constant 0 : i32
      %dma_start3A_81 = tpu.memref_slice %arg4[%reduce_sum3A_60, %dma_start3A_80] : memref<1000000x50xf32, #tpu.memory_space<hbm>> -> memref<1x50xf32, #tpu.memory_space<hbm>>
      tpu.enqueue_dma source(%dma_start3A_81 : memref<1x50xf32, #tpu.memory_space<hbm>>) target(%dma_start3A_79 : memref<1x50xf32, #tpu.memory_space<vmem>>) target_semaphore(%arg12 : memref<!tpu.dma_semaphore, #tpu.memory_space<semaphore_mem>>)
      %dma_start3A_82 = arith.constant 0 : i32
      %dma_start3A_83 = tpu.memref_slice %arg11[%add3A_74, %dma_start3A_82] : memref<256x50xf32, #tpu.memory_space<vmem>> -> memref<1x50xf32, #tpu.memory_space<vmem>>
      %dma_start3A_84 = arith.constant 0 : i32
      %dma_start3A_85 = tpu.memref_slice %arg5[%reduce_sum3A_70, %dma_start3A_84] : memref<1000000x50xf32, #tpu.memory_space<hbm>> -> memref<1x50xf32, #tpu.memory_space<hbm>>
      %dma_start3A_86 = arith.constant 0 : i32
      %dma_start3A_87 = tpu.memref_slice %arg11[%add3A_74, %dma_start3A_86] : memref<256x50xf32, #tpu.memory_space<vmem>> -> memref<1x50xf32, #tpu.memory_space<vmem>>
      %dma_start3A_88 = arith.constant 0 : i32
      %dma_start3A_89 = tpu.memref_slice %arg5[%reduce_sum3A_70, %dma_start3A_88] : memref<1000000x50xf32, #tpu.memory_space<hbm>> -> memref<1x50xf32, #tpu.memory_space<hbm>>
      tpu.enqueue_dma source(%dma_start3A_89 : memref<1x50xf32, #tpu.memory_space<hbm>>) target(%dma_start3A_87 : memref<1x50xf32, #tpu.memory_space<vmem>>) target_semaphore(%arg12 : memref<!tpu.dma_semaphore, #tpu.memory_space<semaphore_mem>>)
      %eq3A_90 = arith.constant 1 : i32
      %eq3A_91 = vector.broadcast %eq3A_90 : i32 to vector<16xi32>
      %eq3A_92 = arith.cmpi eq, %iota3A, %eq3A_91 : vector<16xi32>
      %jit3A_93 = arith.constant 0 : i32
      %broadcast_in_dim3A_94 = vector.broadcast %jit3A_93 : i32 to vector<16xi32>
      %select_n3A_95 = arith.select %eq3A_92, %get3A_53, %broadcast_in_dim3A_94 : vector<16xi1>, vector<16xi32>
      %reduce_sum3A_96 = arith.constant true
      %reduce_sum3A_97 = vector.broadcast %reduce_sum3A_96 : i1 to vector<16xi1>
      %reduce_sum3A_98 = tpu.scan <sum>, %select_n3A_95 masked %reduce_sum3A_97 : vector<16xi32>, vector<16xi1> -> vector<16xi32>
      %reduce_sum3A_99 = vector.extract %reduce_sum3A_98[15] : i32 from vector<16xi32>
      %eq3A_100 = arith.constant 1 : i32
      %eq3A_101 = vector.broadcast %eq3A_100 : i32 to vector<16xi32>
      %eq3A_102 = arith.cmpi eq, %iota3A, %eq3A_101 : vector<16xi32>
      %jit3A_103 = arith.constant 0 : i32
      %broadcast_in_dim3A_104 = vector.broadcast %jit3A_103 : i32 to vector<16xi32>
      %select_n3A_105 = arith.select %eq3A_102, %get3A_55, %broadcast_in_dim3A_104 : vector<16xi1>, vector<16xi32>
      %reduce_sum3A_106 = arith.constant true
      %reduce_sum3A_107 = vector.broadcast %reduce_sum3A_106 : i1 to vector<16xi1>
      %reduce_sum3A_108 = tpu.scan <sum>, %select_n3A_105 masked %reduce_sum3A_107 : vector<16xi32>, vector<16xi1> -> vector<16xi32>
      %reduce_sum3A_109 = vector.extract %reduce_sum3A_108[15] : i32 from vector<16xi32>
      %mul3A_110 = arith.constant 16 : i32
      %mul3A_111 = arith.muli %scan3A_47, %mul3A_110 : i32
      %add3A_112 = arith.constant 1 : i32
      %add3A_113 = arith.addi %mul3A_111, %add3A_112 : i32
      %dma_start3A_114 = arith.constant 0 : i32
      %dma_start3A_115 = tpu.memref_slice %arg10[%add3A_113, %dma_start3A_114] : memref<256x50xf32, #tpu.memory_space<vmem>> -> memref<1x50xf32, #tpu.memory_space<vmem>>
      %dma_start3A_116 = arith.constant 0 : i32
      %dma_start3A_117 = tpu.memref_slice %arg4[%reduce_sum3A_99, %dma_start3A_116] : memref<1000000x50xf32, #tpu.memory_space<hbm>> -> memref<1x50xf32, #tpu.memory_space<hbm>>
      %dma_start3A_118 = arith.constant 0 : i32
      %dma_start3A_119 = tpu.memref_slice %arg10[%add3A_113, %dma_start3A_118] : memref<256x50xf32, #tpu.memory_space<vmem>> -> memref<1x50xf32, #tpu.memory_space<vmem>>
      %dma_start3A_120 = arith.constant 0 : i32
      %dma_start3A_121 = tpu.memref_slice %arg4[%reduce_sum3A_99, %dma_start3A_120] : memref<1000000x50xf32, #tpu.memory_space<hbm>> -> memref<1x50xf32, #tpu.memory_space<hbm>>
      tpu.enqueue_dma source(%dma_start3A_121 : memref<1x50xf32, #tpu.memory_space<hbm>>) target(%dma_start3A_119 : memref<1x50xf32, #tpu.memory_space<vmem>>) target_semaphore(%arg12 : memref<!tpu.dma_semaphore, #tpu.memory_space<semaphore_mem>>)
      %dma_start3A_122 = arith.constant 0 : i32
      %dma_start3A_123 = tpu.memref_slice %arg11[%add3A_113, %dma_start3A_122] : memref<256x50xf32, #tpu.memory_space<vmem>> -> memref<1x50xf32, #tpu.memory_space<vmem>>
      %dma_start3A_124 = arith.constant 0 : i32
      %dma_start3A_125 = tpu.memref_slice %arg5[%reduce_sum3A_109, %dma_start3A_124] : memref<1000000x50xf32, #tpu.memory_space<hbm>> -> memref<1x50xf32, #tpu.memory_space<hbm>>
      %dma_start3A_126 = arith.constant 0 : i32
      %dma_start3A_127 = tpu.memref_slice %arg11[%add3A_113, %dma_start3A_126] : memref<256x50xf32, #tpu.memory_space<vmem>> -> memref<1x50xf32, #tpu.memory_space<vmem>>
      %dma_start3A_128 = arith.constant 0 : i32
      %dma_start3A_129 = tpu.memref_slice %arg5[%reduce_sum3A_109, %dma_start3A_128] : memref<1000000x50xf32, #tpu.memory_space<hbm>> -> memref<1x50xf32, #tpu.memory_space<hbm>>
      tpu.enqueue_dma source(%dma_start3A_129 : memref<1x50xf32, #tpu.memory_space<hbm>>) target(%dma_start3A_127 : memref<1x50xf32, #tpu.memory_space<vmem>>) target_semaphore(%arg12 : memref<!tpu.dma_semaphore, #tpu.memory_space<semaphore_mem>>)
      %eq3A_130 = arith.constant 2 : i32
      %eq3A_131 = vector.broadcast %eq3A_130 : i32 to vector<16xi32>
      %eq3A_132 = arith.cmpi eq, %iota3A, %eq3A_131 : vector<16xi32>
      %jit3A_133 = arith.constant 0 : i32
      %broadcast_in_dim3A_134 = vector.broadcast %jit3A_133 : i32 to vector<16xi32>
      %select_n3A_135 = arith.select %eq3A_132, %get3A_53, %broadcast_in_dim3A_134 : vector<16xi1>, vector<16xi32>
      %reduce_sum3A_136 = arith.constant true
      %reduce_sum3A_137 = vector.broadcast %reduce_sum3A_136 : i1 to vector<16xi1>
      %reduce_sum3A_138 = tpu.scan <sum>, %select_n3A_135 masked %reduce_sum3A_137 : vector<16xi32>, vector<16xi1> -> vector<16xi32>
      %reduce_sum3A_139 = vector.extract %reduce_sum3A_138[15] : i32 from vector<16xi32>
      %eq3A_140 = arith.constant 2 : i32
      %eq3A_141 = vector.broadcast %eq3A_140 : i32 to vector<16xi32>
      %eq3A_142 = arith.cmpi eq, %iota3A, %eq3A_141 : vector<16xi32>
      %jit3A_143 = arith.constant 0 : i32
      %broadcast_in_dim3A_144 = vector.broadcast %jit3A_143 : i32 to vector<16xi32>
      %select_n3A_145 = arith.select %eq3A_142, %get3A_55, %broadcast_in_dim3A_144 : vector<16xi1>, vector<16xi32>
      %reduce_sum3A_146 = arith.constant true
      %reduce_sum3A_147 = vector.broadcast %reduce_sum3A_146 : i1 to vector<16xi1>
      %reduce_sum3A_148 = tpu.scan <sum>, %select_n3A_145 masked %reduce_sum3A_147 : vector<16xi32>, vector<16xi1> -> vector<16xi32>
      %reduce_sum3A_149 = vector.extract %reduce_sum3A_148[15] : i32 from vector<16xi32>
      %mul3A_150 = arith.constant 16 : i32
      %mul3A_151 = arith.muli %scan3A_47, %mul3A_150 : i32
      %add3A_152 = arith.constant 2 : i32
      %add3A_153 = arith.addi %mul3A_151, %add3A_152 : i32
      %dma_start3A_154 = arith.constant 0 : i32
      %dma_start3A_155 = tpu.memref_slice %arg10[%add3A_153, %dma_start3A_154] : memref<256x50xf32, #tpu.memory_space<vmem>> -> memref<1x50xf32, #tpu.memory_space<vmem>>
      %dma_start3A_156 = arith.constant 0 : i32
      %dma_start3A_157 = tpu.memref_slice %arg4[%reduce_sum3A_139, %dma_start3A_156] : memref<1000000x50xf32, #tpu.memory_space<hbm>> -> memref<1x50xf32, #tpu.memory_space<hbm>>
      %dma_start3A_158 = arith.constant 0 : i32
      %dma_start3A_159 = tpu.memref_slice %arg10[%add3A_153, %dma_start3A_158] : memref<256x50xf32, #tpu.memory_space<vmem>> -> memref<1x50xf32, #tpu.memory_space<vmem>>
      %dma_start3A_160 = arith.constant 0 : i32
      %dma_start3A_161 = tpu.memref_slice %arg4[%reduce_sum3A_139, %dma_start3A_160] : memref<1000000x50xf32, #tpu.memory_space<hbm>> -> memref<1x50xf32, #tpu.memory_space<hbm>>
      tpu.enqueue_dma source(%dma_start3A_161 : memref<1x50xf32, #tpu.memory_space<hbm>>) target(%dma_start3A_159 : memref<1x50xf32, #tpu.memory_space<vmem>>) target_semaphore(%arg12 : memref<!tpu.dma_semaphore, #tpu.memory_space<semaphore_mem>>)
      %dma_start3A_162 = arith.constant 0 : i32
      %dma_start3A_163 = tpu.memref_slice %arg11[%add3A_153, %dma_start3A_162] : memref<256x50xf32, #tpu.memory_space<vmem>> -> memref<1x50xf32, #tpu.memory_space<vmem>>
      %dma_start3A_164 = arith.constant 0 : i32
      %dma_start3A_165 = tpu.memref_slice %arg5[%reduce_sum3A_149, %dma_start3A_164] : memref<1000000x50xf32, #tpu.memory_space<hbm>> -> memref<1x50xf32, #tpu.memory_space<hbm>>
      %dma_start3A_166 = arith.constant 0 : i32
      %dma_start3A_167 = tpu.memref_slice %arg11[%add3A_153, %dma_start3A_166] : memref<256x50xf32, #tpu.memory_space<vmem>> -> memref<1x50xf32, #tpu.memory_space<vmem>>
      %dma_start3A_168 = arith.constant 0 : i32
      %dma_start3A_169 = tpu.memref_slice %arg5[%reduce_sum3A_149, %dma_start3A_168] : memref<1000000x50xf32, #tpu.memory_space<hbm>> -> memref<1x50xf32, #tpu.memory_space<hbm>>
      tpu.enqueue_dma source(%dma_start3A_169 : memref<1x50xf32, #tpu.memory_space<hbm>>) target(%dma_start3A_167 : memref<1x50xf32, #tpu.memory_space<vmem>>) target_semaphore(%arg12 : memref<!tpu.dma_semaphore, #tpu.memory_space<semaphore_mem>>)
      %eq3A_170 = arith.constant 3 : i32
      %eq3A_171 = vector.broadcast %eq3A_170 : i32 to vector<16xi32>
      %eq3A_172 = arith.cmpi eq, %iota3A, %eq3A_171 : vector<16xi32>
      %jit3A_173 = arith.constant 0 : i32
      %broadcast_in_dim3A_174 = vector.broadcast %jit3A_173 : i32 to vector<16xi32>
      %select_n3A_175 = arith.select %eq3A_172, %get3A_53, %broadcast_in_dim3A_174 : vector<16xi1>, vector<16xi32>
      %reduce_sum3A_176 = arith.constant true
      %reduce_sum3A_177 = vector.broadcast %reduce_sum3A_176 : i1 to vector<16xi1>
      %reduce_sum3A_178 = tpu.scan <sum>, %select_n3A_175 masked %reduce_sum3A_177 : vector<16xi32>, vector<16xi1> -> vector<16xi32>
      %reduce_sum3A_179 = vector.extract %reduce_sum3A_178[15] : i32 from vector<16xi32>
      %eq3A_180 = arith.constant 3 : i32
      %eq3A_181 = vector.broadcast %eq3A_180 : i32 to vector<16xi32>
      %eq3A_182 = arith.cmpi eq, %iota3A, %eq3A_181 : vector<16xi32>
      %jit3A_183 = arith.constant 0 : i32
      %broadcast_in_dim3A_184 = vector.broadcast %jit3A_183 : i32 to vector<16xi32>
      %select_n3A_185 = arith.select %eq3A_182, %get3A_55, %broadcast_in_dim3A_184 : vector<16xi1>, vector<16xi32>
      %reduce_sum3A_186 = arith.constant true
      %reduce_sum3A_187 = vector.broadcast %reduce_sum3A_186 : i1 to vector<16xi1>
      %reduce_sum3A_188 = tpu.scan <sum>, %select_n3A_185 masked %reduce_sum3A_187 : vector<16xi32>, vector<16xi1> -> vector<16xi32>
      %reduce_sum3A_189 = vector.extract %reduce_sum3A_188[15] : i32 from vector<16xi32>
      %mul3A_190 = arith.constant 16 : i32
      %mul3A_191 = arith.muli %scan3A_47, %mul3A_190 : i32
      %add3A_192 = arith.constant 3 : i32
      %add3A_193 = arith.addi %mul3A_191, %add3A_192 : i32
      %dma_start3A_194 = arith.constant 0 : i32
      %dma_start3A_195 = tpu.memref_slice %arg10[%add3A_193, %dma_start3A_194] : memref<256x50xf32, #tpu.memory_space<vmem>> -> memref<1x50xf32, #tpu.memory_space<vmem>>
      %dma_start3A_196 = arith.constant 0 : i32
      %dma_start3A_197 = tpu.memref_slice %arg4[%reduce_sum3A_179, %dma_start3A_196] : memref<1000000x50xf32, #tpu.memory_space<hbm>> -> memref<1x50xf32, #tpu.memory_space<hbm>>
      %dma_start3A_198 = arith.constant 0 : i32
      %dma_start3A_199 = tpu.memref_slice %arg10[%add3A_193, %dma_start3A_198] : memref<256x50xf32, #tpu.memory_space<vmem>> -> memref<1x50xf32, #tpu.memory_space<vmem>>
      %dma_start3A_200 = arith.constant 0 : i32
      %dma_start3A_201 = tpu.memref_slice %arg4[%reduce_sum3A_179, %dma_start3A_200] : memref<1000000x50xf32, #tpu.memory_space<hbm>> -> memref<1x50xf32, #tpu.memory_space<hbm>>
      tpu.enqueue_dma source(%dma_start3A_201 : memref<1x50xf32, #tpu.memory_space<hbm>>) target(%dma_start3A_199 : memref<1x50xf32, #tpu.memory_space<vmem>>) target_semaphore(%arg12 : memref<!tpu.dma_semaphore, #tpu.memory_space<semaphore_mem>>)
      %dma_start3A_202 = arith.constant 0 : i32
      %dma_start3A_203 = tpu.memref_slice %arg11[%add3A_193, %dma_start3A_202] : memref<256x50xf32, #tpu.memory_space<vmem>> -> memref<1x50xf32, #tpu.memory_space<vmem>>
      %dma_start3A_204 = arith.constant 0 : i32
      %dma_start3A_205 = tpu.memref_slice %arg5[%reduce_sum3A_189, %dma_start3A_204] : memref<1000000x50xf32, #tpu.memory_space<hbm>> -> memref<1x50xf32, #tpu.memory_space<hbm>>
      %dma_start3A_206 = arith.constant 0 : i32
      %dma_start3A_207 = tpu.memref_slice %arg11[%add3A_193, %dma_start3A_206] : memref<256x50xf32, #tpu.memory_space<vmem>> -> memref<1x50xf32, #tpu.memory_space<vmem>>
      %dma_start3A_208 = arith.constant 0 : i32
      %dma_start3A_209 = tpu.memref_slice %arg5[%reduce_sum3A_189, %dma_start3A_208] : memref<1000000x50xf32, #tpu.memory_space<hbm>> -> memref<1x50xf32, #tpu.memory_space<hbm>>
      tpu.enqueue_dma source(%dma_start3A_209 : memref<1x50xf32, #tpu.memory_space<hbm>>) target(%dma_start3A_207 : memref<1x50xf32, #tpu.memory_space<vmem>>) target_semaphore(%arg12 : memref<!tpu.dma_semaphore, #tpu.memory_space<semaphore_mem>>)
      %eq3A_210 = arith.constant 4 : i32
      %eq3A_211 = vector.broadcast %eq3A_210 : i32 to vector<16xi32>
      %eq3A_212 = arith.cmpi eq, %iota3A, %eq3A_211 : vector<16xi32>
      %jit3A_213 = arith.constant 0 : i32
      %broadcast_in_dim3A_214 = vector.broadcast %jit3A_213 : i32 to vector<16xi32>
      %select_n3A_215 = arith.select %eq3A_212, %get3A_53, %broadcast_in_dim3A_214 : vector<16xi1>, vector<16xi32>
      %reduce_sum3A_216 = arith.constant true
      %reduce_sum3A_217 = vector.broadcast %reduce_sum3A_216 : i1 to vector<16xi1>
      %reduce_sum3A_218 = tpu.scan <sum>, %select_n3A_215 masked %reduce_sum3A_217 : vector<16xi32>, vector<16xi1> -> vector<16xi32>
      %reduce_sum3A_219 = vector.extract %reduce_sum3A_218[15] : i32 from vector<16xi32>
      %eq3A_220 = arith.constant 4 : i32
      %eq3A_221 = vector.broadcast %eq3A_220 : i32 to vector<16xi32>
      %eq3A_222 = arith.cmpi eq, %iota3A, %eq3A_221 : vector<16xi32>
      %jit3A_223 = arith.constant 0 : i32
      %broadcast_in_dim3A_224 = vector.broadcast %jit3A_223 : i32 to vector<16xi32>
      %select_n3A_225 = arith.select %eq3A_222, %get3A_55, %broadcast_in_dim3A_224 : vector<16xi1>, vector<16xi32>
      %reduce_sum3A_226 = arith.constant true
      %reduce_sum3A_227 = vector.broadcast %reduce_sum3A_226 : i1 to vector<16xi1>
      %reduce_sum3A_228 = tpu.scan <sum>, %select_n3A_225 masked %reduce_sum3A_227 : vector<16xi32>, vector<16xi1> -> vector<16xi32>
      %reduce_sum3A_229 = vector.extract %reduce_sum3A_228[15] : i32 from vector<16xi32>
      %mul3A_230 = arith.constant 16 : i32
      %mul3A_231 = arith.muli %scan3A_47, %mul3A_230 : i32
      %add3A_232 = arith.constant 4 : i32
      %add3A_233 = arith.addi %mul3A_231, %add3A_232 : i32
      %dma_start3A_234 = arith.constant 0 : i32
      %dma_start3A_235 = tpu.memref_slice %arg10[%add3A_233, %dma_start3A_234] : memref<256x50xf32, #tpu.memory_space<vmem>> -> memref<1x50xf32, #tpu.memory_space<vmem>>
      %dma_start3A_236 = arith.constant 0 : i32
      %dma_start3A_237 = tpu.memref_slice %arg4[%reduce_sum3A_219, %dma_start3A_236] : memref<1000000x50xf32, #tpu.memory_space<hbm>> -> memref<1x50xf32, #tpu.memory_space<hbm>>
      %dma_start3A_238 = arith.constant 0 : i32
      %dma_start3A_239 = tpu.memref_slice %arg10[%add3A_233, %dma_start3A_238] : memref<256x50xf32, #tpu.memory_space<vmem>> -> memref<1x50xf32, #tpu.memory_space<vmem>>
      %dma_start3A_240 = arith.constant 0 : i32
      %dma_start3A_241 = tpu.memref_slice %arg4[%reduce_sum3A_219, %dma_start3A_240] : memref<1000000x50xf32, #tpu.memory_space<hbm>> -> memref<1x50xf32, #tpu.memory_space<hbm>>
      tpu.enqueue_dma source(%dma_start3A_241 : memref<1x50xf32, #tpu.memory_space<hbm>>) target(%dma_start3A_239 : memref<1x50xf32, #tpu.memory_space<vmem>>) target_semaphore(%arg12 : memref<!tpu.dma_semaphore, #tpu.memory_space<semaphore_mem>>)
      %dma_start3A_242 = arith.constant 0 : i32
      %dma_start3A_243 = tpu.memref_slice %arg11[%add3A_233, %dma_start3A_242] : memref<256x50xf32, #tpu.memory_space<vmem>> -> memref<1x50xf32, #tpu.memory_space<vmem>>
      %dma_start3A_244 = arith.constant 0 : i32
      %dma_start3A_245 = tpu.memref_slice %arg5[%reduce_sum3A_229, %dma_start3A_244] : memref<1000000x50xf32, #tpu.memory_space<hbm>> -> memref<1x50xf32, #tpu.memory_space<hbm>>
      %dma_start3A_246 = arith.constant 0 : i32
      %dma_start3A_247 = tpu.memref_slice %arg11[%add3A_233, %dma_start3A_246] : memref<256x50xf32, #tpu.memory_space<vmem>> -> memref<1x50xf32, #tpu.memory_space<vmem>>
      %dma_start3A_248 = arith.constant 0 : i32
      %dma_start3A_249 = tpu.memref_slice %arg5[%reduce_sum3A_229, %dma_start3A_248] : memref<1000000x50xf32, #tpu.memory_space<hbm>> -> memref<1x50xf32, #tpu.memory_space<hbm>>
      tpu.enqueue_dma source(%dma_start3A_249 : memref<1x50xf32, #tpu.memory_space<hbm>>) target(%dma_start3A_247 : memref<1x50xf32, #tpu.memory_space<vmem>>) target_semaphore(%arg12 : memref<!tpu.dma_semaphore, #tpu.memory_space<semaphore_mem>>)
      %eq3A_250 = arith.constant 5 : i32
      %eq3A_251 = vector.broadcast %eq3A_250 : i32 to vector<16xi32>
      %eq3A_252 = arith.cmpi eq, %iota3A, %eq3A_251 : vector<16xi32>
      %jit3A_253 = arith.constant 0 : i32
      %broadcast_in_dim3A_254 = vector.broadcast %jit3A_253 : i32 to vector<16xi32>
      %select_n3A_255 = arith.select %eq3A_252, %get3A_53, %broadcast_in_dim3A_254 : vector<16xi1>, vector<16xi32>
      %reduce_sum3A_256 = arith.constant true
      %reduce_sum3A_257 = vector.broadcast %reduce_sum3A_256 : i1 to vector<16xi1>
      %reduce_sum3A_258 = tpu.scan <sum>, %select_n3A_255 masked %reduce_sum3A_257 : vector<16xi32>, vector<16xi1> -> vector<16xi32>
      %reduce_sum3A_259 = vector.extract %reduce_sum3A_258[15] : i32 from vector<16xi32>
      %eq3A_260 = arith.constant 5 : i32
      %eq3A_261 = vector.broadcast %eq3A_260 : i32 to vector<16xi32>
      %eq3A_262 = arith.cmpi eq, %iota3A, %eq3A_261 : vector<16xi32>
      %jit3A_263 = arith.constant 0 : i32
      %broadcast_in_dim3A_264 = vector.broadcast %jit3A_263 : i32 to vector<16xi32>
      %select_n3A_265 = arith.select %eq3A_262, %get3A_55, %broadcast_in_dim3A_264 : vector<16xi1>, vector<16xi32>
      %reduce_sum3A_266 = arith.constant true
      %reduce_sum3A_267 = vector.broadcast %reduce_sum3A_266 : i1 to vector<16xi1>
      %reduce_sum3A_268 = tpu.scan <sum>, %select_n3A_265 masked %reduce_sum3A_267 : vector<16xi32>, vector<16xi1> -> vector<16xi32>
      %reduce_sum3A_269 = vector.extract %reduce_sum3A_268[15] : i32 from vector<16xi32>
      %mul3A_270 = arith.constant 16 : i32
      %mul3A_271 = arith.muli %scan3A_47, %mul3A_270 : i32
      %add3A_272 = arith.constant 5 : i32
      %add3A_273 = arith.addi %mul3A_271, %add3A_272 : i32
      %dma_start3A_274 = arith.constant 0 : i32
      %dma_start3A_275 = tpu.memref_slice %arg10[%add3A_273, %dma_start3A_274] : memref<256x50xf32, #tpu.memory_space<vmem>> -> memref<1x50xf32, #tpu.memory_space<vmem>>
      %dma_start3A_276 = arith.constant 0 : i32
      %dma_start3A_277 = tpu.memref_slice %arg4[%reduce_sum3A_259, %dma_start3A_276] : memref<1000000x50xf32, #tpu.memory_space<hbm>> -> memref<1x50xf32, #tpu.memory_space<hbm>>
      %dma_start3A_278 = arith.constant 0 : i32
      %dma_start3A_279 = tpu.memref_slice %arg10[%add3A_273, %dma_start3A_278] : memref<256x50xf32, #tpu.memory_space<vmem>> -> memref<1x50xf32, #tpu.memory_space<vmem>>
      %dma_start3A_280 = arith.constant 0 : i32
      %dma_start3A_281 = tpu.memref_slice %arg4[%reduce_sum3A_259, %dma_start3A_280] : memref<1000000x50xf32, #tpu.memory_space<hbm>> -> memref<1x50xf32, #tpu.memory_space<hbm>>
      tpu.enqueue_dma source(%dma_start3A_281 : memref<1x50xf32, #tpu.memory_space<hbm>>) target(%dma_start3A_279 : memref<1x50xf32, #tpu.memory_space<vmem>>) target_semaphore(%arg12 : memref<!tpu.dma_semaphore, #tpu.memory_space<semaphore_mem>>)
      %dma_start3A_282 = arith.constant 0 : i32
      %dma_start3A_283 = tpu.memref_slice %arg11[%add3A_273, %dma_start3A_282] : memref<256x50xf32, #tpu.memory_space<vmem>> -> memref<1x50xf32, #tpu.memory_space<vmem>>
      %dma_start3A_284 = arith.constant 0 : i32
      %dma_start3A_285 = tpu.memref_slice %arg5[%reduce_sum3A_269, %dma_start3A_284] : memref<1000000x50xf32, #tpu.memory_space<hbm>> -> memref<1x50xf32, #tpu.memory_space<hbm>>
      %dma_start3A_286 = arith.constant 0 : i32
      %dma_start3A_287 = tpu.memref_slice %arg11[%add3A_273, %dma_start3A_286] : memref<256x50xf32, #tpu.memory_space<vmem>> -> memref<1x50xf32, #tpu.memory_space<vmem>>
      %dma_start3A_288 = arith.constant 0 : i32
      %dma_start3A_289 = tpu.memref_slice %arg5[%reduce_sum3A_269, %dma_start3A_288] : memref<1000000x50xf32, #tpu.memory_space<hbm>> -> memref<1x50xf32, #tpu.memory_space<hbm>>
      tpu.enqueue_dma source(%dma_start3A_289 : memref<1x50xf32, #tpu.memory_space<hbm>>) target(%dma_start3A_287 : memref<1x50xf32, #tpu.memory_space<vmem>>) target_semaphore(%arg12 : memref<!tpu.dma_semaphore, #tpu.memory_space<semaphore_mem>>)
      %eq3A_290 = arith.constant 6 : i32
      %eq3A_291 = vector.broadcast %eq3A_290 : i32 to vector<16xi32>
      %eq3A_292 = arith.cmpi eq, %iota3A, %eq3A_291 : vector<16xi32>
      %jit3A_293 = arith.constant 0 : i32
      %broadcast_in_dim3A_294 = vector.broadcast %jit3A_293 : i32 to vector<16xi32>
      %select_n3A_295 = arith.select %eq3A_292, %get3A_53, %broadcast_in_dim3A_294 : vector<16xi1>, vector<16xi32>
      %reduce_sum3A_296 = arith.constant true
      %reduce_sum3A_297 = vector.broadcast %reduce_sum3A_296 : i1 to vector<16xi1>
      %reduce_sum3A_298 = tpu.scan <sum>, %select_n3A_295 masked %reduce_sum3A_297 : vector<16xi32>, vector<16xi1> -> vector<16xi32>
      %reduce_sum3A_299 = vector.extract %reduce_sum3A_298[15] : i32 from vector<16xi32>
      %eq3A_300 = arith.constant 6 : i32
      %eq3A_301 = vector.broadcast %eq3A_300 : i32 to vector<16xi32>
      %eq3A_302 = arith.cmpi eq, %iota3A, %eq3A_301 : vector<16xi32>
      %jit3A_303 = arith.constant 0 : i32
      %broadcast_in_dim3A_304 = vector.broadcast %jit3A_303 : i32 to vector<16xi32>
      %select_n3A_305 = arith.select %eq3A_302, %get3A_55, %broadcast_in_dim3A_304 : vector<16xi1>, vector<16xi32>
      %reduce_sum3A_306 = arith.constant true
      %reduce_sum3A_307 = vector.broadcast %reduce_sum3A_306 : i1 to vector<16xi1>
      %reduce_sum3A_308 = tpu.scan <sum>, %select_n3A_305 masked %reduce_sum3A_307 : vector<16xi32>, vector<16xi1> -> vector<16xi32>
      %reduce_sum3A_309 = vector.extract %reduce_sum3A_308[15] : i32 from vector<16xi32>
      %mul3A_310 = arith.constant 16 : i32
      %mul3A_311 = arith.muli %scan3A_47, %mul3A_310 : i32
      %add3A_312 = arith.constant 6 : i32
      %add3A_313 = arith.addi %mul3A_311, %add3A_312 : i32
      %dma_start3A_314 = arith.constant 0 : i32
      %dma_start3A_315 = tpu.memref_slice %arg10[%add3A_313, %dma_start3A_314] : memref<256x50xf32, #tpu.memory_space<vmem>> -> memref<1x50xf32, #tpu.memory_space<vmem>>
      %dma_start3A_316 = arith.constant 0 : i32
      %dma_start3A_317 = tpu.memref_slice %arg4[%reduce_sum3A_299, %dma_start3A_316] : memref<1000000x50xf32, #tpu.memory_space<hbm>> -> memref<1x50xf32, #tpu.memory_space<hbm>>
      %dma_start3A_318 = arith.constant 0 : i32
      %dma_start3A_319 = tpu.memref_slice %arg10[%add3A_313, %dma_start3A_318] : memref<256x50xf32, #tpu.memory_space<vmem>> -> memref<1x50xf32, #tpu.memory_space<vmem>>
      %dma_start3A_320 = arith.constant 0 : i32
      %dma_start3A_321 = tpu.memref_slice %arg4[%reduce_sum3A_299, %dma_start3A_320] : memref<1000000x50xf32, #tpu.memory_space<hbm>> -> memref<1x50xf32, #tpu.memory_space<hbm>>
      tpu.enqueue_dma source(%dma_start3A_321 : memref<1x50xf32, #tpu.memory_space<hbm>>) target(%dma_start3A_319 : memref<1x50xf32, #tpu.memory_space<vmem>>) target_semaphore(%arg12 : memref<!tpu.dma_semaphore, #tpu.memory_space<semaphore_mem>>)
      %dma_start3A_322 = arith.constant 0 : i32
      %dma_start3A_323 = tpu.memref_slice %arg11[%add3A_313, %dma_start3A_322] : memref<256x50xf32, #tpu.memory_space<vmem>> -> memref<1x50xf32, #tpu.memory_space<vmem>>
      %dma_start3A_324 = arith.constant 0 : i32
      %dma_start3A_325 = tpu.memref_slice %arg5[%reduce_sum3A_309, %dma_start3A_324] : memref<1000000x50xf32, #tpu.memory_space<hbm>> -> memref<1x50xf32, #tpu.memory_space<hbm>>
      %dma_start3A_326 = arith.constant 0 : i32
      %dma_start3A_327 = tpu.memref_slice %arg11[%add3A_313, %dma_start3A_326] : memref<256x50xf32, #tpu.memory_space<vmem>> -> memref<1x50xf32, #tpu.memory_space<vmem>>
      %dma_start3A_328 = arith.constant 0 : i32
      %dma_start3A_329 = tpu.memref_slice %arg5[%reduce_sum3A_309, %dma_start3A_328] : memref<1000000x50xf32, #tpu.memory_space<hbm>> -> memref<1x50xf32, #tpu.memory_space<hbm>>
      tpu.enqueue_dma source(%dma_start3A_329 : memref<1x50xf32, #tpu.memory_space<hbm>>) target(%dma_start3A_327 : memref<1x50xf32, #tpu.memory_space<vmem>>) target_semaphore(%arg12 : memref<!tpu.dma_semaphore, #tpu.memory_space<semaphore_mem>>)
      %eq3A_330 = arith.constant 7 : i32
      %eq3A_331 = vector.broadcast %eq3A_330 : i32 to vector<16xi32>
      %eq3A_332 = arith.cmpi eq, %iota3A, %eq3A_331 : vector<16xi32>
      %jit3A_333 = arith.constant 0 : i32
      %broadcast_in_dim3A_334 = vector.broadcast %jit3A_333 : i32 to vector<16xi32>
      %select_n3A_335 = arith.select %eq3A_332, %get3A_53, %broadcast_in_dim3A_334 : vector<16xi1>, vector<16xi32>
      %reduce_sum3A_336 = arith.constant true
      %reduce_sum3A_337 = vector.broadcast %reduce_sum3A_336 : i1 to vector<16xi1>
      %reduce_sum3A_338 = tpu.scan <sum>, %select_n3A_335 masked %reduce_sum3A_337 : vector<16xi32>, vector<16xi1> -> vector<16xi32>
      %reduce_sum3A_339 = vector.extract %reduce_sum3A_338[15] : i32 from vector<16xi32>
      %eq3A_340 = arith.constant 7 : i32
      %eq3A_341 = vector.broadcast %eq3A_340 : i32 to vector<16xi32>
      %eq3A_342 = arith.cmpi eq, %iota3A, %eq3A_341 : vector<16xi32>
      %jit3A_343 = arith.constant 0 : i32
      %broadcast_in_dim3A_344 = vector.broadcast %jit3A_343 : i32 to vector<16xi32>
      %select_n3A_345 = arith.select %eq3A_342, %get3A_55, %broadcast_in_dim3A_344 : vector<16xi1>, vector<16xi32>
      %reduce_sum3A_346 = arith.constant true
      %reduce_sum3A_347 = vector.broadcast %reduce_sum3A_346 : i1 to vector<16xi1>
      %reduce_sum3A_348 = tpu.scan <sum>, %select_n3A_345 masked %reduce_sum3A_347 : vector<16xi32>, vector<16xi1> -> vector<16xi32>
      %reduce_sum3A_349 = vector.extract %reduce_sum3A_348[15] : i32 from vector<16xi32>
      %mul3A_350 = arith.constant 16 : i32
      %mul3A_351 = arith.muli %scan3A_47, %mul3A_350 : i32
      %add3A_352 = arith.constant 7 : i32
      %add3A_353 = arith.addi %mul3A_351, %add3A_352 : i32
      %dma_start3A_354 = arith.constant 0 : i32
      %dma_start3A_355 = tpu.memref_slice %arg10[%add3A_353, %dma_start3A_354] : memref<256x50xf32, #tpu.memory_space<vmem>> -> memref<1x50xf32, #tpu.memory_space<vmem>>
      %dma_start3A_356 = arith.constant 0 : i32
      %dma_start3A_357 = tpu.memref_slice %arg4[%reduce_sum3A_339, %dma_start3A_356] : memref<1000000x50xf32, #tpu.memory_space<hbm>> -> memref<1x50xf32, #tpu.memory_space<hbm>>
      %dma_start3A_358 = arith.constant 0 : i32
      %dma_start3A_359 = tpu.memref_slice %arg10[%add3A_353, %dma_start3A_358] : memref<256x50xf32, #tpu.memory_space<vmem>> -> memref<1x50xf32, #tpu.memory_space<vmem>>
      %dma_start3A_360 = arith.constant 0 : i32
      %dma_start3A_361 = tpu.memref_slice %arg4[%reduce_sum3A_339, %dma_start3A_360] : memref<1000000x50xf32, #tpu.memory_space<hbm>> -> memref<1x50xf32, #tpu.memory_space<hbm>>
      tpu.enqueue_dma source(%dma_start3A_361 : memref<1x50xf32, #tpu.memory_space<hbm>>) target(%dma_start3A_359 : memref<1x50xf32, #tpu.memory_space<vmem>>) target_semaphore(%arg12 : memref<!tpu.dma_semaphore, #tpu.memory_space<semaphore_mem>>)
      %dma_start3A_362 = arith.constant 0 : i32
      %dma_start3A_363 = tpu.memref_slice %arg11[%add3A_353, %dma_start3A_362] : memref<256x50xf32, #tpu.memory_space<vmem>> -> memref<1x50xf32, #tpu.memory_space<vmem>>
      %dma_start3A_364 = arith.constant 0 : i32
      %dma_start3A_365 = tpu.memref_slice %arg5[%reduce_sum3A_349, %dma_start3A_364] : memref<1000000x50xf32, #tpu.memory_space<hbm>> -> memref<1x50xf32, #tpu.memory_space<hbm>>
      %dma_start3A_366 = arith.constant 0 : i32
      %dma_start3A_367 = tpu.memref_slice %arg11[%add3A_353, %dma_start3A_366] : memref<256x50xf32, #tpu.memory_space<vmem>> -> memref<1x50xf32, #tpu.memory_space<vmem>>
      %dma_start3A_368 = arith.constant 0 : i32
      %dma_start3A_369 = tpu.memref_slice %arg5[%reduce_sum3A_349, %dma_start3A_368] : memref<1000000x50xf32, #tpu.memory_space<hbm>> -> memref<1x50xf32, #tpu.memory_space<hbm>>
      tpu.enqueue_dma source(%dma_start3A_369 : memref<1x50xf32, #tpu.memory_space<hbm>>) target(%dma_start3A_367 : memref<1x50xf32, #tpu.memory_space<vmem>>) target_semaphore(%arg12 : memref<!tpu.dma_semaphore, #tpu.memory_space<semaphore_mem>>)
      %eq3A_370 = arith.constant 8 : i32
      %eq3A_371 = vector.broadcast %eq3A_370 : i32 to vector<16xi32>
      %eq3A_372 = arith.cmpi eq, %iota3A, %eq3A_371 : vector<16xi32>
      %jit3A_373 = arith.constant 0 : i32
      %broadcast_in_dim3A_374 = vector.broadcast %jit3A_373 : i32 to vector<16xi32>
      %select_n3A_375 = arith.select %eq3A_372, %get3A_53, %broadcast_in_dim3A_374 : vector<16xi1>, vector<16xi32>
      %reduce_sum3A_376 = arith.constant true
      %reduce_sum3A_377 = vector.broadcast %reduce_sum3A_376 : i1 to vector<16xi1>
      %reduce_sum3A_378 = tpu.scan <sum>, %select_n3A_375 masked %reduce_sum3A_377 : vector<16xi32>, vector<16xi1> -> vector<16xi32>
      %reduce_sum3A_379 = vector.extract %reduce_sum3A_378[15] : i32 from vector<16xi32>
      %eq3A_380 = arith.constant 8 : i32
      %eq3A_381 = vector.broadcast %eq3A_380 : i32 to vector<16xi32>
      %eq3A_382 = arith.cmpi eq, %iota3A, %eq3A_381 : vector<16xi32>
      %jit3A_383 = arith.constant 0 : i32
      %broadcast_in_dim3A_384 = vector.broadcast %jit3A_383 : i32 to vector<16xi32>
      %select_n3A_385 = arith.select %eq3A_382, %get3A_55, %broadcast_in_dim3A_384 : vector<16xi1>, vector<16xi32>
      %reduce_sum3A_386 = arith.constant true
      %reduce_sum3A_387 = vector.broadcast %reduce_sum3A_386 : i1 to vector<16xi1>
      %reduce_sum3A_388 = tpu.scan <sum>, %select_n3A_385 masked %reduce_sum3A_387 : vector<16xi32>, vector<16xi1> -> vector<16xi32>
      %reduce_sum3A_389 = vector.extract %reduce_sum3A_388[15] : i32 from vector<16xi32>
      %mul3A_390 = arith.constant 16 : i32
      %mul3A_391 = arith.muli %scan3A_47, %mul3A_390 : i32
      %add3A_392 = arith.constant 8 : i32
      %add3A_393 = arith.addi %mul3A_391, %add3A_392 : i32
      %dma_start3A_394 = arith.constant 0 : i32
      %dma_start3A_395 = tpu.memref_slice %arg10[%add3A_393, %dma_start3A_394] : memref<256x50xf32, #tpu.memory_space<vmem>> -> memref<1x50xf32, #tpu.memory_space<vmem>>
      %dma_start3A_396 = arith.constant 0 : i32
      %dma_start3A_397 = tpu.memref_slice %arg4[%reduce_sum3A_379, %dma_start3A_396] : memref<1000000x50xf32, #tpu.memory_space<hbm>> -> memref<1x50xf32, #tpu.memory_space<hbm>>
      %dma_start3A_398 = arith.constant 0 : i32
      %dma_start3A_399 = tpu.memref_slice %arg10[%add3A_393, %dma_start3A_398] : memref<256x50xf32, #tpu.memory_space<vmem>> -> memref<1x50xf32, #tpu.memory_space<vmem>>
      %dma_start3A_400 = arith.constant 0 : i32
      %dma_start3A_401 = tpu.memref_slice %arg4[%reduce_sum3A_379, %dma_start3A_400] : memref<1000000x50xf32, #tpu.memory_space<hbm>> -> memref<1x50xf32, #tpu.memory_space<hbm>>
      tpu.enqueue_dma source(%dma_start3A_401 : memref<1x50xf32, #tpu.memory_space<hbm>>) target(%dma_start3A_399 : memref<1x50xf32, #tpu.memory_space<vmem>>) target_semaphore(%arg12 : memref<!tpu.dma_semaphore, #tpu.memory_space<semaphore_mem>>)
      %dma_start3A_402 = arith.constant 0 : i32
      %dma_start3A_403 = tpu.memref_slice %arg11[%add3A_393, %dma_start3A_402] : memref<256x50xf32, #tpu.memory_space<vmem>> -> memref<1x50xf32, #tpu.memory_space<vmem>>
      %dma_start3A_404 = arith.constant 0 : i32
      %dma_start3A_405 = tpu.memref_slice %arg5[%reduce_sum3A_389, %dma_start3A_404] : memref<1000000x50xf32, #tpu.memory_space<hbm>> -> memref<1x50xf32, #tpu.memory_space<hbm>>
      %dma_start3A_406 = arith.constant 0 : i32
      %dma_start3A_407 = tpu.memref_slice %arg11[%add3A_393, %dma_start3A_406] : memref<256x50xf32, #tpu.memory_space<vmem>> -> memref<1x50xf32, #tpu.memory_space<vmem>>
      %dma_start3A_408 = arith.constant 0 : i32
      %dma_start3A_409 = tpu.memref_slice %arg5[%reduce_sum3A_389, %dma_start3A_408] : memref<1000000x50xf32, #tpu.memory_space<hbm>> -> memref<1x50xf32, #tpu.memory_space<hbm>>
      tpu.enqueue_dma source(%dma_start3A_409 : memref<1x50xf32, #tpu.memory_space<hbm>>) target(%dma_start3A_407 : memref<1x50xf32, #tpu.memory_space<vmem>>) target_semaphore(%arg12 : memref<!tpu.dma_semaphore, #tpu.memory_space<semaphore_mem>>)
      %eq3A_410 = arith.constant 9 : i32
      %eq3A_411 = vector.broadcast %eq3A_410 : i32 to vector<16xi32>
      %eq3A_412 = arith.cmpi eq, %iota3A, %eq3A_411 : vector<16xi32>
      %jit3A_413 = arith.constant 0 : i32
      %broadcast_in_dim3A_414 = vector.broadcast %jit3A_413 : i32 to vector<16xi32>
      %select_n3A_415 = arith.select %eq3A_412, %get3A_53, %broadcast_in_dim3A_414 : vector<16xi1>, vector<16xi32>
      %reduce_sum3A_416 = arith.constant true
      %reduce_sum3A_417 = vector.broadcast %reduce_sum3A_416 : i1 to vector<16xi1>
      %reduce_sum3A_418 = tpu.scan <sum>, %select_n3A_415 masked %reduce_sum3A_417 : vector<16xi32>, vector<16xi1> -> vector<16xi32>
      %reduce_sum3A_419 = vector.extract %reduce_sum3A_418[15] : i32 from vector<16xi32>
      %eq3A_420 = arith.constant 9 : i32
      %eq3A_421 = vector.broadcast %eq3A_420 : i32 to vector<16xi32>
      %eq3A_422 = arith.cmpi eq, %iota3A, %eq3A_421 : vector<16xi32>
      %jit3A_423 = arith.constant 0 : i32
      %broadcast_in_dim3A_424 = vector.broadcast %jit3A_423 : i32 to vector<16xi32>
      %select_n3A_425 = arith.select %eq3A_422, %get3A_55, %broadcast_in_dim3A_424 : vector<16xi1>, vector<16xi32>
      %reduce_sum3A_426 = arith.constant true
      %reduce_sum3A_427 = vector.broadcast %reduce_sum3A_426 : i1 to vector<16xi1>
      %reduce_sum3A_428 = tpu.scan <sum>, %select_n3A_425 masked %reduce_sum3A_427 : vector<16xi32>, vector<16xi1> -> vector<16xi32>
      %reduce_sum3A_429 = vector.extract %reduce_sum3A_428[15] : i32 from vector<16xi32>
      %mul3A_430 = arith.constant 16 : i32
      %mul3A_431 = arith.muli %scan3A_47, %mul3A_430 : i32
      %add3A_432 = arith.constant 9 : i32
      %add3A_433 = arith.addi %mul3A_431, %add3A_432 : i32
      %dma_start3A_434 = arith.constant 0 : i32
      %dma_start3A_435 = tpu.memref_slice %arg10[%add3A_433, %dma_start3A_434] : memref<256x50xf32, #tpu.memory_space<vmem>> -> memref<1x50xf32, #tpu.memory_space<vmem>>
      %dma_start3A_436 = arith.constant 0 : i32
      %dma_start3A_437 = tpu.memref_slice %arg4[%reduce_sum3A_419, %dma_start3A_436] : memref<1000000x50xf32, #tpu.memory_space<hbm>> -> memref<1x50xf32, #tpu.memory_space<hbm>>
      %dma_start3A_438 = arith.constant 0 : i32
      %dma_start3A_439 = tpu.memref_slice %arg10[%add3A_433, %dma_start3A_438] : memref<256x50xf32, #tpu.memory_space<vmem>> -> memref<1x50xf32, #tpu.memory_space<vmem>>
      %dma_start3A_440 = arith.constant 0 : i32
      %dma_start3A_441 = tpu.memref_slice %arg4[%reduce_sum3A_419, %dma_start3A_440] : memref<1000000x50xf32, #tpu.memory_space<hbm>> -> memref<1x50xf32, #tpu.memory_space<hbm>>
      tpu.enqueue_dma source(%dma_start3A_441 : memref<1x50xf32, #tpu.memory_space<hbm>>) target(%dma_start3A_439 : memref<1x50xf32, #tpu.memory_space<vmem>>) target_semaphore(%arg12 : memref<!tpu.dma_semaphore, #tpu.memory_space<semaphore_mem>>)
      %dma_start3A_442 = arith.constant 0 : i32
      %dma_start3A_443 = tpu.memref_slice %arg11[%add3A_433, %dma_start3A_442] : memref<256x50xf32, #tpu.memory_space<vmem>> -> memref<1x50xf32, #tpu.memory_space<vmem>>
      %dma_start3A_444 = arith.constant 0 : i32
      %dma_start3A_445 = tpu.memref_slice %arg5[%reduce_sum3A_429, %dma_start3A_444] : memref<1000000x50xf32, #tpu.memory_space<hbm>> -> memref<1x50xf32, #tpu.memory_space<hbm>>
      %dma_start3A_446 = arith.constant 0 : i32
      %dma_start3A_447 = tpu.memref_slice %arg11[%add3A_433, %dma_start3A_446] : memref<256x50xf32, #tpu.memory_space<vmem>> -> memref<1x50xf32, #tpu.memory_space<vmem>>
      %dma_start3A_448 = arith.constant 0 : i32
      %dma_start3A_449 = tpu.memref_slice %arg5[%reduce_sum3A_429, %dma_start3A_448] : memref<1000000x50xf32, #tpu.memory_space<hbm>> -> memref<1x50xf32, #tpu.memory_space<hbm>>
      tpu.enqueue_dma source(%dma_start3A_449 : memref<1x50xf32, #tpu.memory_space<hbm>>) target(%dma_start3A_447 : memref<1x50xf32, #tpu.memory_space<vmem>>) target_semaphore(%arg12 : memref<!tpu.dma_semaphore, #tpu.memory_space<semaphore_mem>>)
      %eq3A_450 = arith.constant 10 : i32
      %eq3A_451 = vector.broadcast %eq3A_450 : i32 to vector<16xi32>
      %eq3A_452 = arith.cmpi eq, %iota3A, %eq3A_451 : vector<16xi32>
      %jit3A_453 = arith.constant 0 : i32
      %broadcast_in_dim3A_454 = vector.broadcast %jit3A_453 : i32 to vector<16xi32>
      %select_n3A_455 = arith.select %eq3A_452, %get3A_53, %broadcast_in_dim3A_454 : vector<16xi1>, vector<16xi32>
      %reduce_sum3A_456 = arith.constant true
      %reduce_sum3A_457 = vector.broadcast %reduce_sum3A_456 : i1 to vector<16xi1>
      %reduce_sum3A_458 = tpu.scan <sum>, %select_n3A_455 masked %reduce_sum3A_457 : vector<16xi32>, vector<16xi1> -> vector<16xi32>
      %reduce_sum3A_459 = vector.extract %reduce_sum3A_458[15] : i32 from vector<16xi32>
      %eq3A_460 = arith.constant 10 : i32
      %eq3A_461 = vector.broadcast %eq3A_460 : i32 to vector<16xi32>
      %eq3A_462 = arith.cmpi eq, %iota3A, %eq3A_461 : vector<16xi32>
      %jit3A_463 = arith.constant 0 : i32
      %broadcast_in_dim3A_464 = vector.broadcast %jit3A_463 : i32 to vector<16xi32>
      %select_n3A_465 = arith.select %eq3A_462, %get3A_55, %broadcast_in_dim3A_464 : vector<16xi1>, vector<16xi32>
      %reduce_sum3A_466 = arith.constant true
      %reduce_sum3A_467 = vector.broadcast %reduce_sum3A_466 : i1 to vector<16xi1>
      %reduce_sum3A_468 = tpu.scan <sum>, %select_n3A_465 masked %reduce_sum3A_467 : vector<16xi32>, vector<16xi1> -> vector<16xi32>
      %reduce_sum3A_469 = vector.extract %reduce_sum3A_468[15] : i32 from vector<16xi32>
      %mul3A_470 = arith.constant 16 : i32
      %mul3A_471 = arith.muli %scan3A_47, %mul3A_470 : i32
      %add3A_472 = arith.constant 10 : i32
      %add3A_473 = arith.addi %mul3A_471, %add3A_472 : i32
      %dma_start3A_474 = arith.constant 0 : i32
      %dma_start3A_475 = tpu.memref_slice %arg10[%add3A_473, %dma_start3A_474] : memref<256x50xf32, #tpu.memory_space<vmem>> -> memref<1x50xf32, #tpu.memory_space<vmem>>
      %dma_start3A_476 = arith.constant 0 : i32
      %dma_start3A_477 = tpu.memref_slice %arg4[%reduce_sum3A_459, %dma_start3A_476] : memref<1000000x50xf32, #tpu.memory_space<hbm>> -> memref<1x50xf32, #tpu.memory_space<hbm>>
      %dma_start3A_478 = arith.constant 0 : i32
      %dma_start3A_479 = tpu.memref_slice %arg10[%add3A_473, %dma_start3A_478] : memref<256x50xf32, #tpu.memory_space<vmem>> -> memref<1x50xf32, #tpu.memory_space<vmem>>
      %dma_start3A_480 = arith.constant 0 : i32
      %dma_start3A_481 = tpu.memref_slice %arg4[%reduce_sum3A_459, %dma_start3A_480] : memref<1000000x50xf32, #tpu.memory_space<hbm>> -> memref<1x50xf32, #tpu.memory_space<hbm>>
      tpu.enqueue_dma source(%dma_start3A_481 : memref<1x50xf32, #tpu.memory_space<hbm>>) target(%dma_start3A_479 : memref<1x50xf32, #tpu.memory_space<vmem>>) target_semaphore(%arg12 : memref<!tpu.dma_semaphore, #tpu.memory_space<semaphore_mem>>)
      %dma_start3A_482 = arith.constant 0 : i32
      %dma_start3A_483 = tpu.memref_slice %arg11[%add3A_473, %dma_start3A_482] : memref<256x50xf32, #tpu.memory_space<vmem>> -> memref<1x50xf32, #tpu.memory_space<vmem>>
      %dma_start3A_484 = arith.constant 0 : i32
      %dma_start3A_485 = tpu.memref_slice %arg5[%reduce_sum3A_469, %dma_start3A_484] : memref<1000000x50xf32, #tpu.memory_space<hbm>> -> memref<1x50xf32, #tpu.memory_space<hbm>>
      %dma_start3A_486 = arith.constant 0 : i32
      %dma_start3A_487 = tpu.memref_slice %arg11[%add3A_473, %dma_start3A_486] : memref<256x50xf32, #tpu.memory_space<vmem>> -> memref<1x50xf32, #tpu.memory_space<vmem>>
      %dma_start3A_488 = arith.constant 0 : i32
      %dma_start3A_489 = tpu.memref_slice %arg5[%reduce_sum3A_469, %dma_start3A_488] : memref<1000000x50xf32, #tpu.memory_space<hbm>> -> memref<1x50xf32, #tpu.memory_space<hbm>>
      tpu.enqueue_dma source(%dma_start3A_489 : memref<1x50xf32, #tpu.memory_space<hbm>>) target(%dma_start3A_487 : memref<1x50xf32, #tpu.memory_space<vmem>>) target_semaphore(%arg12 : memref<!tpu.dma_semaphore, #tpu.memory_space<semaphore_mem>>)
      %eq3A_490 = arith.constant 11 : i32
      %eq3A_491 = vector.broadcast %eq3A_490 : i32 to vector<16xi32>
      %eq3A_492 = arith.cmpi eq, %iota3A, %eq3A_491 : vector<16xi32>
      %jit3A_493 = arith.constant 0 : i32
      %broadcast_in_dim3A_494 = vector.broadcast %jit3A_493 : i32 to vector<16xi32>
      %select_n3A_495 = arith.select %eq3A_492, %get3A_53, %broadcast_in_dim3A_494 : vector<16xi1>, vector<16xi32>
      %reduce_sum3A_496 = arith.constant true
      %reduce_sum3A_497 = vector.broadcast %reduce_sum3A_496 : i1 to vector<16xi1>
      %reduce_sum3A_498 = tpu.scan <sum>, %select_n3A_495 masked %reduce_sum3A_497 : vector<16xi32>, vector<16xi1> -> vector<16xi32>
      %reduce_sum3A_499 = vector.extract %reduce_sum3A_498[15] : i32 from vector<16xi32>
      %eq3A_500 = arith.constant 11 : i32
      %eq3A_501 = vector.broadcast %eq3A_500 : i32 to vector<16xi32>
      %eq3A_502 = arith.cmpi eq, %iota3A, %eq3A_501 : vector<16xi32>
      %jit3A_503 = arith.constant 0 : i32
      %broadcast_in_dim3A_504 = vector.broadcast %jit3A_503 : i32 to vector<16xi32>
      %select_n3A_505 = arith.select %eq3A_502, %get3A_55, %broadcast_in_dim3A_504 : vector<16xi1>, vector<16xi32>
      %reduce_sum3A_506 = arith.constant true
      %reduce_sum3A_507 = vector.broadcast %reduce_sum3A_506 : i1 to vector<16xi1>
      %reduce_sum3A_508 = tpu.scan <sum>, %select_n3A_505 masked %reduce_sum3A_507 : vector<16xi32>, vector<16xi1> -> vector<16xi32>
      %reduce_sum3A_509 = vector.extract %reduce_sum3A_508[15] : i32 from vector<16xi32>
      %mul3A_510 = arith.constant 16 : i32
      %mul3A_511 = arith.muli %scan3A_47, %mul3A_510 : i32
      %add3A_512 = arith.constant 11 : i32
      %add3A_513 = arith.addi %mul3A_511, %add3A_512 : i32
      %dma_start3A_514 = arith.constant 0 : i32
      %dma_start3A_515 = tpu.memref_slice %arg10[%add3A_513, %dma_start3A_514] : memref<256x50xf32, #tpu.memory_space<vmem>> -> memref<1x50xf32, #tpu.memory_space<vmem>>
      %dma_start3A_516 = arith.constant 0 : i32
      %dma_start3A_517 = tpu.memref_slice %arg4[%reduce_sum3A_499, %dma_start3A_516] : memref<1000000x50xf32, #tpu.memory_space<hbm>> -> memref<1x50xf32, #tpu.memory_space<hbm>>
      %dma_start3A_518 = arith.constant 0 : i32
      %dma_start3A_519 = tpu.memref_slice %arg10[%add3A_513, %dma_start3A_518] : memref<256x50xf32, #tpu.memory_space<vmem>> -> memref<1x50xf32, #tpu.memory_space<vmem>>
      %dma_start3A_520 = arith.constant 0 : i32
      %dma_start3A_521 = tpu.memref_slice %arg4[%reduce_sum3A_499, %dma_start3A_520] : memref<1000000x50xf32, #tpu.memory_space<hbm>> -> memref<1x50xf32, #tpu.memory_space<hbm>>
      tpu.enqueue_dma source(%dma_start3A_521 : memref<1x50xf32, #tpu.memory_space<hbm>>) target(%dma_start3A_519 : memref<1x50xf32, #tpu.memory_space<vmem>>) target_semaphore(%arg12 : memref<!tpu.dma_semaphore, #tpu.memory_space<semaphore_mem>>)
      %dma_start3A_522 = arith.constant 0 : i32
      %dma_start3A_523 = tpu.memref_slice %arg11[%add3A_513, %dma_start3A_522] : memref<256x50xf32, #tpu.memory_space<vmem>> -> memref<1x50xf32, #tpu.memory_space<vmem>>
      %dma_start3A_524 = arith.constant 0 : i32
      %dma_start3A_525 = tpu.memref_slice %arg5[%reduce_sum3A_509, %dma_start3A_524] : memref<1000000x50xf32, #tpu.memory_space<hbm>> -> memref<1x50xf32, #tpu.memory_space<hbm>>
      %dma_start3A_526 = arith.constant 0 : i32
      %dma_start3A_527 = tpu.memref_slice %arg11[%add3A_513, %dma_start3A_526] : memref<256x50xf32, #tpu.memory_space<vmem>> -> memref<1x50xf32, #tpu.memory_space<vmem>>
      %dma_start3A_528 = arith.constant 0 : i32
      %dma_start3A_529 = tpu.memref_slice %arg5[%reduce_sum3A_509, %dma_start3A_528] : memref<1000000x50xf32, #tpu.memory_space<hbm>> -> memref<1x50xf32, #tpu.memory_space<hbm>>
      tpu.enqueue_dma source(%dma_start3A_529 : memref<1x50xf32, #tpu.memory_space<hbm>>) target(%dma_start3A_527 : memref<1x50xf32, #tpu.memory_space<vmem>>) target_semaphore(%arg12 : memref<!tpu.dma_semaphore, #tpu.memory_space<semaphore_mem>>)
      %eq3A_530 = arith.constant 12 : i32
      %eq3A_531 = vector.broadcast %eq3A_530 : i32 to vector<16xi32>
      %eq3A_532 = arith.cmpi eq, %iota3A, %eq3A_531 : vector<16xi32>
      %jit3A_533 = arith.constant 0 : i32
      %broadcast_in_dim3A_534 = vector.broadcast %jit3A_533 : i32 to vector<16xi32>
      %select_n3A_535 = arith.select %eq3A_532, %get3A_53, %broadcast_in_dim3A_534 : vector<16xi1>, vector<16xi32>
      %reduce_sum3A_536 = arith.constant true
      %reduce_sum3A_537 = vector.broadcast %reduce_sum3A_536 : i1 to vector<16xi1>
      %reduce_sum3A_538 = tpu.scan <sum>, %select_n3A_535 masked %reduce_sum3A_537 : vector<16xi32>, vector<16xi1> -> vector<16xi32>
      %reduce_sum3A_539 = vector.extract %reduce_sum3A_538[15] : i32 from vector<16xi32>
      %eq3A_540 = arith.constant 12 : i32
      %eq3A_541 = vector.broadcast %eq3A_540 : i32 to vector<16xi32>
      %eq3A_542 = arith.cmpi eq, %iota3A, %eq3A_541 : vector<16xi32>
      %jit3A_543 = arith.constant 0 : i32
      %broadcast_in_dim3A_544 = vector.broadcast %jit3A_543 : i32 to vector<16xi32>
      %select_n3A_545 = arith.select %eq3A_542, %get3A_55, %broadcast_in_dim3A_544 : vector<16xi1>, vector<16xi32>
      %reduce_sum3A_546 = arith.constant true
      %reduce_sum3A_547 = vector.broadcast %reduce_sum3A_546 : i1 to vector<16xi1>
      %reduce_sum3A_548 = tpu.scan <sum>, %select_n3A_545 masked %reduce_sum3A_547 : vector<16xi32>, vector<16xi1> -> vector<16xi32>
      %reduce_sum3A_549 = vector.extract %reduce_sum3A_548[15] : i32 from vector<16xi32>
      %mul3A_550 = arith.constant 16 : i32
      %mul3A_551 = arith.muli %scan3A_47, %mul3A_550 : i32
      %add3A_552 = arith.constant 12 : i32
      %add3A_553 = arith.addi %mul3A_551, %add3A_552 : i32
      %dma_start3A_554 = arith.constant 0 : i32
      %dma_start3A_555 = tpu.memref_slice %arg10[%add3A_553, %dma_start3A_554] : memref<256x50xf32, #tpu.memory_space<vmem>> -> memref<1x50xf32, #tpu.memory_space<vmem>>
      %dma_start3A_556 = arith.constant 0 : i32
      %dma_start3A_557 = tpu.memref_slice %arg4[%reduce_sum3A_539, %dma_start3A_556] : memref<1000000x50xf32, #tpu.memory_space<hbm>> -> memref<1x50xf32, #tpu.memory_space<hbm>>
      %dma_start3A_558 = arith.constant 0 : i32
      %dma_start3A_559 = tpu.memref_slice %arg10[%add3A_553, %dma_start3A_558] : memref<256x50xf32, #tpu.memory_space<vmem>> -> memref<1x50xf32, #tpu.memory_space<vmem>>
      %dma_start3A_560 = arith.constant 0 : i32
      %dma_start3A_561 = tpu.memref_slice %arg4[%reduce_sum3A_539, %dma_start3A_560] : memref<1000000x50xf32, #tpu.memory_space<hbm>> -> memref<1x50xf32, #tpu.memory_space<hbm>>
      tpu.enqueue_dma source(%dma_start3A_561 : memref<1x50xf32, #tpu.memory_space<hbm>>) target(%dma_start3A_559 : memref<1x50xf32, #tpu.memory_space<vmem>>) target_semaphore(%arg12 : memref<!tpu.dma_semaphore, #tpu.memory_space<semaphore_mem>>)
      %dma_start3A_562 = arith.constant 0 : i32
      %dma_start3A_563 = tpu.memref_slice %arg11[%add3A_553, %dma_start3A_562] : memref<256x50xf32, #tpu.memory_space<vmem>> -> memref<1x50xf32, #tpu.memory_space<vmem>>
      %dma_start3A_564 = arith.constant 0 : i32
      %dma_start3A_565 = tpu.memref_slice %arg5[%reduce_sum3A_549, %dma_start3A_564] : memref<1000000x50xf32, #tpu.memory_space<hbm>> -> memref<1x50xf32, #tpu.memory_space<hbm>>
      %dma_start3A_566 = arith.constant 0 : i32
      %dma_start3A_567 = tpu.memref_slice %arg11[%add3A_553, %dma_start3A_566] : memref<256x50xf32, #tpu.memory_space<vmem>> -> memref<1x50xf32, #tpu.memory_space<vmem>>
      %dma_start3A_568 = arith.constant 0 : i32
      %dma_start3A_569 = tpu.memref_slice %arg5[%reduce_sum3A_549, %dma_start3A_568] : memref<1000000x50xf32, #tpu.memory_space<hbm>> -> memref<1x50xf32, #tpu.memory_space<hbm>>
      tpu.enqueue_dma source(%dma_start3A_569 : memref<1x50xf32, #tpu.memory_space<hbm>>) target(%dma_start3A_567 : memref<1x50xf32, #tpu.memory_space<vmem>>) target_semaphore(%arg12 : memref<!tpu.dma_semaphore, #tpu.memory_space<semaphore_mem>>)
      %eq3A_570 = arith.constant 13 : i32
      %eq3A_571 = vector.broadcast %eq3A_570 : i32 to vector<16xi32>
      %eq3A_572 = arith.cmpi eq, %iota3A, %eq3A_571 : vector<16xi32>
      %jit3A_573 = arith.constant 0 : i32
      %broadcast_in_dim3A_574 = vector.broadcast %jit3A_573 : i32 to vector<16xi32>
      %select_n3A_575 = arith.select %eq3A_572, %get3A_53, %broadcast_in_dim3A_574 : vector<16xi1>, vector<16xi32>
      %reduce_sum3A_576 = arith.constant true
      %reduce_sum3A_577 = vector.broadcast %reduce_sum3A_576 : i1 to vector<16xi1>
      %reduce_sum3A_578 = tpu.scan <sum>, %select_n3A_575 masked %reduce_sum3A_577 : vector<16xi32>, vector<16xi1> -> vector<16xi32>
      %reduce_sum3A_579 = vector.extract %reduce_sum3A_578[15] : i32 from vector<16xi32>
      %eq3A_580 = arith.constant 13 : i32
      %eq3A_581 = vector.broadcast %eq3A_580 : i32 to vector<16xi32>
      %eq3A_582 = arith.cmpi eq, %iota3A, %eq3A_581 : vector<16xi32>
      %jit3A_583 = arith.constant 0 : i32
      %broadcast_in_dim3A_584 = vector.broadcast %jit3A_583 : i32 to vector<16xi32>
      %select_n3A_585 = arith.select %eq3A_582, %get3A_55, %broadcast_in_dim3A_584 : vector<16xi1>, vector<16xi32>
      %reduce_sum3A_586 = arith.constant true
      %reduce_sum3A_587 = vector.broadcast %reduce_sum3A_586 : i1 to vector<16xi1>
      %reduce_sum3A_588 = tpu.scan <sum>, %select_n3A_585 masked %reduce_sum3A_587 : vector<16xi32>, vector<16xi1> -> vector<16xi32>
      %reduce_sum3A_589 = vector.extract %reduce_sum3A_588[15] : i32 from vector<16xi32>
      %mul3A_590 = arith.constant 16 : i32
      %mul3A_591 = arith.muli %scan3A_47, %mul3A_590 : i32
      %add3A_592 = arith.constant 13 : i32
      %add3A_593 = arith.addi %mul3A_591, %add3A_592 : i32
      %dma_start3A_594 = arith.constant 0 : i32
      %dma_start3A_595 = tpu.memref_slice %arg10[%add3A_593, %dma_start3A_594] : memref<256x50xf32, #tpu.memory_space<vmem>> -> memref<1x50xf32, #tpu.memory_space<vmem>>
      %dma_start3A_596 = arith.constant 0 : i32
      %dma_start3A_597 = tpu.memref_slice %arg4[%reduce_sum3A_579, %dma_start3A_596] : memref<1000000x50xf32, #tpu.memory_space<hbm>> -> memref<1x50xf32, #tpu.memory_space<hbm>>
      %dma_start3A_598 = arith.constant 0 : i32
      %dma_start3A_599 = tpu.memref_slice %arg10[%add3A_593, %dma_start3A_598] : memref<256x50xf32, #tpu.memory_space<vmem>> -> memref<1x50xf32, #tpu.memory_space<vmem>>
      %dma_start3A_600 = arith.constant 0 : i32
      %dma_start3A_601 = tpu.memref_slice %arg4[%reduce_sum3A_579, %dma_start3A_600] : memref<1000000x50xf32, #tpu.memory_space<hbm>> -> memref<1x50xf32, #tpu.memory_space<hbm>>
      tpu.enqueue_dma source(%dma_start3A_601 : memref<1x50xf32, #tpu.memory_space<hbm>>) target(%dma_start3A_599 : memref<1x50xf32, #tpu.memory_space<vmem>>) target_semaphore(%arg12 : memref<!tpu.dma_semaphore, #tpu.memory_space<semaphore_mem>>)
      %dma_start3A_602 = arith.constant 0 : i32
      %dma_start3A_603 = tpu.memref_slice %arg11[%add3A_593, %dma_start3A_602] : memref<256x50xf32, #tpu.memory_space<vmem>> -> memref<1x50xf32, #tpu.memory_space<vmem>>
      %dma_start3A_604 = arith.constant 0 : i32
      %dma_start3A_605 = tpu.memref_slice %arg5[%reduce_sum3A_589, %dma_start3A_604] : memref<1000000x50xf32, #tpu.memory_space<hbm>> -> memref<1x50xf32, #tpu.memory_space<hbm>>
      %dma_start3A_606 = arith.constant 0 : i32
      %dma_start3A_607 = tpu.memref_slice %arg11[%add3A_593, %dma_start3A_606] : memref<256x50xf32, #tpu.memory_space<vmem>> -> memref<1x50xf32, #tpu.memory_space<vmem>>
      %dma_start3A_608 = arith.constant 0 : i32
      %dma_start3A_609 = tpu.memref_slice %arg5[%reduce_sum3A_589, %dma_start3A_608] : memref<1000000x50xf32, #tpu.memory_space<hbm>> -> memref<1x50xf32, #tpu.memory_space<hbm>>
      tpu.enqueue_dma source(%dma_start3A_609 : memref<1x50xf32, #tpu.memory_space<hbm>>) target(%dma_start3A_607 : memref<1x50xf32, #tpu.memory_space<vmem>>) target_semaphore(%arg12 : memref<!tpu.dma_semaphore, #tpu.memory_space<semaphore_mem>>)
      %eq3A_610 = arith.constant 14 : i32
      %eq3A_611 = vector.broadcast %eq3A_610 : i32 to vector<16xi32>
      %eq3A_612 = arith.cmpi eq, %iota3A, %eq3A_611 : vector<16xi32>
      %jit3A_613 = arith.constant 0 : i32
      %broadcast_in_dim3A_614 = vector.broadcast %jit3A_613 : i32 to vector<16xi32>
      %select_n3A_615 = arith.select %eq3A_612, %get3A_53, %broadcast_in_dim3A_614 : vector<16xi1>, vector<16xi32>
      %reduce_sum3A_616 = arith.constant true
      %reduce_sum3A_617 = vector.broadcast %reduce_sum3A_616 : i1 to vector<16xi1>
      %reduce_sum3A_618 = tpu.scan <sum>, %select_n3A_615 masked %reduce_sum3A_617 : vector<16xi32>, vector<16xi1> -> vector<16xi32>
      %reduce_sum3A_619 = vector.extract %reduce_sum3A_618[15] : i32 from vector<16xi32>
      %eq3A_620 = arith.constant 14 : i32
      %eq3A_621 = vector.broadcast %eq3A_620 : i32 to vector<16xi32>
      %eq3A_622 = arith.cmpi eq, %iota3A, %eq3A_621 : vector<16xi32>
      %jit3A_623 = arith.constant 0 : i32
      %broadcast_in_dim3A_624 = vector.broadcast %jit3A_623 : i32 to vector<16xi32>
      %select_n3A_625 = arith.select %eq3A_622, %get3A_55, %broadcast_in_dim3A_624 : vector<16xi1>, vector<16xi32>
      %reduce_sum3A_626 = arith.constant true
      %reduce_sum3A_627 = vector.broadcast %reduce_sum3A_626 : i1 to vector<16xi1>
      %reduce_sum3A_628 = tpu.scan <sum>, %select_n3A_625 masked %reduce_sum3A_627 : vector<16xi32>, vector<16xi1> -> vector<16xi32>
      %reduce_sum3A_629 = vector.extract %reduce_sum3A_628[15] : i32 from vector<16xi32>
      %mul3A_630 = arith.constant 16 : i32
      %mul3A_631 = arith.muli %scan3A_47, %mul3A_630 : i32
      %add3A_632 = arith.constant 14 : i32
      %add3A_633 = arith.addi %mul3A_631, %add3A_632 : i32
      %dma_start3A_634 = arith.constant 0 : i32
      %dma_start3A_635 = tpu.memref_slice %arg10[%add3A_633, %dma_start3A_634] : memref<256x50xf32, #tpu.memory_space<vmem>> -> memref<1x50xf32, #tpu.memory_space<vmem>>
      %dma_start3A_636 = arith.constant 0 : i32
      %dma_start3A_637 = tpu.memref_slice %arg4[%reduce_sum3A_619, %dma_start3A_636] : memref<1000000x50xf32, #tpu.memory_space<hbm>> -> memref<1x50xf32, #tpu.memory_space<hbm>>
      %dma_start3A_638 = arith.constant 0 : i32
      %dma_start3A_639 = tpu.memref_slice %arg10[%add3A_633, %dma_start3A_638] : memref<256x50xf32, #tpu.memory_space<vmem>> -> memref<1x50xf32, #tpu.memory_space<vmem>>
      %dma_start3A_640 = arith.constant 0 : i32
      %dma_start3A_641 = tpu.memref_slice %arg4[%reduce_sum3A_619, %dma_start3A_640] : memref<1000000x50xf32, #tpu.memory_space<hbm>> -> memref<1x50xf32, #tpu.memory_space<hbm>>
      tpu.enqueue_dma source(%dma_start3A_641 : memref<1x50xf32, #tpu.memory_space<hbm>>) target(%dma_start3A_639 : memref<1x50xf32, #tpu.memory_space<vmem>>) target_semaphore(%arg12 : memref<!tpu.dma_semaphore, #tpu.memory_space<semaphore_mem>>)
      %dma_start3A_642 = arith.constant 0 : i32
      %dma_start3A_643 = tpu.memref_slice %arg11[%add3A_633, %dma_start3A_642] : memref<256x50xf32, #tpu.memory_space<vmem>> -> memref<1x50xf32, #tpu.memory_space<vmem>>
      %dma_start3A_644 = arith.constant 0 : i32
      %dma_start3A_645 = tpu.memref_slice %arg5[%reduce_sum3A_629, %dma_start3A_644] : memref<1000000x50xf32, #tpu.memory_space<hbm>> -> memref<1x50xf32, #tpu.memory_space<hbm>>
      %dma_start3A_646 = arith.constant 0 : i32
      %dma_start3A_647 = tpu.memref_slice %arg11[%add3A_633, %dma_start3A_646] : memref<256x50xf32, #tpu.memory_space<vmem>> -> memref<1x50xf32, #tpu.memory_space<vmem>>
      %dma_start3A_648 = arith.constant 0 : i32
      %dma_start3A_649 = tpu.memref_slice %arg5[%reduce_sum3A_629, %dma_start3A_648] : memref<1000000x50xf32, #tpu.memory_space<hbm>> -> memref<1x50xf32, #tpu.memory_space<hbm>>
      tpu.enqueue_dma source(%dma_start3A_649 : memref<1x50xf32, #tpu.memory_space<hbm>>) target(%dma_start3A_647 : memref<1x50xf32, #tpu.memory_space<vmem>>) target_semaphore(%arg12 : memref<!tpu.dma_semaphore, #tpu.memory_space<semaphore_mem>>)
      %eq3A_650 = arith.constant 15 : i32
      %eq3A_651 = vector.broadcast %eq3A_650 : i32 to vector<16xi32>
      %eq3A_652 = arith.cmpi eq, %iota3A, %eq3A_651 : vector<16xi32>
      %jit3A_653 = arith.constant 0 : i32
      %broadcast_in_dim3A_654 = vector.broadcast %jit3A_653 : i32 to vector<16xi32>
      %select_n3A_655 = arith.select %eq3A_652, %get3A_53, %broadcast_in_dim3A_654 : vector<16xi1>, vector<16xi32>
      %reduce_sum3A_656 = arith.constant true
      %reduce_sum3A_657 = vector.broadcast %reduce_sum3A_656 : i1 to vector<16xi1>
      %reduce_sum3A_658 = tpu.scan <sum>, %select_n3A_655 masked %reduce_sum3A_657 : vector<16xi32>, vector<16xi1> -> vector<16xi32>
      %reduce_sum3A_659 = vector.extract %reduce_sum3A_658[15] : i32 from vector<16xi32>
      %eq3A_660 = arith.constant 15 : i32
      %eq3A_661 = vector.broadcast %eq3A_660 : i32 to vector<16xi32>
      %eq3A_662 = arith.cmpi eq, %iota3A, %eq3A_661 : vector<16xi32>
      %jit3A_663 = arith.constant 0 : i32
      %broadcast_in_dim3A_664 = vector.broadcast %jit3A_663 : i32 to vector<16xi32>
      %select_n3A_665 = arith.select %eq3A_662, %get3A_55, %broadcast_in_dim3A_664 : vector<16xi1>, vector<16xi32>
      %reduce_sum3A_666 = arith.constant true
      %reduce_sum3A_667 = vector.broadcast %reduce_sum3A_666 : i1 to vector<16xi1>
      %reduce_sum3A_668 = tpu.scan <sum>, %select_n3A_665 masked %reduce_sum3A_667 : vector<16xi32>, vector<16xi1> -> vector<16xi32>
      %reduce_sum3A_669 = vector.extract %reduce_sum3A_668[15] : i32 from vector<16xi32>
      %mul3A_670 = arith.constant 16 : i32
      %mul3A_671 = arith.muli %scan3A_47, %mul3A_670 : i32
      %add3A_672 = arith.constant 15 : i32
      %add3A_673 = arith.addi %mul3A_671, %add3A_672 : i32
      %dma_start3A_674 = arith.constant 0 : i32
      %dma_start3A_675 = tpu.memref_slice %arg10[%add3A_673, %dma_start3A_674] : memref<256x50xf32, #tpu.memory_space<vmem>> -> memref<1x50xf32, #tpu.memory_space<vmem>>
      %dma_start3A_676 = arith.constant 0 : i32
      %dma_start3A_677 = tpu.memref_slice %arg4[%reduce_sum3A_659, %dma_start3A_676] : memref<1000000x50xf32, #tpu.memory_space<hbm>> -> memref<1x50xf32, #tpu.memory_space<hbm>>
      %dma_start3A_678 = arith.constant 0 : i32
      %dma_start3A_679 = tpu.memref_slice %arg10[%add3A_673, %dma_start3A_678] : memref<256x50xf32, #tpu.memory_space<vmem>> -> memref<1x50xf32, #tpu.memory_space<vmem>>
      %dma_start3A_680 = arith.constant 0 : i32
      %dma_start3A_681 = tpu.memref_slice %arg4[%reduce_sum3A_659, %dma_start3A_680] : memref<1000000x50xf32, #tpu.memory_space<hbm>> -> memref<1x50xf32, #tpu.memory_space<hbm>>
      tpu.enqueue_dma source(%dma_start3A_681 : memref<1x50xf32, #tpu.memory_space<hbm>>) target(%dma_start3A_679 : memref<1x50xf32, #tpu.memory_space<vmem>>) target_semaphore(%arg12 : memref<!tpu.dma_semaphore, #tpu.memory_space<semaphore_mem>>)
      %dma_start3A_682 = arith.constant 0 : i32
      %dma_start3A_683 = tpu.memref_slice %arg11[%add3A_673, %dma_start3A_682] : memref<256x50xf32, #tpu.memory_space<vmem>> -> memref<1x50xf32, #tpu.memory_space<vmem>>
      %dma_start3A_684 = arith.constant 0 : i32
      %dma_start3A_685 = tpu.memref_slice %arg5[%reduce_sum3A_669, %dma_start3A_684] : memref<1000000x50xf32, #tpu.memory_space<hbm>> -> memref<1x50xf32, #tpu.memory_space<hbm>>
      %dma_start3A_686 = arith.constant 0 : i32
      %dma_start3A_687 = tpu.memref_slice %arg11[%add3A_673, %dma_start3A_686] : memref<256x50xf32, #tpu.memory_space<vmem>> -> memref<1x50xf32, #tpu.memory_space<vmem>>
      %dma_start3A_688 = arith.constant 0 : i32
      %dma_start3A_689 = tpu.memref_slice %arg5[%reduce_sum3A_669, %dma_start3A_688] : memref<1000000x50xf32, #tpu.memory_space<hbm>> -> memref<1x50xf32, #tpu.memory_space<hbm>>
      tpu.enqueue_dma source(%dma_start3A_689 : memref<1x50xf32, #tpu.memory_space<hbm>>) target(%dma_start3A_687 : memref<1x50xf32, #tpu.memory_space<vmem>>) target_semaphore(%arg12 : memref<!tpu.dma_semaphore, #tpu.memory_space<semaphore_mem>>)
      %scan3A_690 = arith.constant 0 : i32
      scf.yield %scan3A_690 : i32
    }
    %scan3A_30 = arith.constant 16 : i32
    %dma_wait3A_31 = arith.constant 0 : i32
    %dma_wait3A_32 = arith.constant 0 : i32
    %dma_wait3A_33 = tpu.memref_slice %arg6[%dma_wait3A_31, %dma_wait3A_32] : memref<16384x50xf32, #tpu.memory_space<hbm>> -> memref<256x50xf32, #tpu.memory_space<hbm>>
    %dma_wait3A_34 = arith.constant 0 : i32
    %dma_wait3A_35 = arith.constant 0 : i32
    %dma_wait3A_36 = tpu.memref_slice %arg6[%dma_wait3A_34, %dma_wait3A_35] : memref<16384x50xf32, #tpu.memory_space<hbm>> -> memref<256x50xf32, #tpu.memory_space<hbm>>
    tpu.wait_dma2 semaphore(%arg12 : memref<!tpu.dma_semaphore, #tpu.memory_space<semaphore_mem>>) src(%dma_wait3A_36 : memref<256x50xf32, #tpu.memory_space<hbm>>) dst(%arg10 : memref<256x50xf32, #tpu.memory_space<vmem>>)
    %dma_wait3A_37 = arith.constant 0 : i32
    %dma_wait3A_38 = arith.constant 0 : i32
    %dma_wait3A_39 = tpu.memref_slice %arg6[%dma_wait3A_37, %dma_wait3A_38] : memref<16384x50xf32, #tpu.memory_space<hbm>> -> memref<256x50xf32, #tpu.memory_space<hbm>>
    %dma_wait3A_40 = arith.constant 0 : i32
    %dma_wait3A_41 = arith.constant 0 : i32
    %dma_wait3A_42 = tpu.memref_slice %arg6[%dma_wait3A_40, %dma_wait3A_41] : memref<16384x50xf32, #tpu.memory_space<hbm>> -> memref<256x50xf32, #tpu.memory_space<hbm>>
    tpu.wait_dma2 semaphore(%arg12 : memref<!tpu.dma_semaphore, #tpu.memory_space<semaphore_mem>>) src(%dma_wait3A_42 : memref<256x50xf32, #tpu.memory_space<hbm>>) dst(%arg11 : memref<256x50xf32, #tpu.memory_space<vmem>>)
    %add3A_43 = arith.constant 256 : i32
    %add3A_44 = arith.addi %mul3A_2, %add3A_43 : i32
    "tpu.region"() ({
      %run_scoped3A = tpu.sem_alloc : memref<!tpu.dma_semaphore, #tpu.memory_space<semaphore_mem>>
      %dma_start3A = arith.constant 0 : i32
      %dma_start3A_47 = tpu.memref_slice %arg6[%add3A_44, %dma_start3A] : memref<16384x50xf32, #tpu.memory_space<hbm>> -> memref<256x50xf32, #tpu.memory_space<hbm>>
      %dma_start3A_48 = arith.constant 0 : i32
      %dma_start3A_49 = tpu.memref_slice %arg6[%add3A_44, %dma_start3A_48] : memref<16384x50xf32, #tpu.memory_space<hbm>> -> memref<256x50xf32, #tpu.memory_space<hbm>>
      tpu.enqueue_dma source(%arg10 : memref<256x50xf32, #tpu.memory_space<vmem>>) target(%dma_start3A_49 : memref<256x50xf32, #tpu.memory_space<hbm>>) target_semaphore(%run_scoped3A : memref<!tpu.dma_semaphore, #tpu.memory_space<semaphore_mem>>)
      %dma_wait3A_50 = arith.constant 0 : i32
      %dma_wait3A_51 = tpu.memref_slice %arg6[%add3A_44, %dma_wait3A_50] : memref<16384x50xf32, #tpu.memory_space<hbm>> -> memref<256x50xf32, #tpu.memory_space<hbm>>
      %dma_wait3A_52 = arith.constant 0 : i32
      %dma_wait3A_53 = tpu.memref_slice %arg6[%add3A_44, %dma_wait3A_52] : memref<16384x50xf32, #tpu.memory_space<hbm>> -> memref<256x50xf32, #tpu.memory_space<hbm>>
      tpu.wait_dma2 semaphore(%run_scoped3A : memref<!tpu.dma_semaphore, #tpu.memory_space<semaphore_mem>>) src(%arg10 : memref<256x50xf32, #tpu.memory_space<vmem>>) dst(%dma_wait3A_53 : memref<256x50xf32, #tpu.memory_space<hbm>>)
      tpu.yield
    }) : () -> ()
    %add3A_45 = arith.constant 256 : i32
    %add3A_46 = arith.addi %mul3A_2, %add3A_45 : i32
    "tpu.region"() ({
      %run_scoped3A = tpu.sem_alloc : memref<!tpu.dma_semaphore, #tpu.memory_space<semaphore_mem>>
      %dma_start3A = arith.constant 0 : i32
      %dma_start3A_47 = tpu.memref_slice %arg7[%add3A_46, %dma_start3A] : memref<16384x50xf32, #tpu.memory_space<hbm>> -> memref<256x50xf32, #tpu.memory_space<hbm>>
      %dma_start3A_48 = arith.constant 0 : i32
      %dma_start3A_49 = tpu.memref_slice %arg7[%add3A_46, %dma_start3A_48] : memref<16384x50xf32, #tpu.memory_space<hbm>> -> memref<256x50xf32, #tpu.memory_space<hbm>>
      tpu.enqueue_dma source(%arg11 : memref<256x50xf32, #tpu.memory_space<vmem>>) target(%dma_start3A_49 : memref<256x50xf32, #tpu.memory_space<hbm>>) target_semaphore(%run_scoped3A : memref<!tpu.dma_semaphore, #tpu.memory_space<semaphore_mem>>)
      %dma_wait3A_50 = arith.constant 0 : i32
      %dma_wait3A_51 = tpu.memref_slice %arg7[%add3A_46, %dma_wait3A_50] : memref<16384x50xf32, #tpu.memory_space<hbm>> -> memref<256x50xf32, #tpu.memory_space<hbm>>
      %dma_wait3A_52 = arith.constant 0 : i32
      %dma_wait3A_53 = tpu.memref_slice %arg7[%add3A_46, %dma_wait3A_52] : memref<16384x50xf32, #tpu.memory_space<hbm>> -> memref<256x50xf32, #tpu.memory_space<hbm>>
      tpu.wait_dma2 semaphore(%run_scoped3A : memref<!tpu.dma_semaphore, #tpu.memory_space<semaphore_mem>>) src(%arg11 : memref<256x50xf32, #tpu.memory_space<vmem>>) dst(%dma_wait3A_53 : memref<256x50xf32, #tpu.memory_space<hbm>>)
      tpu.yield
    }) : () -> ()
    return
  }
}

module attributes {stable_mosaic.version = 14 : i64} {
  func.func @_mlp_body(%arg0: i32, %arg1: memref<8192x50xf32, #tpu.memory_space<vmem>>, %arg2: memref<8192x50xf32, #tpu.memory_space<vmem>>, %arg3: memref<50x128xf32, #tpu.memory_space<vmem>>, %arg4: memref<50x128xf32, #tpu.memory_space<vmem>>, %arg5: memref<1x128xf32, #tpu.memory_space<vmem>>, %arg6: memref<128x64xf32, #tpu.memory_space<vmem>>, %arg7: memref<1x64xf32, #tpu.memory_space<vmem>>, %arg8: memref<64x1xf32, #tpu.memory_space<vmem>>, %arg9: memref<1x1xf32, #tpu.memory_space<vmem>>, %arg10: memref<8192x1xf32, #tpu.memory_space<vmem>>) attributes {dimension_semantics = [#tpu.dimension_semantics<arbitrary>], iteration_bounds = array<i64: 2>, scalar_prefetch = 0 : i64, scratch_operands = 0 : i64, tpu.core_type = #tpu.core_type<tc>, window_params = [{transform_indices = @transform_0, window_bounds = array<i64: 8192, 50>}, {transform_indices = @transform_1, window_bounds = array<i64: 8192, 50>}, {pipeline_mode = #tpu.pipeline_mode<synchronous>, transform_indices = @transform_2, window_bounds = array<i64: 50, 128>}, {pipeline_mode = #tpu.pipeline_mode<synchronous>, transform_indices = @transform_3, window_bounds = array<i64: 50, 128>}, {pipeline_mode = #tpu.pipeline_mode<synchronous>, transform_indices = @transform_4, window_bounds = array<i64: 1, 128>}, {pipeline_mode = #tpu.pipeline_mode<synchronous>, transform_indices = @transform_5, window_bounds = array<i64: 128, 64>}, {pipeline_mode = #tpu.pipeline_mode<synchronous>, transform_indices = @transform_6, window_bounds = array<i64: 1, 64>}, {pipeline_mode = #tpu.pipeline_mode<synchronous>, transform_indices = @transform_7, window_bounds = array<i64: 64, 1>}, {pipeline_mode = #tpu.pipeline_mode<synchronous>, transform_indices = @transform_8, window_bounds = array<i64: 1, 1>}, {transform_indices = @transform_9, window_bounds = array<i64: 8192, 1>}]} {
    %get3A = arith.constant 0 : index
    %get3A_0 = arith.constant 0 : index
    %get3A_1 = vector.load %arg1[%get3A, %get3A_0] : memref<8192x50xf32, #tpu.memory_space<vmem>>, vector<8192x50xf32>
    %get3A_2 = arith.constant 0 : index
    %get3A_3 = arith.constant 0 : index
    %get3A_4 = vector.load %arg2[%get3A_2, %get3A_3] : memref<8192x50xf32, #tpu.memory_space<vmem>>, vector<8192x50xf32>
    %get3A_5 = arith.constant 0 : index
    %get3A_6 = arith.constant 0 : index
    %get3A_7 = vector.load %arg3[%get3A_5, %get3A_6] : memref<50x128xf32, #tpu.memory_space<vmem>>, vector<50x128xf32>
    %dot_general3A = arith.constant dense<0.000000e+00> : vector<8192x128xf32>
    %dot_general3A_8 = tpu.matmul %get3A_1, %get3A_7, %dot_general3A {dimension_numbers = #tpu.dot_dimension_numbers<[1], [0], [0], [1], [0, 0, 1, 1], [], []>, transpose_lhs_hint = false} : vector<8192x50xf32>, vector<50x128xf32>, vector<8192x128xf32> -> vector<8192x128xf32>
    %get3A_9 = arith.constant 0 : index
    %get3A_10 = arith.constant 0 : index
    %get3A_11 = vector.load %arg4[%get3A_9, %get3A_10] : memref<50x128xf32, #tpu.memory_space<vmem>>, vector<50x128xf32>
    %dot_general3A_12 = arith.constant dense<0.000000e+00> : vector<8192x128xf32>
    %dot_general3A_13 = tpu.matmul %get3A_4, %get3A_11, %dot_general3A_12 {dimension_numbers = #tpu.dot_dimension_numbers<[1], [0], [0], [1], [0, 0, 1, 1], [], []>, transpose_lhs_hint = false} : vector<8192x50xf32>, vector<50x128xf32>, vector<8192x128xf32> -> vector<8192x128xf32>
    %add3A = arith.addf %dot_general3A_8, %dot_general3A_13 : vector<8192x128xf32>
    %get3A_14 = arith.constant 0 : index
    %get3A_15 = arith.constant 0 : index
    %get3A_16 = vector.load %arg5[%get3A_14, %get3A_15] : memref<1x128xf32, #tpu.memory_space<vmem>>, vector<1x128xf32>
    %add3A_17 = vector.broadcast %get3A_16 : vector<1x128xf32> to vector<8192x128xf32>
    %add3A_18 = arith.addf %add3A, %add3A_17 : vector<8192x128xf32>
    %max3A = arith.constant 0.000000e+00 : f32
    %max3A_19 = vector.broadcast %max3A : f32 to vector<8192x128xf32>
    %max3A_20 = arith.maximumf %add3A_18, %max3A_19 : vector<8192x128xf32>
    %get3A_21 = arith.constant 0 : index
    %get3A_22 = arith.constant 0 : index
    %get3A_23 = vector.load %arg6[%get3A_21, %get3A_22] : memref<128x64xf32, #tpu.memory_space<vmem>>, vector<128x64xf32>
    %dot_general3A_24 = arith.constant dense<0.000000e+00> : vector<8192x64xf32>
    %dot_general3A_25 = tpu.matmul %max3A_20, %get3A_23, %dot_general3A_24 {dimension_numbers = #tpu.dot_dimension_numbers<[1], [0], [0], [1], [0, 0, 1, 1], [], []>, transpose_lhs_hint = false} : vector<8192x128xf32>, vector<128x64xf32>, vector<8192x64xf32> -> vector<8192x64xf32>
    %get3A_26 = arith.constant 0 : index
    %get3A_27 = arith.constant 0 : index
    %get3A_28 = vector.load %arg7[%get3A_26, %get3A_27] : memref<1x64xf32, #tpu.memory_space<vmem>>, vector<1x64xf32>
    %add3A_29 = vector.broadcast %get3A_28 : vector<1x64xf32> to vector<8192x64xf32>
    %add3A_30 = arith.addf %dot_general3A_25, %add3A_29 : vector<8192x64xf32>
    %max3A_31 = arith.constant 0.000000e+00 : f32
    %max3A_32 = vector.broadcast %max3A_31 : f32 to vector<8192x64xf32>
    %max3A_33 = arith.maximumf %add3A_30, %max3A_32 : vector<8192x64xf32>
    %get3A_34 = arith.constant 0 : index
    %get3A_35 = arith.constant 0 : index
    %get3A_36 = vector.load %arg8[%get3A_34, %get3A_35] : memref<64x1xf32, #tpu.memory_space<vmem>>, vector<64x1xf32>
    %dot_general3A_37 = arith.constant dense<0.000000e+00> : vector<8192x1xf32>
    %dot_general3A_38 = tpu.matmul %max3A_33, %get3A_36, %dot_general3A_37 {dimension_numbers = #tpu.dot_dimension_numbers<[1], [0], [0], [1], [0, 0, 1, 1], [], []>, transpose_lhs_hint = false} : vector<8192x64xf32>, vector<64x1xf32>, vector<8192x1xf32> -> vector<8192x1xf32>
    %get3A_39 = arith.constant 0 : index
    %get3A_40 = arith.constant 0 : index
    %get3A_41 = vector.load %arg9[%get3A_39, %get3A_40] : memref<1x1xf32, #tpu.memory_space<vmem>>, vector<1x1xf32>
    %add3A_42 = vector.broadcast %get3A_41 : vector<1x1xf32> to vector<8192x1xf32>
    %add3A_43 = arith.addf %dot_general3A_38, %add3A_42 : vector<8192x1xf32>
    %swap3A = arith.constant 0 : index
    %swap3A_44 = arith.constant 0 : index
    %swap3A_45 = vector.load %arg10[%swap3A, %swap3A_44] : memref<8192x1xf32, #tpu.memory_space<vmem>>, vector<8192x1xf32>
    tpu.vector_store %arg10[%swap3A, %swap3A_44], %add3A_43 {strides = array<i32>} : memref<8192x1xf32, #tpu.memory_space<vmem>>, vector<8192x1xf32>,
    return
  }
  func.func @transform_0(%arg0: i32) -> (i32, i32) {
    %c0_i32 = arith.constant 0 : i32
    %c0_i32_0 = arith.constant 0 : i32
    return %arg0, %c0_i32 : i32, i32
  }
  func.func @transform_1(%arg0: i32) -> (i32, i32) {
    %c0_i32 = arith.constant 0 : i32
    %c0_i32_0 = arith.constant 0 : i32
    return %arg0, %c0_i32 : i32, i32
  }
  func.func @transform_2(%arg0: i32) -> (i32, i32) {
    %c0_i32 = arith.constant 0 : i32
    %c0_i32_0 = arith.constant 0 : i32
    %c0_i32_1 = arith.constant 0 : i32
    return %c0_i32, %c0_i32_0 : i32, i32
  }
  func.func @transform_3(%arg0: i32) -> (i32, i32) {
    %c0_i32 = arith.constant 0 : i32
    %c0_i32_0 = arith.constant 0 : i32
    %c0_i32_1 = arith.constant 0 : i32
    return %c0_i32, %c0_i32_0 : i32, i32
  }
  func.func @transform_4(%arg0: i32) -> (i32, i32) {
    %c0_i32 = arith.constant 0 : i32
    %c0_i32_0 = arith.constant 0 : i32
    %c0_i32_1 = arith.constant 0 : i32
    return %c0_i32, %c0_i32_0 : i32, i32
  }
  func.func @transform_5(%arg0: i32) -> (i32, i32) {
    %c0_i32 = arith.constant 0 : i32
    %c0_i32_0 = arith.constant 0 : i32
    %c0_i32_1 = arith.constant 0 : i32
    return %c0_i32, %c0_i32_0 : i32, i32
  }
  func.func @transform_6(%arg0: i32) -> (i32, i32) {
    %c0_i32 = arith.constant 0 : i32
    %c0_i32_0 = arith.constant 0 : i32
    %c0_i32_1 = arith.constant 0 : i32
    return %c0_i32, %c0_i32_0 : i32, i32
  }
  func.func @transform_7(%arg0: i32) -> (i32, i32) {
    %c0_i32 = arith.constant 0 : i32
    %c0_i32_0 = arith.constant 0 : i32
    %c0_i32_1 = arith.constant 0 : i32
    return %c0_i32, %c0_i32_0 : i32, i32
  }
  func.func @transform_8(%arg0: i32) -> (i32, i32) {
    %c0_i32 = arith.constant 0 : i32
    %c0_i32_0 = arith.constant 0 : i32
    %c0_i32_1 = arith.constant 0 : i32
    return %c0_i32, %c0_i32_0 : i32, i32
  }
  func.func @transform_9(%arg0: i32) -> (i32, i32) {
    %c0_i32 = arith.constant 0 : i32
    %c0_i32_0 = arith.constant 0 : i32
    return %arg0, %c0_i32 : i32, i32
  }
}

</mosaic_0001>

<sc_bundles>
// kernel: kernel.4.cloned.1.call-start
scs
__scs_entry_jumppad:
0x0: {  	(pc) =	sbr.rel $0x88, $3  }
0x1: {  	(tag) =	ssettag $0x0;
	lr =	simm.s32 $0x1  }
0x2: {  	[smem:$0x3F97] =	sst lr;
	_ =	strace $0xD0000000  }
0x3: {  	_ = 	snop  }
0x4: {  	_ = 	snop  }
0x5: {  	_ = 	snop  }
0x6: {  	_ = 	snop  }
0x7: {  	_ = 	snop  }
__scs_overlays_trampoline_lowered:
0x8: {  	[smem:$0x3FA6] =	sst s0  }
0x9: {  	[smem:$0x3FA7] =	sst s1  }
0xa: {  	[smem:$0x3FA8] =	sst s2  }
0xb: {  	[smem:$0x3FA9] =	sst s3  }
0xc: {  	[smem:$0x3FAA] =	sst s4  }
0xd: {  	[smem:$0x3FAB] =	sst s5  }
0xe: {  	[smem:$0x3FAC] =	sst s6  }
0xf: {  	[smem:$0x3FAD] =	sst s7  }
0x10: {  	[smem:$0x3FAE] =	sst s8  }
0x11: {  	[smem:$0x3FAF] =	sst s9;
	s0 =	simm.s32 @!p0 $0x0  }
0x12: {  	s1 =	sld [smem:$0x3F95];
	s0 =	simm.s32 @p0 $0x1  }
0x13: {  	[smem:$0x3FB0] =	sst s0;
	s0 =	simm.s32 @!p1 $0x0  }
0x14: {  	s2 =	sld [smem:$0x3F94];
	s0 =	simm.s32 @p1 $0x1  }
0x15: {  	[smem:$0x3FB1] =	sst s0;
	s0 =	simm.s32 @!p2 $0x0  }
0x16: {  	s3 =	sld [smem:$0x3FDB];
	s0 =	simm.s32 @p2 $0x1  }
0x17: {  	s4 =	simm.s32 $0x1BF5;
	[smem:$0x3FB3] =	sst s0  }
0x18: {  	s0 =	sld [smem:$0x3F96];
	_ =	swait.ge [sflag:s4], $0x0  }
0x19: {  	s7 =	sld [smem:$0x3F97]  }
0x1a: {  	s8 =	sadd.s32 $0xFFFFE003, lr  }
0x1b: {  	s9 =	sadd.s32 $0xFFFFFEF7, lr;
	s5 =	simm.s32 $0xFFFFFFFF;
	p2 =	slt.u32 s8, $0xFFFFF086  }
0x1c: {  	p1 =	slt.u32 s9, $0xF7A;
	s5 =	simm.s32 @!p2 $0x0  }
0x1d: {  	s5 =	simm.s32 @p1 $0x1;
	p0 =	seq.s32 s7, s2  }
0x1e: {  	s7 =	smul.u32 @!p0 $0xF7A, s2;
	p2 =	seq.s32 @!p0 s5, $0x0  }
0x1f: {  	s9 =	smul.u32 $0xF7A, s1;
	s8 =	simm.s32 @!p0 $0x1BF5;
	p2 =	por !p2, p0  }
0x20: {  	[sflag:s8] =	ssyncset.s32 @!p0 $0xFFFFF086;
	s6 =	sadd.s32 @!p0 s3, s7;
	s7 =	simm.s32 @!p0 $0x108  }
0x21: {  	s3 =	sadd.s32 s3, s9;
	s6 =	sadd.s32 @!p0 $0x88, s6;
	s7 =	simm.s32 @p2 $0x1082  }
0x22: {  	[simem:s7], [sflag:s8] =	dma.local @!p0 [hbm:s6], $0xF7A  }
0x23: {  	s9 =	sor.u32 $0xD0000000, s2;
	s6 =	simm.s32 $0x108;
	_ =	swait.ge @!p0 [sflag:s8], $0x0  }
0x24: {  	s3 =	sadd.s32 $0x88, s3;
	s6 =	simm.s32 @!p1 $0x1082;
	[sflag:s4] =	ssyncset.s32 $0xFFFFF086  }
0x25: {  	[simem:s6], [sflag:s4] =	dma.local [hbm:s3], $0xF7A  }
0x26: {  	[smem:$0x3F97] =	sst s1;
	(tag) =	ssettag s2;
	_ =	strace s9  }
0x27: {  	s1 =	sld [smem:$0x3FA7]  }
0x28: {  	s2 =	sld [smem:$0x3FA8]  }
0x29: {  	s4 =	sld [smem:$0x3FAA]  }
0x2a: {  	p0 =	seq.s32 s5, $0x0;
	s5 =	sld [smem:$0x3FAB]  }
0x2b: {  	s6 =	sld [smem:$0x3FAC]  }
0x2c: {  	s7 =	sld [smem:$0x3FAD]  }
0x2d: {  	s3 =	simm.s32 $0x108;
	s8 =	sld [smem:$0x3FAE]  }
0x2e: {  	s3 =	simm.s32 @!p0 $0x1082;
	s9 =	sld [smem:$0x3FAF]  }
0x2f: {  	lr =	sadd.s32 s0, s3;
	s0 =	sld [smem:$0x3FA6]  }
0x30: {  	s3 =	sld [smem:$0x3FA9]  }
0x31: {  	[smem:$0x3FB2] =	sst s10  }
0x32: {  	s10 =	sld [smem:$0x3FB0];
	_ =	sdelay $0x3  }
0x33: {  	p0 =	seq.s32 s10, $0x1;
	s10 =	sld [smem:$0x3FB2];
	_ =	sdelay $0x3  }
0x34: {  	[smem:$0x3FB2] =	sst s10  }
0x35: {  	s10 =	sld [smem:$0x3FB1];
	_ =	sdelay $0x3  }
0x36: {  	p1 =	seq.s32 s10, $0x1;
	s10 =	sld [smem:$0x3FB2];
	_ =	sdelay $0x3  }
0x37: {  	[smem:$0x3FB2] =	sst s10  }
0x38: {  	s10 =	sld [smem:$0x3FB3]  }
0x39: {  	_ = 	snop;
	(pc) =	sbr.ind lr, $3  }
0x3a: {  	_ = 	snop  }
0x3b: {  	_ = 	snop  }
0x3c: {  	p2 =	seq.s32 s10, $0x1;
	s10 =	sld [smem:$0x3FB2]  }
0x3d: {  	_ =	shalt  }
0x3e: {  	_ =	shalt  }
0x3f: {  	_ =	shalt  }
0x40: {  	_ =	shalt  }
0x41: {  	_ =	shalt  }
0x42: {  	_ =	shalt  }
0x43: {  	_ =	shalt  }
0x44: {  	_ =	shalt  }
0x45: {  	_ =	shalt  }
0x46: {  	_ =	shalt  }
0x47: {  	_ =	shalt  }
0x48: {  	_ =	shalt  }
0x49: {  	_ =	shalt  }
0x4a: {  	_ =	shalt  }
0x4b: {  	_ =	shalt  }
0x4c: {  	_ =	shalt  }
0x4d: {  	_ =	shalt  }
0x4e: {  	_ =	shalt  }
0x4f: {  	_ =	shalt  }
0x50: {  	_ =	shalt  }
0x51: {  	_ =	shalt  }
0x52: {  	_ =	shalt  }
0x53: {  	_ =	shalt  }
0x54: {  	_ =	shalt  }
0x55: {  	_ =	shalt  }
0x56: {  	_ =	shalt  }
0x57: {  	_ =	shalt  }
0x58: {  	_ =	shalt  }
0x59: {  	_ =	shalt  }
0x5a: {  	_ =	shalt  }
0x5b: {  	_ =	shalt  }
0x5c: {  	_ =	shalt  }
0x5d: {  	_ =	shalt  }
0x5e: {  	_ =	shalt  }
0x5f: {  	_ =	shalt  }
0x60: {  	_ =	shalt  }
0x61: {  	_ =	shalt  }
0x62: {  	_ =	shalt  }
0x63: {  	_ =	shalt  }
0x64: {  	_ =	shalt  }
0x65: {  	_ =	shalt  }
0x66: {  	_ =	shalt  }
0x67: {  	_ =	shalt  }
0x68: {  	_ =	shalt  }
0x69: {  	_ =	shalt  }
0x6a: {  	_ =	shalt  }
0x6b: {  	_ =	shalt  }
0x6c: {  	_ =	shalt  }
0x6d: {  	_ =	shalt  }
0x6e: {  	_ =	shalt  }
0x6f: {  	_ =	shalt  }
0x70: {  	_ =	shalt  }
0x71: {  	_ =	shalt  }
0x72: {  	_ =	shalt  }
0x73: {  	_ =	shalt  }
0x74: {  	_ =	shalt  }
0x75: {  	_ =	shalt  }
0x76: {  	_ =	shalt  }
0x77: {  	_ =	shalt  }
0x78: {  	_ =	shalt  }
0x79: {  	_ =	shalt  }
0x7a: {  	_ =	shalt  }
0x7b: {  	_ =	shalt  }
0x7c: {  	_ =	shalt  }
0x7d: {  	_ =	shalt  }
0x7e: {  	_ =	shalt  }
0x7f: {  	_ =	shalt  }
0x80: {  	_ =	shalt  }
0x81: {  	_ =	shalt  }
0x82: {  	_ =	shalt  }
0x83: {  	_ =	shalt  }
0x84: {  	_ =	shalt  }
0x85: {  	_ =	shalt  }
0x86: {  	_ =	shalt  }
0x87: {  	_ =	shalt  }
.Lfunc_end0:
.L_simem_size_0:
called_computation_lowered:
.L_overlay_start_0:
0x88: {  	s2 =	sld [smem:$0x3FD9]  }
0x89: {  	s3 =	sld [smem:$0x3FFE];
	_ =	sdelay $0x1  }
0x8a: {  	s1 =	srdreg.scid  }
0x8b: {  	s0 =	sand.u32 $0x1, s1  }
0x8c: {  	s17 =	sshll.u32 s0, $0xA;
	s2 =	sadd.s32 s3, s2  }
0x8d: {  	s2 =	sadd.s32 s2, s17  }
0x8e: {  	[smem:$0x3FBE] =	sst s2  }
0x8f: {  	_ = 	snop  }
0x90: {  	s2 =	sld [smem:$0x3FD0];
	(tm) =	ssettm $0x1  }
0x91: {  	s18 =	sld [smem:$0x3FFB];
	_ =	sdelay $0x3  }
0x92: {  	_ =	strace s18  }
0x93: {  	s3 =	sld [smem:$0x3FFC];
	_ =	sdelay $0x3  }
0x94: {  	_ =	strace s3  }
0x95: {  	s3 =	sld [smem:$0x3FFD];
	_ =	sdelay $0x3  }
0x96: {  	_ =	strace s3  }
0x97: {  	_ =	strace $0x8FFFFFFF  }
0x98: {  	s19 =	sld [smem:$0x3FDB];
	_ =	sdelay $0x1  }
0x99: {  	s4 =	simm.s32 $_scs_section_size  }
0x9a: {  	s5 =	simm.s32 $_size__tile_overlayer_lowered;
	s6 =	simm.s32 $_tile_overlayer_lowered  }
0x9b: {  	s22 =	simm.s32 $0x1BFF;
	s21 =	sshll.u32 s6, $0x1;
	s3 =	sadd.s32 s4, s19  }
0x9c: {  	s7 =	simm.s32 $0x0;
	s20 =	sshll.u32 s5, $0x1;
	s5 =	sadd.s32 s21, s3  }
0x9d: {  	[timem:s7], [sflag:s22] =	dma.local [hbm:s5], s20  }
0x9e: {  	_ =	swait.ge [sflag:s22], s20  }
0x9f: {  	s4 =	ssub.s32 $0x0, s20;
	[sflag:s22] =	ssyncset.done $0x0  }
0xa0: {  	[sflag:s22] =	ssyncadd.s32 s4;
	_ =	sdelay $0x1  }
0xa1: {  	s23 =	simm.s32 $0x1B8B  }
0xa2: {  	_ =	swait.ge [sflag:s23], $0x1  }
0xa3: {  	[sflag:s23] =	ssyncset.done $0x0  }
0xa4: {  	s25 =	simm.s32 $0x1B8E;
	s24 =	sld [smem:$0x3FFE];
	[sflag:s23] =	ssyncadd.s32 $0xFFFFFFFF  }
0xa5: {  	s26 =	simm.s32 $execute0_lowered;
	[smem:$0x3FD2] =	sst s25  }
0xa6: {  	s5 =	sshll.u32 s26, $0x1;
	_ =	strace $0x80000046;
	[dreg:$0x1] =	wrdreg $0xFFFFFFFF  }
0xa7: {  	s28 =	simm.s32 $_size_execute0_lowered;
	s3 =	sadd.s32 s3, s5;
	[dreg:$0x0] =	wrdreg $0x0  }
0xa8: {  	s5 =	sshll.u32 s28, $0x1;
	[dreg:$0x2] =	wrdreg s3  }
0xa9: {  	[dreg:$0x3] =	wrdreg s5  }
0xaa: {  	[dreg:$0x4] =	wrdreg $0xC0  }
0xab: {  	_ =	task [dreg:s7], $0x5FFFF  }
0xac: {  	[dreg:$0x1] =	wrdreg $0xFFFFFFFF  }
0xad: {  	[dreg:$0x0] =	wrdreg $0x60  }
0xae: {  	[dreg:$0x2] =	wrdreg s2  }
0xaf: {  	[dreg:$0x3] =	wrdreg s24  }
0xb0: {  	[dreg:$0x4] =	wrdreg $0x9  }
0xb1: {  	_ =	task.clear_ibuf [dreg:s7], $0x5FFFF;
	_ =	strace $0x90000046  }
0xb2: {  	s29 =	simm.s32 $0x9;
	_ =	strace $0x80000048  }
0xb3: {  	_ =	swait.ge [sflag:s29], $0x1  }
0xb4: {  	[sflag:s29] =	ssyncadd.s32 $0xFFFFFFFF  }
0xb5: {  	_ =	strace $0x90000048  }
0xb6: {  	_ =	sfence  }
0xb7: {  	s30 =	sld [smem:$0x0];
	_ =	sdelay $0x2  }
0xb8: {  	s31 =	sshll.u32 s1, $0xD;
	s1 =	sshrl.u32 s1, $0x2  }
0xb9: {  	s3 =	sand.u32 $0x4000, s31;
	s1 =	sadd.s32 s1, s30  }
0xba: {  	s0 =	sor.u32 s3, s0;
	s1 =	sshll.u32 s1, $0x11  }
0xbb: {  	s0 =	sor.u32 s1, s0  }
0xbc: {  	s0 =	sadd.s32 $0x8F2B, s0  }
0xbd: {  	[sflag:s0] =	ssyncadd.remote.s32 $0x1  }
0xbe: {  	_ =	sfence.sel $0xFFFF  }
0xbf: {  	[dreg:$0x0] =	wrdreg $0xFFFFFFFF;
	(pc) =	sbr.abs _section_cstart, $3  }
0xc0: {  	[dreg:$0x1] =	wrdreg $0xFFFFFFFF  }
0xc1: {  	_ =	task.clear_ibuf [dreg:s7], $0x2FFFF;
	_ =	strace $0x9FFFFFFF  }
0xc2: {  	(tm) =	ssettm $0x7FFFFFFF  }
0xc3: {  	_ =	shalt  }
tec
execute0_lowered:
.L_overlay_start_1:
0x0: {  	(tag) =	ssettag $0x1  }
0x1: {  	s0 =	srdreg.scid;
	s5 =	rddreg [dreg:$0x0]  }
0x2: {  	s2 =	stileid.u32;
	s6 =	rddreg [dreg:$0x1]  }
0x3: {  	s0 =	sand.u32 $0x1, s0;
	s1 =	sshll.u32 s2, $0x1;
	s3 =	sshll.u32 s2, $0x7  }
0x4: {  	s2 =	simm.s32 $0x0;
	s10 =	sadd.s32 $0x1E86A00, s6;
	s1 =	sor.u32 s0, s1  }
0x5: {  	[smem:$0x7FF] =	sst s2;
	s0 =	ssub.s32 $0x2, s0;
	s4 =	sshll.u32 s1, $0x4  }
0x6: {  	_ =	strace $0x80000047;
	s9 =	sshrl.u32 s0, $0x1;
	s1 =	sshll.u32 s1, $0xD  }
0x7: {  	s3 =	sor.u32 s3, s4;
	s4 =	sadd.s32 $0xF43E00, s6;
	s0 =	ssub.s32 s0, s9  }
0x8: {  	s29 =	sadd.s32 s10, s1;
	s7 =	sand.u32 $0x670, s3;
	s3 =	sadd.s32 $0x1A00, s6  }
0x9: {  	[smem:$0x7F9] =	sst s29;
	s0 =	smax.u32 s0, $0x1;
	s8 =	sadd.s32 s7, s6  }
0xa: {  	vm0 =	vmmov $0x1;
	s6 =	sadd.s32 $0x1EC6A00, s6;
	s5 =	sadd.s32 s5, s7;
	[smem:$0x7FD] =	sst s0  }
0xb: {  	vm1 =	vcmask $0x308;
	vm2 =	vcmask $0x70C;
	vm3 =	vcmask $0xB10;
	[smem:$0x7F7] =	sst s5;
	s28 =	sadd.s32 $0x1E86200, s8  }
0xc: {  	vm4 =	vcmask $0xF14;
	vm5 =	vcmask $0x1318;
	vm6 =	vcmask $0x171C;
	s30 =	sadd.s32 s6, s1;
	s1 =	sor.u32 $0x1000, s1;
	[smem:$0x7F8] =	sst s28  }
0xd: {  	vm7 =	vcmask $0x1B20;
	vm8 =	vcmask $0x1F24;
	vm9 =	vcmask $0x2328;
	[smem:$0x7FA] =	sst s30;
	s31 =	sadd.s32 s10, s1  }
0xe: {  	vm10 =	vcmask $0x272C;
	vm11 =	vcmask $0x2B30;
	vm12 =	vcmask $0x2F34;
	s7 =	simm.s32 $0x2;
	s1 =	sadd.s32 s6, s1;
	[smem:$0x7FB] =	sst s31  }
0xf: {  	vm13 =	vcmask $0x3338;
	vm14 =	vcmask $0x373C;
	vm15 =	vmmov $0x7fff;
	s6 =	simm.s32 $0x400;
	[smem:$0x7FC] =	sst s1;
	s1 =	simm.s32 $0x0  }
.LBB2_1:
0x10: {  	s0 =	sld [smem:$0x7F7];
	_ =	sdelay $0x1  }
0x11: {  	[smem:$0x7F6] =	sst s1;
	s5 =	simm.s32 $0x80  }
0x12: {  	[tilespmem:s2], [sflag:$0x2] =	stream.strided.gather [hbm4b:s0+s5], $0x200, s6, s5, $0x38;
	[tilespmem:$0x10400] =	vst v63  }
0x13: {  	_ =	swait.ge [sflag:s7], $0x200  }
0x14: {  	s13 =	sld [smem:$0x7F8]  }
0x15: {  	[sflag:s7] =	ssyncset.done $0x0  }
0x16: {  	s12 =	simm.s32 $0x200;
	[sflag:s7] =	ssyncadd.s32 $0xFFFFFE00  }
0x17: {  	[tilespmem:s12], [sflag:$0x2] =	stream.strided.gather [hbm4b:s13+s5], $0x200, s6, s5, $0x38;
	[tilespmem:$0x10400] =	vst v63  }
0x18: {  	_ =	swait.ge [sflag:s7], $0x200  }
0x19: {  	[sflag:s7] =	ssyncset.done $0x0  }
0x1a: {  	[sflag:s7] =	ssyncadd.s32 $0xFFFFFE00  }
0x1b: {  	v0 =	vld [tilespmem:s12+$0x0]  }
0x1c: {  	v1 =	vld [tilespmem:s2+$0x0];
	_ =	sdelay $0x3  }
0x1d: {  	v2 =	vnsel vm0, $0x0, v0  }
0x1e: {  	v3 =	vnsel vm0, $0x0, v1;
	(xrf0) =	vadd.scan.msk.s32 $0xffff, v2  }
0x1f: {  	v2 =	vsel vm1, $0x0, v1;
	(xrf0) =	vadd.scan.msk.s32 $0xffff, v3  }
0x20: {  	v3 =	vsel vm11, $0x0, v0;
	(xrf0) =	vadd.scan.msk.s32 $0xffff, v2  }
0x21: {  	v2 =	vsel vm2, $0x0, v0;
	(xrf0) =	vadd.scan.msk.s32 $0xffff, v3;
	v3 =	vsel vm3, $0x0, v0  }
0x22: {  	(xrf0) =	vadd.scan.msk.s32 $0xffff, v2;
	v2 =	vsel vm2, $0x0, v1  }
0x23: {  	(xrf0) =	vadd.scan.msk.s32 $0xffff, v3  }
0x24: {  	v4 =	vsel vm5, $0x0, v0;
	v3, _, _ =	vpop (xrf0);
	(xrf0) =	vadd.scan.msk.s32 $0xffff, v2  }
0x25: {  	v2, _, _ =	vpop (xrf0);
	(v2sf) =	vpush v3, $0xF;
	v3 =	vsel vm1, $0x0, v0;
	(xrf0) =	vadd.scan.msk.s32 $0xffff, v4;
	v4 =	vsel vm12, $0x0, v0  }
0x26: {  	(v2sf) =	vpush v2, $0xF;
	v2, _, _ =	vpop (xrf0);
	(xrf0) =	vadd.scan.msk.s32 $0xffff, v3;
	v3 =	vsel vm6, $0x0, v0  }
0x27: {  	(v2sf) =	vpush v2, $0xF;
	v2, _, _ =	vpop (xrf0)  }
0x28: {  	(xrf0) =	vadd.scan.msk.s32 $0xffff, v4;
	v4, _, _ =	vpop (xrf0);
	(v2sf) =	vpush v2, $0xF;
	v2 =	vsel vm13, $0x0, v0  }
0x29: {  	(xrf0) =	vadd.scan.msk.s32 $0xffff, v3;
	(v2sf) =	vpush v4, $0xF;
	v3, _, _ =	vpop (xrf0);
	v4 =	vsel vm3, $0x0, v1  }
0x2a: {  	(v2sf) =	vpush v3, $0xF;
	v3 =	vsel vm4, $0x0, v1  }
0x2b: {  	(xrf0) =	vadd.scan.msk.s32 $0xffff, v2;
	v2, _, _ =	vpop (xrf0)  }
0x2c: {  	(xrf0) =	vadd.scan.msk.s32 $0xffff, v4;
	v4, _, _ =	vpop (xrf0);
	(v2sf) =	vpush v2, $0xF  }
0x2d: {  	v2 =	vsel vm7, $0x0, v0;
	(xrf0) =	vadd.scan.msk.s32 $0xffff, v3;
	v3, _, _ =	vpop (xrf0)  }
0x2e: {  	(v2sf) =	vpush v3, $0xF  }
0x2f: {  	v3 =	vsel vm5, $0x0, v1  }
0x30: {  	s19 =	simm.s32 $0x2000;
	s18 =	simm.s32 $0x0;
	s8 =	simm.s32 $0x8500;
	v5 =	vsel vm8, $0x0, v0;
	(xrf0) =	vadd.scan.msk.s32 $0xffff, v2;
	v2, _, _ =	vpop (xrf0)  }
0x31: {  	s1 =	simm.s32 $0x700;
	s28 =	simm.s32 $0x900;
	s11 =	simm.s32 $0x400;
	(xrf0) =	vadd.scan.msk.s32 $0xffff, v5;
	(v2sf) =	vpush v4, $0xF;
	v4, _, _ =	vpop (xrf0)  }
0x32: {  	s15 =	simm.s32 $0x500;
	s29 =	simm.s32 $0x8880;
	s16 =	simm.s32 $0x8480;
	(xrf0) =	vadd.scan.msk.s32 $0xffff, v3;
	v3, _, _ =	vpop (xrf0);
	(v2sf) =	vpush v4, $0xF  }
0x33: {  	s30 =	simm.s32 $0x880;
	s31 =	simm.s32 $0x800;
	s10 =	simm.s32 $0x780;
	v5 =	vsel vm9, $0x0, v0;
	v4, _, _ =	vpop (xrf0)  }
0x34: {  	s14 =	simm.s32 $0x8700;
	s0 =	simm.s32 $0x600;
	(v2sf) =	vpush v4, $0xF;
	s17 =	spop (v2sf)  }
0x35: {  	s5 =	simm.s32 $0x8580;
	s13 =	simm.s32 $0x8400;
	v4 =	vsel vm7, $0x0, v1;
	s9 =	spop (v2sf)  }
0x36: {  	s6 =	simm.s32 $0x680;
	[dreg:$0x8] =	wrdreg s10;
	v6 =	vsel vm6, $0x0, v1;
	(xrf0) =	vadd.scan.msk.s32 $0xffff, v5;
	v5, _, _ =	vpop (xrf0);
	s20 =	spop (v2sf)  }
0x37: {  	(xrf0) =	vadd.scan.msk.s32 $0xffff, v6;
	v6 =	vsel vm4, $0x0, v0;
	(v2sf) =	vpush v5, $0xF;
	s17 =	sshll.u32 s17, $0x4;
	s21 =	sshll.u32 s9, $0x4;
	s9 =	spop (v2sf)  }
0x38: {  	(xrf0) =	vadd.scan.msk.s32 $0xffff, v4;
	v4, _, _ =	vpop (xrf0);
	s17 =	sand.u32 $0x1FFFFFF0, s17;
	s21 =	sand.u32 $0x1FFFFFF0, s21;
	s22 =	spop (v2sf)  }
0x39: {  	(xrf0) =	vadd.scan.msk.s32 $0xffff, v6;
	v5, _, _ =	vpop (xrf0);
	(v2sf) =	vpush v4, $0xF;
	s20 =	sshll.u32 s20, $0x4;
	s21 =	sadd.s32 s3, s21;
	s23 =	spop (v2sf)  }
0x3a: {  	v6, _, _ =	vpop (xrf0);
	[tilespmem:s11], [sflag:$0x1] =	stream.linear.gather [hbm4b:s21+s2], $0x80, $0x38;
	[tilespmem:$0x10400] =	vst v63  }
0x3b: {  	s17 =	sadd.s32 s4, s17;
	s25 =	sand.u32 $0x1FFFFFF0, s20;
	(v2sf) =	vpush v6, $0xF;
	s24 =	spop (v2sf)  }
0x3c: {  	(v2sf) =	vpush v5, $0xF;
	[tilespmem:s13], [sflag:$0x1] =	stream.linear.gather [hbm4b:s17+s2], $0x80, $0x38;
	[tilespmem:$0x10400] =	vst v63  }
0x3d: {  	s12 =	simm.s32 $0x480;
	v4, _, _ =	vpop (xrf0);
	s13 =	sadd.s32 s3, s25;
	s26 =	spop (v2sf)  }
0x3e: {  	v6, _, _ =	vpop (xrf0);
	(v2sf) =	vpush v4, $0xF;
	[tilespmem:s12], [sflag:$0x1] =	stream.linear.gather [hbm4b:s13+s2], $0x80, $0x38;
	[tilespmem:$0x10400] =	vst v63  }
0x3f: {  	[dreg:$0xa] =	wrdreg s14;
	s10 =	simm.s32 $0x8600;
	v5, _, _ =	vpop (xrf0);
	s14 =	sshll.u32 s26, $0x4  }
0x40: {  	v4, _, _ =	vpop (xrf0);
	s24 =	sshll.u32 s24, $0x4;
	s11 =	spop (v2sf);
	s17 =	sand.u32 $0x1FFFFFF0, s14  }
0x41: {  	(v2sf) =	vpush v4, $0xF;
	s12 =	sand.u32 $0x1FFFFFF0, s24;
	s13 =	spop (v2sf);
	s17 =	sadd.s32 s4, s17  }
0x42: {  	[tilespmem:s16], [sflag:$0x1] =	stream.linear.gather [hbm4b:s17+s2], $0x80, $0x38;
	[tilespmem:$0x10400] =	vst v63  }
0x43: {  	s26 =	sshll.u32 s22, $0x4;
	s12 =	sadd.s32 s3, s12;
	s25 =	spop (v2sf)  }
0x44: {  	[tilespmem:s15], [sflag:$0x1] =	stream.linear.gather [hbm4b:s12+s2], $0x80, $0x38;
	[tilespmem:$0x10400] =	vst v63  }
0x45: {  	s7 =	simm.s32 $0x580;
	v4 =	vsel vm8, $0x0, v1;
	s16 =	sand.u32 $0x1FFFFFF0, s26;
	s24 =	sshll.u32 s25, $0x4  }
0x46: {  	(xrf0) =	vadd.scan.msk.s32 $0xffff, v4;
	s14 =	spop (v2sf);
	s12 =	sadd.s32 s4, s16;
	s26 =	sand.u32 $0x1FFFFFF0, s24  }
0x47: {  	v7 =	vsel vm9, $0x0, v1;
	[tilespmem:s8], [sflag:$0x1] =	stream.linear.gather [hbm4b:s12+s2], $0x80, $0x38;
	[tilespmem:$0x10400] =	vst v63  }
0x48: {  	(xrf0) =	vadd.scan.msk.s32 $0xffff, v7;
	s25 =	sshll.u32 s23, $0x4;
	s12 =	sadd.s32 s3, s26;
	s15 =	spop (v2sf)  }
0x49: {  	[tilespmem:s7], [sflag:$0x1] =	stream.linear.gather [hbm4b:s12+s2], $0x80, $0x38;
	[tilespmem:$0x10400] =	vst v63  }
0x4a: {  	s21 =	simm.s32 $0x10;
	s8 =	sand.u32 $0x1FFFFFF0, s25;
	s20 =	spop (v2sf)  }
0x4b: {  	(v2sf) =	vpush v6, $0xF;
	s8 =	sadd.s32 s4, s8;
	s12 =	sshll.u32 s14, $0x4;
	s16 =	spop (v2sf)  }
0x4c: {  	[tilespmem:s5], [sflag:$0x1] =	stream.linear.gather [hbm4b:s8+s2], $0x80, $0x38;
	[tilespmem:$0x10400] =	vst v63  }
0x4d: {  	s17 =	simm.s32 $0xA80;
	s24 =	sand.u32 $0x1FFFFFF0, s12;
	s23 =	spop (v2sf);
	(v2sf) =	vpush v5, $0xF;
	v5 =	vsel vm10, $0x0, v1  }
0x4e: {  	s22 =	simm.s32 $0x210;
	[dreg:$0x5] =	wrdreg s17;
	v4, _, _ =	vpop (xrf0);
	s5 =	sadd.s32 s3, s24;
	(xrf0) =	vadd.scan.msk.s32 $0xffff, v5  }
0x4f: {  	v6, _, _ =	vpop (xrf0);
	(v2sf) =	vpush v4, $0xF;
	v4 =	vsel vm10, $0x0, v0;
	[tilespmem:s0], [sflag:$0x1] =	stream.linear.gather [hbm4b:s5+s2], $0x80, $0x38;
	[tilespmem:$0x10400] =	vst v63  }
0x50: {  	s17 =	sshll.u32 s13, $0x4;
	s26 =	simm.s32 $0x8A80;
	s14 =	spop (v2sf);
	(v2sf) =	vpush v6, $0xF;
	(xrf0) =	vadd.scan.msk.s32 $0xffff, v4;
	v4 =	vsel vm11, $0x0, v1  }
0x51: {  	[dreg:$0x4] =	wrdreg s26;
	s8 =	simm.s32 $0xB00;
	s25 =	sshll.u32 s14, $0x4;
	(xrf0) =	vadd.scan.msk.s32 $0xffff, v4;
	v4 =	vsel vm12, $0x0, v1  }
0x52: {  	s24 =	sshll.u32 s20, $0x4;
	s20 =	sshll.u32 s15, $0x4;
	v5 =	vsel vm13, $0x0, v1;
	s7 =	sand.u32 $0x1FFFFFF0, s25;
	(xrf0) =	vadd.scan.msk.s32 $0xffff, v4  }
0x53: {  	[dreg:$0x3] =	wrdreg s8;
	s26 =	sand.u32 $0x1FFFFFF0, s24;
	s12 =	sadd.s32 s4, s7;
	(xrf0) =	vadd.scan.msk.s32 $0xffff, v5  }
0x54: {  	v4 =	vsel vm14, $0x0, v1;
	[tilespmem:s10], [sflag:$0x1] =	stream.linear.gather [hbm4b:s12+s2], $0x80, $0x38;
	[tilespmem:$0x10400] =	vst v63  }
0x55: {  	s5 =	simm.s32 $0x8980;
	s0 =	simm.s32 $0x8A00;
	s14 =	sshll.u32 s11, $0x4;
	v5 =	vsel vm14, $0x0, v0;
	(xrf0) =	vadd.scan.msk.s32 $0xffff, v4  }
0x56: {  	s25 =	sand.u32 $0x1FFFFFF0, s14;
	s7 =	sshll.u32 s9, $0x4;
	s9 =	sadd.s32 s3, s26;
	(xrf0) =	vadd.scan.msk.s32 $0xffff, v5  }
0x57: {  	v1 =	vsel vm15, $0x0, v1;
	[tilespmem:s6], [sflag:$0x1] =	stream.linear.gather [hbm4b:s9+s2], $0x80, $0x38;
	[tilespmem:$0x10400] =	vst v63  }
0x58: {  	s11 =	simm.s32 $0x8680;
	s14 =	sshll.u32 s16, $0x4;
	v0 =	vsel vm15, $0x0, v0;
	s13 =	sadd.s32 s4, s25;
	v4, _, _ =	vpop (xrf0);
	(xrf0) =	vadd.scan.msk.s32 $0xffff, v1  }
0x59: {  	v5, _, _ =	vpop (xrf0);
	[tilespmem:s11], [sflag:$0x1] =	stream.linear.gather [hbm4b:s13+s2], $0x80, $0x38;
	[tilespmem:$0x10400] =	vst v63  }
0x5a: {  	s16 =	sshll.u32 s23, $0x4;
	s12 =	simm.s32 $0xA00;
	v1, _, _ =	vpop (xrf0);
	(xrf0) =	vadd.scan.msk.s32 $0xffff, v0;
	s15 =	spop (v2sf)  }
0x5b: {  	s10 =	sand.u32 $0x1FFFFFF0, s17;
	s8 =	sand.u32 $0x1FFFFFF0, s7;
	(v2sf) =	vpush v4, $0xF;
	v0, _, _ =	vpop (xrf0);
	s9 =	sshll.u32 s15, $0x4  }
0x5c: {  	s7 =	sand.u32 $0x1FFFFFF0, s14;
	v7, _, _ =	vpop (xrf0);
	s9 =	sand.u32 $0x1FFFFFF0, s9;
	s17 =	spop (v2sf);
	(v2sf) =	vpush v5, $0xF  }
0x5d: {  	s11 =	sand.u32 $0x1FFFFFF0, s16;
	s16 =	simm.s32 $0x8900;
	v6, _, _ =	vpop (xrf0);
	s24 =	sadd.s32 s3, s9;
	(v2sf) =	vpush v2, $0xF  }
0x5e: {  	v5, _, _ =	vpop (xrf0);
	s23 =	spop (v2sf);
	s25 =	sshll.u32 s17, $0x4;
	s17 =	simm.s32 $0x8800;
	(v2sf) =	vpush v1, $0xF  }
0x5f: {  	v4, _, _ =	vpop (xrf0);
	s6 =	sshll.u32 s23, $0x4;
	s26 =	spop (v2sf);
	s15 =	sand.u32 $0x1FFFFFF0, s25;
	(v2sf) =	vpush v3, $0xF  }
0x60: {  	v1, _, _ =	vpop (xrf0);
	s9 =	sand.u32 $0x1FFFFFF0, s6;
	s13 =	sshll.u32 s26, $0x4;
	s6 =	simm.s32 $0x980;
	(v2sf) =	vpush v0, $0xF  }
.LBB2_2:
0x61: {  	_ =	sdelay $0x3  }
0x62: {  	[tilespmem:s1], [sflag:$0x1] =	stream.linear.gather [hbm4b:s24+s2], $0x80, $0x38;
	[tilespmem:$0x10400] =	vst v63  }
0x63: {  	s10 =	sadd.s32 s4, s10;
	s14 =	rddreg [dreg:$0xa]  }
0x64: {  	[tilespmem:s14], [sflag:$0x1] =	stream.linear.gather [hbm4b:s10+s2], $0x80, $0x38;
	[tilespmem:$0x10400] =	vst v63  }
0x65: {  	s10 =	sadd.s32 s3, s15;
	s14 =	rddreg [dreg:$0x8]  }
0x66: {  	[tilespmem:s14], [sflag:$0x1] =	stream.linear.gather [hbm4b:s10+s2], $0x80, $0x38;
	[tilespmem:$0x10400] =	vst v63  }
0x67: {  	s23 =	sadd.s32 $0x8780, s18;
	s25 =	sand.u32 $0x1FFFFFF0, s13;
	s26 =	spop (v2sf)  }
0x68: {  	s20 =	sand.u32 $0x1FFFFFF0, s20;
	s7 =	sadd.s32 s4, s7;
	s24 =	sshll.u32 s26, $0x4  }
0x69: {  	s26 =	spop (v2sf);
	(v2sf) =	vpush v7, $0xF;
	s15 =	sand.u32 $0x1FFFFFF0, s24;
	s24 =	sadd.s32 s4, s20  }
0x6a: {  	[tilespmem:s23], [sflag:$0x1] =	stream.linear.gather [hbm4b:s24+s2], $0x80, $0x38;
	[tilespmem:$0x10400] =	vst v63  }
0x6b: {  	s10 =	sshll.u32 s26, $0x4;
	s14 =	spop (v2sf);
	(v2sf) =	vpush v6, $0xF;
	s23 =	sadd.s32 s3, s9  }
0x6c: {  	s24 =	sshll.u32 s14, $0x4;
	s26 =	spop (v2sf);
	s10 =	sand.u32 $0x1FFFFFF0, s10  }
0x6d: {  	(v2sf) =	vpush v5, $0xF;
	[tilespmem:s31], [sflag:$0x1] =	stream.linear.gather [hbm4b:s23+s2], $0x80, $0x38;
	[tilespmem:$0x10400] =	vst v63  }
0x6e: {  	s14 =	sshll.u32 s26, $0x4;
	s9 =	sand.u32 $0x1FFFFFF0, s24;
	s20 =	spop (v2sf)  }
0x6f: {  	[tilespmem:s17], [sflag:$0x1] =	stream.linear.gather [hbm4b:s7+s2], $0x80, $0x38;
	[tilespmem:$0x10400] =	vst v63  }
0x70: {  	s26 =	sadd.s32 s3, s15;
	s10 =	sadd.s32 s4, s10;
	s17 =	sadd.s32 s3, s25  }
0x71: {  	(v2sf) =	vpush v4, $0xF;
	[tilespmem:s30], [sflag:$0x1] =	stream.linear.gather [hbm4b:s17+s2], $0x80, $0x38;
	[tilespmem:$0x10400] =	vst v63  }
0x72: {  	s23 =	sadd.s32 s4, s11;
	s24 =	sshll.u32 s20, $0x4;
	s25 =	spop (v2sf)  }
0x73: {  	[tilespmem:s29], [sflag:$0x1] =	stream.linear.gather [hbm4b:s23+s2], $0x80, $0x38;
	[tilespmem:$0x10400] =	vst v63  }
0x74: {  	s11 =	sand.u32 $0x1FFFFFF0, s24;
	s7 =	sand.u32 $0x1FFFFFF0, s14;
	s14 =	sshll.u32 s25, $0x4  }
0x75: {  	(v2sf) =	vpush v1, $0xF;
	[tilespmem:s28], [sflag:$0x1] =	stream.linear.gather [hbm4b:s26+s2], $0x80, $0x38;
	[tilespmem:$0x10400] =	vst v63  }
0x76: {  	s24 =	sadd.s32 s4, s8;
	s17 =	sadd.s32 s3, s7;
	s20 =	sand.u32 $0x1FFFFFF0, s14  }
0x77: {  	[tilespmem:s16], [sflag:$0x1] =	stream.linear.gather [hbm4b:s10+s2], $0x80, $0x38;
	[tilespmem:$0x10400] =	vst v63  }
0x78: {  	s10 =	sadd.s32 s3, s20;
	s16 =	sadd.s32 s4, s9;
	s15 =	spop (v2sf)  }
0x79: {  	[tilespmem:s6], [sflag:$0x1] =	stream.linear.gather [hbm4b:s17+s2], $0x80, $0x38;
	[tilespmem:$0x10400] =	vst v63  }
0x7a: {  	s9 =	rddreg [dreg:$0x4];
	s23 =	sshll.u32 s15, $0x4;
	s26 =	spop (v2sf)  }
0x7b: {  	[tilespmem:s5], [sflag:$0x1] =	stream.linear.gather [hbm4b:s24+s2], $0x80, $0x38;
	[tilespmem:$0x10400] =	vst v63  }
0x7c: {  	s25 =	sand.u32 $0x1FFFFFF0, s23;
	s14 =	sshll.u32 s26, $0x4;
	s15 =	spop (v2sf)  }
0x7d: {  	[tilespmem:s12], [sflag:$0x1] =	stream.linear.gather [hbm4b:s10+s2], $0x80, $0x38;
	[tilespmem:$0x10400] =	vst v63  }
0x7e: {  	s5 =	sand.u32 $0x1FFFFFF0, s14;
	s7 =	sshll.u32 s15, $0x4;
	s17 =	sadd.s32 s3, s25  }
0x7f: {  	[tilespmem:s0], [sflag:$0x1] =	stream.linear.gather [hbm4b:s16+s2], $0x80, $0x38;
	[tilespmem:$0x10400] =	vst v63  }
0x80: {  	s23 =	spop (v2sf);
	s24 =	rddreg [dreg:$0x5];
	s25 =	sadd.s32 s4, s11  }
0x81: {  	[tilespmem:s24], [sflag:$0x1] =	stream.linear.gather [hbm4b:s17+s2], $0x80, $0x38;
	[tilespmem:$0x10400] =	vst v63  }
0x82: {  	s14 =	rddreg [dreg:$0x3];
	s15 =	sadd.s32 $0x8B00, s18;
	s20 =	sand.u32 $0x1FFFFFF0, s7  }
0x83: {  	[tilespmem:s9], [sflag:$0x1] =	stream.linear.gather [hbm4b:s25+s2], $0x80, $0x38;
	[tilespmem:$0x10400] =	vst v63  }
0x84: {  	s6 =	sshll.u32 s23, $0x4;
	s10 =	sadd.s32 s3, s5;
	s26 =	spop (v2sf)  }
0x85: {  	[tilespmem:s14], [sflag:$0x1] =	stream.linear.gather [hbm4b:s10+s2], $0x80, $0x38;
	[tilespmem:$0x10400] =	vst v63  }
0x86: {  	s11 =	sand.u32 $0x1FFFFFF0, s6;
	s1 =	sadd.s32 s4, s20;
	s12 =	sshll.u32 s26, $0x4  }
0x87: {  	[tilespmem:s15], [sflag:$0x1] =	stream.linear.gather [hbm4b:s1+s2], $0x80, $0x38;
	[tilespmem:$0x10400] =	vst v63  }
0x88: {  	s16 =	sadd.s32 $0xB80, s18;
	s6 =	sand.u32 $0x1FFFFFF0, s12;
	s17 =	sadd.s32 s3, s11  }
0x89: {  	[tilespmem:s16], [sflag:$0x1] =	stream.linear.gather [hbm4b:s17+s2], $0x80, $0x38;
	[tilespmem:$0x10400] =	vst v63  }
0x8a: {  	s20 =	sadd.s32 $0x8B80, s18;
	s23 =	sadd.s32 s4, s6  }
0x8b: {  	[tilespmem:s20], [sflag:$0x1] =	stream.linear.gather [hbm4b:s23+s2], $0x80, $0x38;
	[tilespmem:$0x10400] =	vst v63  }
0x8c: {  	v0 =	vld [tilespmem:s22+$0x0]  }
0x8d: {  	v2 =	vld [tilespmem:s21+$0x0];
	_ =	sdelay $0x3  }
0x8e: {  	v3 =	vnsel vm0, $0x0, v0  }
0x8f: {  	v6 =	vnsel vm0, $0x0, v2;
	(xrf0) =	vadd.scan.msk.s32 $0xffff, v3  }
0x90: {  	v4 =	vsel vm2, $0x0, v0;
	v7 =	vsel vm1, $0x0, v2;
	v8 =	vsel vm2, $0x0, v2;
	(xrf0) =	vadd.scan.msk.s32 $0xffff, v6  }
0x91: {  	v9 =	vsel vm3, $0x0, v2;
	v11 =	vsel vm5, $0x0, v2;
	v3 =	vsel vm11, $0x0, v0;
	(xrf0) =	vadd.scan.msk.s32 $0xffff, v7  }
0x92: {  	s13 =	smov.u32 s19;
	v12 =	vsel vm7, $0x0, v2;
	v13 =	vsel vm8, $0x0, v2;
	v14 =	vsel vm9, $0x0, v2;
	(xrf0) =	vadd.scan.msk.s32 $0xffff, v3  }
0x93: {  	s18 =	sshra.s32 s13, $0x2;
	v15 =	vsel vm10, $0x0, v2;
	v16 =	vsel vm11, $0x0, v2;
	v3 =	vsel vm3, $0x0, v0;
	(xrf0) =	vadd.scan.msk.s32 $0xffff, v4  }
0x94: {  	s26 =	sadd.s32 $0x900, s18;
	v17 =	vsel vm12, $0x0, v2;
	v18 =	vsel vm13, $0x0, v2;
	v20 =	vsel vm14, $0x0, v2;
	(xrf0) =	vadd.scan.msk.s32 $0xffff, v3  }
0x95: {  	s5 =	sadd.s32 $0x8580, s18;
	[dreg:$0x1a] =	wrdreg s26;
	v6 =	vsel vm4, $0x0, v2;
	v7 =	vsel vm6, $0x0, v2;
	v3 =	vsel vm15, $0x0, v2;
	v2, _, _ =	vpop (xrf0)  }
0x96: {  	s7 =	sadd.s32 $0x500, s18;
	[dreg:$0x12] =	wrdreg s5;
	(xrf0) =	vadd.scan.msk.s32 $0xffff, v8;
	v21, _, _ =	vpop (xrf0);
	(v2sf) =	vpush v2, $0xF  }
0x97: {  	s12 =	sadd.s32 $0x880, s18;
	[dreg:$0x1c] =	wrdreg s7;
	v22 =	vsel vm5, $0x0, v0;
	v8 =	vsel vm1, $0x0, v0;
	(v2sf) =	vpush v21, $0xF;
	v19, _, _ =	vpop (xrf0)  }
0x98: {  	s24 =	sadd.s32 $0x8500, s18;
	[dreg:$0x1e] =	wrdreg s12;
	(xrf0) =	vadd.scan.msk.s32 $0xffff, v22;
	(v2sf) =	vpush v19, $0xF;
	v56, _, _ =	vpop (xrf0)  }
0x99: {  	s6 =	sadd.s32 $0x600, s18;
	[dreg:$0x16] =	wrdreg s24;
	v2 =	vsel vm12, $0x0, v0;
	(xrf0) =	vadd.scan.msk.s32 $0xffff, v8;
	v57, _, _ =	vpop (xrf0);
	(v2sf) =	vpush v56, $0xF  }
0x9a: {  	[dreg:$0x10] =	wrdreg s6;
	s24 =	sadd.s32 $0xB00, s18;
	v55 =	vsel vm6, $0x0, v0;
	(xrf0) =	vadd.scan.msk.s32 $0xffff, v2;
	(v2sf) =	vpush v57, $0xF;
	v8, _, _ =	vpop (xrf0)  }
0x9b: {  	p0 =	sne.s32 s19, $0x1E000;
	s25 =	sadd.s32 $0x700, s18;
	[dreg:$0x3] =	wrdreg s24;
	v23 =	vsel vm13, $0x0, v0;
	(xrf0) =	vadd.scan.msk.s32 $0xffff, v55;
	(v2sf) =	vpush v8, $0xF  }
0x9c: {  	s19 =	sadd.s32 $0x2000, s19;
	s9 =	sadd.s32 $0x8880, s18;
	[dreg:$0xd] =	wrdreg s25;
	(xrf0) =	vadd.scan.msk.s32 $0xffff, v23;
	v2, _, _ =	vpop (xrf0)  }
0x9d: {  	s8 =	sadd.s32 $0x400, s18;
	[dreg:$0x1b] =	wrdreg s9;
	s10 =	sadd.s32 $0x680, s18;
	(xrf0) =	vadd.scan.msk.s32 $0xffff, v9;
	(v2sf) =	vpush v2, $0xF  }
0x9e: {  	s13 =	sadd.s32 $0x8480, s18;
	s14 =	sadd.s32 $0x780, s18;
	[dreg:$0x18] =	wrdreg s10;
	(xrf0) =	vadd.scan.msk.s32 $0xffff, v6;
	v6, _, _ =	vpop (xrf0)  }
0x9f: {  	s0 =	sadd.s32 $0x8A00, s18;
	[dreg:$0x8] =	wrdreg s14;
	s1 =	sadd.s32 $0x580, s18;
	v59, _, _ =	vpop (xrf0)  }
0xa0: {  	s11 =	sadd.s32 $0x480, s18;
	s15 =	sadd.s32 $0x8700, s18;
	[dreg:$0x14] =	wrdreg s1;
	(v2sf) =	vpush v59, $0xF  }
0xa1: {  	s7 =	sadd.s32 $0x800, s18;
	[dreg:$0xa] =	wrdreg s15;
	s16 =	sadd.s32 $0xA80, s18;
	v8 =	vsel vm7, $0x0, v0;
	v2, _, _ =	vpop (xrf0);
	(v2sf) =	vpush v6, $0xF  }
0xa2: {  	s5 =	sadd.s32 $0x8980, s18;
	s17 =	sadd.s32 $0x8A80, s18;
	[dreg:$0x5] =	wrdreg s16;
	v1 =	vsel vm14, $0x0, v0;
	v5 =	vsel vm10, $0x0, v0;
	v58 =	vsel vm8, $0x0, v0;
	(xrf0) =	vadd.scan.msk.s32 $0xffff, v8;
	v6, _, _ =	vpop (xrf0)  }
0xa3: {  	s12 =	sadd.s32 $0xA00, s18;
	s6 =	sadd.s32 $0x980, s18;
	[dreg:$0x4] =	wrdreg s17;
	v10 =	vsel vm4, $0x0, v0;
	v4 =	vsel vm15, $0x0, v0;
	v8 =	vsel vm9, $0x0, v0;
	(xrf0) =	vadd.scan.msk.s32 $0xffff, v58;
	v0, _, _ =	vpop (xrf0)  }
0xa4: {  	s16 =	sadd.s32 $0x8900, s18;
	s17 =	sadd.s32 $0x8800, s18;
	s20 =	sadd.s32 $0x8400, s18;
	(xrf0) =	vadd.scan.msk.s32 $0xffff, v11;
	(v2sf) =	vpush v6, $0xF;
	v6, _, _ =	vpop (xrf0)  }
0xa5: {  	s23 =	sadd.s32 $0x8600, s18;
	s21 =	sadd.s32 $0x10, s21;
	(xrf0) =	vadd.scan.msk.s32 $0xffff, v8;
	(v2sf) =	vpush v6, $0xF;
	s25 =	spop (v2sf)  }
0xa6: {  	s22 =	sadd.s32 $0x10, s22;
	(xrf0) =	vadd.scan.msk.s32 $0xffff, v7;
	v6, _, _ =	vpop (xrf0);
	s9 =	sshll.u32 s25, $0x4;
	s26 =	spop (v2sf)  }
0xa7: {  	(xrf0) =	vadd.scan.msk.s32 $0xffff, v12;
	(v2sf) =	vpush v6, $0xF;
	s10 =	sshll.u32 s26, $0x4;
	s26 =	sand.u32 $0x1FFFFFF0, s9;
	s1 =	spop (v2sf)  }
0xa8: {  	(xrf0) =	vadd.scan.msk.s32 $0xffff, v10;
	v6, _, _ =	vpop (xrf0);
	s10 =	sand.u32 $0x1FFFFFF0, s10;
	s9 =	sshll.u32 s1, $0x4;
	s14 =	spop (v2sf)  }
0xa9: {  	(xrf0) =	vadd.scan.msk.s32 $0xffff, v13;
	v7, _, _ =	vpop (xrf0);
	s26 =	sadd.s32 s4, s26;
	s15 =	sand.u32 $0x1FFFFFF0, s9;
	s25 =	spop (v2sf)  }
0xaa: {  	v8, _, _ =	vpop (xrf0);
	(v2sf) =	vpush v6, $0xF;
	(xrf0) =	vadd.scan.msk.s32 $0xffff, v14;
	s14 =	sshll.u32 s14, $0x4;
	s10 =	sadd.s32 s3, s10;
	s1 =	spop (v2sf)  }
0xab: {  	(v2sf) =	vpush v8, $0xF;
	[tilespmem:s8], [sflag:$0x1] =	stream.linear.gather [hbm4b:s10+s2], $0x80, $0x38;
	[tilespmem:$0x10400] =	vst v63  }
0xac: {  	v6, _, _ =	vpop (xrf0);
	(xrf0) =	vadd.scan.msk.s32 $0xffff, v15;
	(v2sf) =	vpush v7, $0xF;
	s9 =	sshll.u32 s25, $0x4;
	s15 =	sadd.s32 s3, s15;
	s24 =	spop (v2sf)  }
0xad: {  	v8, _, _ =	vpop (xrf0);
	(xrf0) =	vadd.scan.msk.s32 $0xffff, v5;
	(v2sf) =	vpush v6, $0xF;
	s25 =	sand.u32 $0x1FFFFFF0, s9;
	s10 =	sshll.u32 s1, $0x4;
	s9 =	sshll.u32 s24, $0x4  }
0xae: {  	v5, _, _ =	vpop (xrf0);
	[tilespmem:s20], [sflag:$0x1] =	stream.linear.gather [hbm4b:s26+s2], $0x80, $0x38;
	[tilespmem:$0x10400] =	vst v63  }
0xaf: {  	v7, _, _ =	vpop (xrf0);
	s24 =	sand.u32 $0x1FFFFFF0, s10;
	s1 =	spop (v2sf);
	s28 =	sand.u32 $0x1FFFFFF0, s9  }
0xb0: {  	(v2sf) =	vpush v7, $0xF;
	s24 =	sadd.s32 s4, s24;
	s8 =	sshll.u32 s1, $0x4;
	s10 =	spop (v2sf)  }
0xb1: {  	[tilespmem:s11], [sflag:$0x1] =	stream.linear.gather [hbm4b:s15+s2], $0x80, $0x38;
	[tilespmem:$0x10400] =	vst v63  }
0xb2: {  	(v2sf) =	vpush v8, $0xF;
	s28 =	sadd.s32 s3, s28;
	s8 =	sand.u32 $0x1FFFFFF0, s8;
	s9 =	sshll.u32 s10, $0x4  }
0xb3: {  	s1 =	spop (v2sf);
	s29 =	sadd.s32 s4, s8;
	s9 =	sand.u32 $0x1FFFFFF0, s9  }
0xb4: {  	s10 =	sshll.u32 s1, $0x4;
	s8 =	sand.u32 $0x1FFFFFF0, s14;
	s1 =	spop (v2sf)  }
0xb5: {  	[tilespmem:s13], [sflag:$0x1] =	stream.linear.gather [hbm4b:s29+s2], $0x80, $0x38;
	[tilespmem:$0x10400] =	vst v63  }
0xb6: {  	s10 =	sand.u32 $0x1FFFFFF0, s10;
	s14 =	sshll.u32 s1, $0x4;
	s30 =	spop (v2sf)  }
0xb7: {  	s13 =	rddreg [dreg:$0x1c];
	s14 =	sand.u32 $0x1FFFFFF0, s14;
	s26 =	sshll.u32 s30, $0x4  }
0xb8: {  	(v2sf) =	vpush v5, $0xF;
	[tilespmem:s13], [sflag:$0x1] =	stream.linear.gather [hbm4b:s28+s2], $0x80, $0x38;
	[tilespmem:$0x10400] =	vst v63  }
0xb9: {  	v60, _, _ =	vpop (xrf0);
	s28 =	rddreg [dreg:$0x1a];
	s1 =	spop (v2sf);
	s30 =	sand.u32 $0x1FFFFFF0, s26  }
0xba: {  	s14 =	sadd.s32 s3, s14;
	s20 =	sshll.u32 s1, $0x4;
	s1 =	spop (v2sf);
	(v2sf) =	vpush v60, $0xF  }
0xbb: {  	s26 =	sshll.u32 s1, $0x4;
	s31 =	spop (v2sf);
	s1 =	sadd.s32 $0x8680, s18  }
0xbc: {  	v61, _, _ =	vpop (xrf0);
	s11 =	sshll.u32 s31, $0x4;
	s31 =	smov.u32 s7;
	s15 =	spop (v2sf)  }
0xbd: {  	(xrf0) =	vadd.scan.msk.s32 $0xffff, v16;
	(v2sf) =	vpush v61, $0xF;
	s7 =	sand.u32 $0x1FFFFFF0, s11;
	s11 =	sadd.s32 s4, s25;
	s25 =	rddreg [dreg:$0x16]  }
0xbe: {  	[tilespmem:s25], [sflag:$0x1] =	stream.linear.gather [hbm4b:s11+s2], $0x80, $0x38;
	[tilespmem:$0x10400] =	vst v63  }
0xbf: {  	(xrf0) =	vadd.scan.msk.s32 $0xffff, v17;
	s29 =	spop (v2sf);
	s13 =	sshll.u32 s15, $0x4;
	s25 =	rddreg [dreg:$0x14]  }
0xc0: {  	[tilespmem:s25], [sflag:$0x1] =	stream.linear.gather [hbm4b:s14+s2], $0x80, $0x38;
	[tilespmem:$0x10400] =	vst v63  }
0xc1: {  	(xrf0) =	vadd.scan.msk.s32 $0xffff, v18;
	s11 =	sand.u32 $0x1FFFFFF0, s13;
	s13 =	sshll.u32 s29, $0x4;
	s15 =	spop (v2sf)  }
0xc2: {  	(xrf0) =	vadd.scan.msk.s32 $0xffff, v20;
	s25 =	rddreg [dreg:$0x12];
	s13 =	sand.u32 $0x1FFFFFF0, s13;
	s15 =	sshll.u32 s15, $0x4  }
0xc3: {  	[tilespmem:s25], [sflag:$0x1] =	stream.linear.gather [hbm4b:s24+s2], $0x80, $0x38;
	[tilespmem:$0x10400] =	vst v63  }
0xc4: {  	v62, _, _ =	vpop (xrf0);
	(xrf0) =	vadd.scan.msk.s32 $0xffff, v1;
	s29 =	rddreg [dreg:$0x1b];
	s13 =	sadd.s32 s4, s13;
	s14 =	sand.u32 $0x1FFFFFF0, s15  }
0xc5: {  	v8, _, _ =	vpop (xrf0);
	(xrf0) =	vadd.scan.msk.s32 $0xffff, v3;
	s25 =	sadd.s32 s3, s30;
	s24 =	sadd.s32 s3, s14;
	s14 =	rddreg [dreg:$0x10]  }
0xc6: {  	[tilespmem:s14], [sflag:$0x1] =	stream.linear.gather [hbm4b:s25+s2], $0x80, $0x38;
	[tilespmem:$0x10400] =	vst v63  }
0xc7: {  	v3, _, _ =	vpop (xrf0);
	(xrf0) =	vadd.scan.msk.s32 $0xffff, v4;
	s30 =	rddreg [dreg:$0x1e];
	s15 =	spop (v2sf);
	s25 =	sand.u32 $0x1FFFFFF0, s26  }
0xc8: {  	[tilespmem:s23], [sflag:$0x1] =	stream.linear.gather [hbm4b:s13+s2], $0x80, $0x38;
	[tilespmem:$0x10400] =	vst v63  }
0xc9: {  	v63, _, _ =	vpop (xrf0);
	(v2sf) =	vpush v62, $0xF;
	s15 =	sshll.u32 s15, $0x4;
	s13 =	sadd.s32 s3, s25;
	s26 =	spop (v2sf)  }
.Ltmp0:
0xca: {  	v7, _, _ =	vpop (xrf0);
	(v2sf) =	vpush v8, $0xF;
	s14 =	sshll.u32 s26, $0x4;
	s26 =	rddreg [dreg:$0x18];
	(pc) =	sbr.rel @p0 .LBB2_2-.Ltmp0, $4  }
0xcb: {  	v6, _, _ =	vpop (xrf0);
	(v2sf) =	vpush v2, $0xF;
	[tilespmem:s26], [sflag:$0x1] =	stream.linear.gather [hbm4b:s13+s2], $0x80, $0x38;
	[tilespmem:$0x10400] =	vst v63  }
0xcc: {  	v5, _, _ =	vpop (xrf0);
	(v2sf) =	vpush v3, $0xF;
	s15 =	sand.u32 $0x1FFFFFF0, s15;
	s23 =	spop (v2sf);
	s26 =	sadd.s32 s4, s9  }
0xcd: {  	v4, _, _ =	vpop (xrf0);
	(v2sf) =	vpush v0, $0xF;
	[tilespmem:s1], [sflag:$0x1] =	stream.linear.gather [hbm4b:s26+s2], $0x80, $0x38;
	[tilespmem:$0x10400] =	vst v63  }
0xce: {  	v1, _, _ =	vpop (xrf0);
	s9 =	sand.u32 $0x1FFFFFF0, s14;
	s13 =	sshll.u32 s23, $0x4;
	(v2sf) =	vpush v63, $0xF;
	s1 =	rddreg [dreg:$0xd]  }
0xcf: {  	[tilespmem:s1], [sflag:$0x1] =	stream.linear.gather [hbm4b:s24+s2], $0x80, $0x38;
	[tilespmem:$0x10400] =	vst v63  }
0xd0: {  	s10 =	sadd.s32 s4, s10;
	s19 =	rddreg [dreg:$0xa]  }
0xd1: {  	[tilespmem:s19], [sflag:$0x1] =	stream.linear.gather [hbm4b:s10+s2], $0x80, $0x38;
	[tilespmem:$0x10400] =	vst v63  }
0xd2: {  	s15 =	sadd.s32 s3, s15;
	s23 =	sand.u32 $0x1FFFFFF0, s20;
	s24 =	rddreg [dreg:$0x8]  }
0xd3: {  	[tilespmem:s24], [sflag:$0x1] =	stream.linear.gather [hbm4b:s15+s2], $0x80, $0x38;
	[tilespmem:$0x10400] =	vst v63  }
0xd4: {  	s21 =	sadd.s32 $0x8780, s18;
	s25 =	sadd.s32 s4, s23  }
0xd5: {  	(v2sf) =	vpush v7, $0xF;
	[tilespmem:s21], [sflag:$0x1] =	stream.linear.gather [hbm4b:s25+s2], $0x80, $0x38;
	[tilespmem:$0x10400] =	vst v63  }
0xd6: {  	s9 =	sadd.s32 s3, s9  }
0xd7: {  	[tilespmem:s31], [sflag:$0x1] =	stream.linear.gather [hbm4b:s9+s2], $0x80, $0x38;
	[tilespmem:$0x10400] =	vst v63  }
0xd8: {  	s13 =	sand.u32 $0x1FFFFFF0, s13;
	s14 =	spop (v2sf)  }
0xd9: {  	s7 =	sadd.s32 s4, s7;
	(v2sf) =	vpush v6, $0xF;
	s24 =	sadd.s32 s4, s11;
	s22 =	spop (v2sf)  }
0xda: {  	[tilespmem:s17], [sflag:$0x1] =	stream.linear.gather [hbm4b:s7+s2], $0x80, $0x38;
	[tilespmem:$0x10400] =	vst v63  }
0xdb: {  	s21 =	sadd.s32 s3, s13;
	s14 =	sshll.u32 s14, $0x4;
	s26 =	spop (v2sf)  }
0xdc: {  	s14 =	sand.u32 $0x1FFFFFF0, s14;
	s1 =	sshll.u32 s22, $0x4;
	s15 =	spop (v2sf)  }
0xdd: {  	(v2sf) =	vpush v5, $0xF;
	[tilespmem:s30], [sflag:$0x1] =	stream.linear.gather [hbm4b:s21+s2], $0x80, $0x38;
	[tilespmem:$0x10400] =	vst v63  }
0xde: {  	s20 =	sshll.u32 s26, $0x4;
	s14 =	sadd.s32 s3, s14;
	s1 =	sand.u32 $0x1FFFFFF0, s1  }
0xdf: {  	(v2sf) =	vpush v4, $0xF;
	s10 =	sshll.u32 s15, $0x4;
	s7 =	sand.u32 $0x1FFFFFF0, s20;
	s22 =	spop (v2sf)  }
0xe0: {  	s1 =	sadd.s32 s4, s1;
	s23 =	sand.u32 $0x1FFFFFF0, s10;
	s25 =	sshll.u32 s22, $0x4  }
0xe1: {  	(v2sf) =	vpush v1, $0xF;
	[tilespmem:s29], [sflag:$0x1] =	stream.linear.gather [hbm4b:s24+s2], $0x80, $0x38;
	[tilespmem:$0x10400] =	vst v63  }
0xe2: {  	s26 =	spop (v2sf);
	s7 =	sadd.s32 s4, s7;
	s24 =	rddreg [dreg:$0x5]  }
0xe3: {  	[tilespmem:s28], [sflag:$0x1] =	stream.linear.gather [hbm4b:s14+s2], $0x80, $0x38;
	[tilespmem:$0x10400] =	vst v63  }
0xe4: {  	s11 =	sand.u32 $0x1FFFFFF0, s25;
	s10 =	sshll.u32 s26, $0x4;
	s15 =	spop (v2sf)  }
0xe5: {  	[tilespmem:s16], [sflag:$0x1] =	stream.linear.gather [hbm4b:s1+s2], $0x80, $0x38;
	[tilespmem:$0x10400] =	vst v63  }
0xe6: {  	s9 =	sadd.s32 s3, s23;
	s26 =	rddreg [dreg:$0x4];
	s10 =	sand.u32 $0x1FFFFFF0, s10  }
0xe7: {  	[tilespmem:s6], [sflag:$0x1] =	stream.linear.gather [hbm4b:s9+s2], $0x80, $0x38;
	[tilespmem:$0x10400] =	vst v63  }
0xe8: {  	s17 =	spop (v2sf);
	s25 =	sadd.s32 s4, s11;
	s16 =	sadd.s32 s4, s8  }
0xe9: {  	[tilespmem:s5], [sflag:$0x1] =	stream.linear.gather [hbm4b:s16+s2], $0x80, $0x38;
	[tilespmem:$0x10400] =	vst v63  }
0xea: {  	s19 =	sadd.s32 s3, s10;
	s20 =	sshll.u32 s17, $0x4;
	s1 =	sshll.u32 s15, $0x4  }
0xeb: {  	[tilespmem:s12], [sflag:$0x1] =	stream.linear.gather [hbm4b:s19+s2], $0x80, $0x38;
	[tilespmem:$0x10400] =	vst v63  }
0xec: {  	s21 =	spop (v2sf);
	s10 =	sadd.s32 $0x8B00, s18;
	s1 =	sand.u32 $0x1FFFFFF0, s1  }
0xed: {  	[tilespmem:s0], [sflag:$0x1] =	stream.linear.gather [hbm4b:s7+s2], $0x80, $0x38;
	[tilespmem:$0x10400] =	vst v63  }
0xee: {  	s22 =	sshll.u32 s21, $0x4;
	s23 =	spop (v2sf);
	s1 =	sadd.s32 s3, s1  }
0xef: {  	[tilespmem:s24], [sflag:$0x1] =	stream.linear.gather [hbm4b:s1+s2], $0x80, $0x38;
	[tilespmem:$0x10400] =	vst v63  }
0xf0: {  	s8 =	spop (v2sf);
	s6 =	sand.u32 $0x1FFFFFF0, s20;
	s9 =	rddreg [dreg:$0x3]  }
0xf1: {  	[tilespmem:s26], [sflag:$0x1] =	stream.linear.gather [hbm4b:s25+s2], $0x80, $0x38;
	[tilespmem:$0x10400] =	vst v63  }
0xf2: {  	s6 =	sadd.s32 s3, s6;
	s5 =	sshll.u32 s23, $0x4;
	s0 =	sand.u32 $0x1FFFFFF0, s22  }
0xf3: {  	[tilespmem:s9], [sflag:$0x1] =	stream.linear.gather [hbm4b:s6+s2], $0x80, $0x38;
	[tilespmem:$0x10400] =	vst v63  }
0xf4: {  	s5 =	sand.u32 $0x1FFFFFF0, s5;
	s0 =	sadd.s32 s4, s0;
	s1 =	sshll.u32 s8, $0x4  }
0xf5: {  	[tilespmem:s10], [sflag:$0x1] =	stream.linear.gather [hbm4b:s0+s2], $0x80, $0x38;
	[tilespmem:$0x10400] =	vst v63  }
0xf6: {  	s12 =	sadd.s32 $0xB80, s18;
	s5 =	sadd.s32 s3, s5;
	s11 =	sand.u32 $0x1FFFFFF0, s1  }
0xf7: {  	[tilespmem:s12], [sflag:$0x1] =	stream.linear.gather [hbm4b:s5+s2], $0x80, $0x38;
	[tilespmem:$0x10400] =	vst v63  }
0xf8: {  	s13 =	sadd.s32 $0x8B80, s18;
	s14 =	simm.s32 $0x1;
	s0 =	sadd.s32 s4, s11  }
0xf9: {  	[tilespmem:s13], [sflag:$0x1] =	stream.linear.gather [hbm4b:s0+s2], $0x80, $0x38;
	[tilespmem:$0x10400] =	vst v63  }
0xfa: {  	_ =	swait.ge [sflag:s14], $0x8000  }
0xfb: {  	[sflag:s14] =	ssyncset.done $0x0  }
0xfc: {  	[sflag:s14] =	ssyncadd.s32 $0xFFFF8000  }
0xfd: {  	_ =	swait.ge [sflag:s14], $0x8000  }
0xfe: {  	s16 =	sld [smem:$0x7F9]  }
0xff: {  	s17 =	simm.s32 $0x400;
	[sflag:s14] =	ssyncset.done $0x0  }
0x100: {  	s15 =	simm.s32 $0x0;
	s18 =	simm.s32 $0x2;
	[sflag:s14] =	ssyncadd.s32 $0xFFFF8000  }
0x101: {  	[hbm4b:s16+s15] =	stream.linear.scatter [tilespmem:s17], [sflag:$0x2], $0x8000, $0x38;
	[tilespmem:$0x10400] =	vst v63  }
0x102: {  	_ =	swait.ge [sflag:s18], $0x8000  }
0x103: {  	s19 =	sld [smem:$0x7FA]  }
0x104: {  	[sflag:s18] =	ssyncset.done $0x0  }
0x105: {  	s20 =	simm.s32 $0x8400;
	[sflag:s18] =	ssyncadd.s32 $0xFFFF8000  }
0x106: {  	[hbm4b:s19+s15] =	stream.linear.scatter [tilespmem:s20], [sflag:$0x2], $0x8000, $0x38;
	[tilespmem:$0x10400] =	vst v63  }
0x107: {  	_ =	swait.ge [sflag:s18], $0x8000  }
0x108: {  	[sflag:s18] =	ssyncset.done $0x0  }
0x109: {  	s21 =	simm.s32 $0x300;
	[sflag:s18] =	ssyncadd.s32 $0xFFFF8000  }
0x10a: {  	s22 =	simm.s32 $0x100;
	v0 =	vld [tilespmem:s21+$0x0]  }
0x10b: {  	v1 =	vld [tilespmem:s22+$0x0];
	_ =	sdelay $0x3  }
0x10c: {  	v2 =	vnsel vm0, $0x0, v0  }
0x10d: {  	v3 =	vnsel vm0, $0x0, v1;
	(xrf0) =	vadd.scan.msk.s32 $0xffff, v2  }
0x10e: {  	v2 =	vsel vm1, $0x0, v1;
	(xrf0) =	vadd.scan.msk.s32 $0xffff, v3  }
0x10f: {  	v3 =	vsel vm11, $0x0, v0;
	(xrf0) =	vadd.scan.msk.s32 $0xffff, v2  }
0x110: {  	v2 =	vsel vm2, $0x0, v0;
	(xrf0) =	vadd.scan.msk.s32 $0xffff, v3;
	v3 =	vsel vm3, $0x0, v0  }
0x111: {  	(xrf0) =	vadd.scan.msk.s32 $0xffff, v2;
	v2 =	vsel vm2, $0x0, v1  }
0x112: {  	(xrf0) =	vadd.scan.msk.s32 $0xffff, v3  }
0x113: {  	v4 =	vsel vm5, $0x0, v0;
	v3, _, _ =	vpop (xrf0);
	(xrf0) =	vadd.scan.msk.s32 $0xffff, v2  }
0x114: {  	v2, _, _ =	vpop (xrf0);
	(v2sf) =	vpush v3, $0xF;
	v3 =	vsel vm1, $0x0, v0;
	(xrf0) =	vadd.scan.msk.s32 $0xffff, v4;
	v4 =	vsel vm12, $0x0, v0  }
0x115: {  	(v2sf) =	vpush v2, $0xF;
	v2, _, _ =	vpop (xrf0);
	(xrf0) =	vadd.scan.msk.s32 $0xffff, v3;
	v3 =	vsel vm6, $0x0, v0  }
0x116: {  	(v2sf) =	vpush v2, $0xF;
	v2, _, _ =	vpop (xrf0)  }
0x117: {  	(xrf0) =	vadd.scan.msk.s32 $0xffff, v4;
	v4, _, _ =	vpop (xrf0);
	(v2sf) =	vpush v2, $0xF;
	v2 =	vsel vm13, $0x0, v0  }
0x118: {  	(xrf0) =	vadd.scan.msk.s32 $0xffff, v3;
	(v2sf) =	vpush v4, $0xF;
	v3, _, _ =	vpop (xrf0);
	v4 =	vsel vm3, $0x0, v1  }
0x119: {  	(v2sf) =	vpush v3, $0xF;
	v3 =	vsel vm4, $0x0, v1  }
0x11a: {  	(xrf0) =	vadd.scan.msk.s32 $0xffff, v2;
	v2, _, _ =	vpop (xrf0)  }
0x11b: {  	(xrf0) =	vadd.scan.msk.s32 $0xffff, v4;
	v4, _, _ =	vpop (xrf0);
	(v2sf) =	vpush v2, $0xF  }
0x11c: {  	v2 =	vsel vm7, $0x0, v0;
	(xrf0) =	vadd.scan.msk.s32 $0xffff, v3;
	v3, _, _ =	vpop (xrf0)  }
0x11d: {  	(v2sf) =	vpush v3, $0xF  }
0x11e: {  	s31 =	simm.s32 $0xB00;
	s30 =	simm.s32 $0x800;
	s29 =	simm.s32 $0x880;
	v5 =	vsel vm8, $0x0, v0  }
0x11f: {  	s28 =	simm.s32 $0x8880;
	s7 =	simm.s32 $0x580;
	s8 =	simm.s32 $0x8500;
	(xrf0) =	vadd.scan.msk.s32 $0xffff, v2;
	v2, _, _ =	vpop (xrf0)  }
0x120: {  	s1 =	simm.s32 $0x600;
	s26 =	simm.s32 $0x900;
	s6 =	simm.s32 $0x680;
	(v2sf) =	vpush v4, $0xF;
	v4, _, _ =	vpop (xrf0)  }
0x121: {  	s11 =	simm.s32 $0x400;
	s10 =	simm.s32 $0x8600;
	s5 =	simm.s32 $0x8580;
	v3 =	vsel vm5, $0x0, v1;
	(xrf0) =	vadd.scan.msk.s32 $0xffff, v5;
	v5, _, _ =	vpop (xrf0);
	(v2sf) =	vpush v4, $0xF  }
0x122: {  	s12 =	simm.s32 $0x480;
	s0 =	simm.s32 $0x700;
	s13 =	simm.s32 $0x8400;
	(xrf0) =	vadd.scan.msk.s32 $0xffff, v3;
	v3 =	vsel vm9, $0x0, v0;
	v4, _, _ =	vpop (xrf0)  }
0x123: {  	s14 =	simm.s32 $0x500;
	s17 =	simm.s32 $0x780;
	(xrf0) =	vadd.scan.msk.s32 $0xffff, v3;
	v3 =	vsel vm7, $0x0, v1;
	(v2sf) =	vpush v4, $0xF;
	v4, _, _ =	vpop (xrf0);
	s23 =	spop (v2sf)  }
0x124: {  	s20 =	simm.s32 $0x8700;
	[dreg:$0x9] =	wrdreg s17;
	v6 =	vsel vm6, $0x0, v1;
	(v2sf) =	vpush v4, $0xF;
	s25 =	spop (v2sf)  }
0x125: {  	s19 =	simm.s32 $0x2000;
	[dreg:$0xb] =	wrdreg s20;
	(xrf0) =	vadd.scan.msk.s32 $0xffff, v6;
	v6 =	vsel vm4, $0x0, v0;
	s21 =	spop (v2sf)  }
0x126: {  	(xrf0) =	vadd.scan.msk.s32 $0xffff, v3;
	v3, _, _ =	vpop (xrf0);
	s16 =	sshll.u32 s23, $0x4;
	s24 =	sshll.u32 s25, $0x4;
	s9 =	spop (v2sf)  }
0x127: {  	(xrf0) =	vadd.scan.msk.s32 $0xffff, v6;
	v4, _, _ =	vpop (xrf0);
	(v2sf) =	vpush v3, $0xF;
	s16 =	sand.u32 $0x1FFFFFF0, s16;
	s20 =	sand.u32 $0x1FFFFFF0, s24;
	s22 =	spop (v2sf)  }
0x128: {  	v6, _, _ =	vpop (xrf0);
	s25 =	sshll.u32 s21, $0x4;
	s20 =	sadd.s32 s3, s20;
	s23 =	spop (v2sf)  }
0x129: {  	(v2sf) =	vpush v6, $0xF;
	[tilespmem:s11], [sflag:$0x1] =	stream.linear.gather [hbm4b:s20+s2], $0x80, $0x38;
	[tilespmem:$0x10400] =	vst v63  }
0x12a: {  	v3, _, _ =	vpop (xrf0);
	s16 =	sadd.s32 s4, s16;
	(v2sf) =	vpush v4, $0xF;
	s20 =	sand.u32 $0x1FFFFFF0, s25;
	s17 =	spop (v2sf)  }
0x12b: {  	v6, _, _ =	vpop (xrf0);
	[tilespmem:s13], [sflag:$0x1] =	stream.linear.gather [hbm4b:s16+s2], $0x80, $0x38;
	[tilespmem:$0x10400] =	vst v63  }
0x12c: {  	s15 =	simm.s32 $0x8480;
	v4, _, _ =	vpop (xrf0);
	(v2sf) =	vpush v3, $0xF;
	s13 =	sadd.s32 s3, s20;
	s24 =	spop (v2sf)  }
0x12d: {  	v3, _, _ =	vpop (xrf0);
	[tilespmem:s12], [sflag:$0x1] =	stream.linear.gather [hbm4b:s13+s2], $0x80, $0x38;
	[tilespmem:$0x10400] =	vst v63  }
0x12e: {  	s18 =	simm.s32 $0x0;
	s21 =	simm.s32 $0x110;
	(v2sf) =	vpush v3, $0xF;
	s25 =	sshll.u32 s24, $0x4  }
0x12f: {  	s20 =	sshll.u32 s17, $0x4;
	s11 =	spop (v2sf);
	s16 =	sand.u32 $0x1FFFFFF0, s25  }
0x130: {  	s12 =	sand.u32 $0x1FFFFFF0, s20;
	s13 =	spop (v2sf);
	s16 =	sadd.s32 s4, s16  }
0x131: {  	[tilespmem:s15], [sflag:$0x1] =	stream.linear.gather [hbm4b:s16+s2], $0x80, $0x38;
	[tilespmem:$0x10400] =	vst v63  }
0x132: {  	s12 =	sadd.s32 s3, s12;
	s25 =	sshll.u32 s22, $0x4;
	s24 =	spop (v2sf)  }
0x133: {  	s22 =	simm.s32 $0x310;
	s15 =	sand.u32 $0x1FFFFFF0, s25;
	s16 =	spop (v2sf)  }
0x134: {  	v3 =	vsel vm8, $0x0, v1;
	[tilespmem:s14], [sflag:$0x1] =	stream.linear.gather [hbm4b:s12+s2], $0x80, $0x38;
	[tilespmem:$0x10400] =	vst v63  }
0x135: {  	v7 =	vsel vm9, $0x0, v1;
	(xrf0) =	vadd.scan.msk.s32 $0xffff, v3;
	s20 =	sshll.u32 s24, $0x4;
	s12 =	sadd.s32 s4, s15;
	s24 =	sshll.u32 s23, $0x4  }
0x136: {  	(xrf0) =	vadd.scan.msk.s32 $0xffff, v7;
	s14 =	spop (v2sf);
	s25 =	sand.u32 $0x1FFFFFF0, s20;
	s20 =	sshll.u32 s16, $0x4  }
0x137: {  	[tilespmem:s8], [sflag:$0x1] =	stream.linear.gather [hbm4b:s12+s2], $0x80, $0x38;
	[tilespmem:$0x10400] =	vst v63  }
0x138: {  	(v2sf) =	vpush v6, $0xF;
	s8 =	sand.u32 $0x1FFFFFF0, s24;
	s12 =	sadd.s32 s3, s25;
	s17 =	spop (v2sf)  }
0x139: {  	s25 =	simm.s32 $0xA80;
	s8 =	sadd.s32 s4, s8;
	s15 =	spop (v2sf)  }
0x13a: {  	(v2sf) =	vpush v4, $0xF;
	[tilespmem:s7], [sflag:$0x1] =	stream.linear.gather [hbm4b:s12+s2], $0x80, $0x38;
	v4 =	vsel vm10, $0x0, v1;
	[tilespmem:$0x10400] =	vst v63  }
0x13b: {  	v3, _, _ =	vpop (xrf0);
	[dreg:$0x7] =	wrdreg s25;
	s25 =	simm.s32 $0x8A00;
	s23 =	spop (v2sf);
	(xrf0) =	vadd.scan.msk.s32 $0xffff, v4  }
0x13c: {  	(v2sf) =	vpush v3, $0xF;
	v3 =	vsel vm10, $0x0, v0;
	[tilespmem:s5], [sflag:$0x1] =	stream.linear.gather [hbm4b:s8+s2], $0x80, $0x38;
	[tilespmem:$0x10400] =	vst v63  }
0x13d: {  	v6, _, _ =	vpop (xrf0);
	s7 =	sand.u32 $0x1FFFFFF0, s20;
	s20 =	simm.s32 $0x8A80;
	(xrf0) =	vadd.scan.msk.s32 $0xffff, v3;
	v3 =	vsel vm11, $0x0, v1;
	s24 =	spop (v2sf)  }
0x13e: {  	[dreg:$0xc] =	wrdreg s25;
	s5 =	sadd.s32 s3, s7;
	(v2sf) =	vpush v6, $0xF;
	(xrf0) =	vadd.scan.msk.s32 $0xffff, v3;
	s16 =	sshll.u32 s24, $0x4  }
0x13f: {  	v3 =	vsel vm12, $0x0, v1;
	[tilespmem:s1], [sflag:$0x1] =	stream.linear.gather [hbm4b:s5+s2], $0x80, $0x38;
	[tilespmem:$0x10400] =	vst v63  }
0x140: {  	s12 =	simm.s32 $0x8980;
	[dreg:$0x6] =	wrdreg s20;
	v4 =	vsel vm13, $0x0, v1;
	(xrf0) =	vadd.scan.msk.s32 $0xffff, v3;
	s7 =	sand.u32 $0x1FFFFFF0, s16  }
0x141: {  	s20 =	sshll.u32 s13, $0x4;
	s5 =	simm.s32 $0xA00;
	(xrf0) =	vadd.scan.msk.s32 $0xffff, v4;
	s24 =	sadd.s32 s4, s7  }
0x142: {  	v3 =	vsel vm14, $0x0, v1;
	[tilespmem:s10], [sflag:$0x1] =	stream.linear.gather [hbm4b:s24+s2], $0x80, $0x38;
	[tilespmem:$0x10400] =	vst v63  }
0x143: {  	s1 =	sshll.u32 s9, $0x4;
	s9 =	sand.u32 $0x1FFFFFF0, s20;
	v4 =	vsel vm14, $0x0, v0;
	(xrf0) =	vadd.scan.msk.s32 $0xffff, v3;
	s24 =	sshll.u32 s17, $0x4  }
0x144: {  	s20 =	sshll.u32 s14, $0x4;
	v1 =	vsel vm15, $0x0, v1;
	s16 =	sshll.u32 s11, $0x4;
	(xrf0) =	vadd.scan.msk.s32 $0xffff, v4;
	s10 =	sand.u32 $0x1FFFFFF0, s24  }
0x145: {  	s13 =	sand.u32 $0x1FFFFFF0, s1;
	s8 =	sand.u32 $0x1FFFFFF0, s16;
	v3, _, _ =	vpop (xrf0);
	(xrf0) =	vadd.scan.msk.s32 $0xffff, v1;
	s25 =	sadd.s32 s3, s10  }
0x146: {  	v0 =	vsel vm15, $0x0, v0;
	[tilespmem:s6], [sflag:$0x1] =	stream.linear.gather [hbm4b:s25+s2], $0x80, $0x38;
	[tilespmem:$0x10400] =	vst v63  }
0x147: {  	s1 =	simm.s32 $0x8680;
	s8 =	sadd.s32 s4, s8;
	v4, _, _ =	vpop (xrf0);
	(xrf0) =	vadd.scan.msk.s32 $0xffff, v0;
	s14 =	spop (v2sf)  }
0x148: {  	v1, _, _ =	vpop (xrf0);
	[tilespmem:s1], [sflag:$0x1] =	stream.linear.gather [hbm4b:s8+s2], $0x80, $0x38;
	[tilespmem:$0x10400] =	vst v63  }
0x149: {  	s11 =	sshll.u32 s15, $0x4;
	s15 =	sshll.u32 s23, $0x4;
	(v2sf) =	vpush v3, $0xF;
	v7, _, _ =	vpop (xrf0);
	s10 =	sshll.u32 s14, $0x4  }
0x14a: {  	s7 =	sand.u32 $0x1FFFFFF0, s11;
	v6, _, _ =	vpop (xrf0);
	(v2sf) =	vpush v4, $0xF;
	s16 =	sand.u32 $0x1FFFFFF0, s10;
	s10 =	sand.u32 $0x1FFFFFF0, s15  }
0x14b: {  	v4, _, _ =	vpop (xrf0);
	(v2sf) =	vpush v2, $0xF;
	s17 =	spop (v2sf);
	s14 =	sadd.s32 s3, s16;
	s16 =	simm.s32 $0x8900  }
0x14c: {  	v3, _, _ =	vpop (xrf0);
	s23 =	spop (v2sf);
	s24 =	sshll.u32 s17, $0x4;
	(v2sf) =	vpush v1, $0xF;
	s17 =	simm.s32 $0x8800  }
0x14d: {  	v1, _, _ =	vpop (xrf0);
	s6 =	sshll.u32 s23, $0x4;
	s15 =	sand.u32 $0x1FFFFFF0, s24;
	(v2sf) =	vpush v5, $0xF;
	s25 =	spop (v2sf)  }
0x14e: {  	v0, _, _ =	vpop (xrf0);
	s8 =	sand.u32 $0x1FFFFFF0, s6;
	(v2sf) =	vpush v7, $0xF;
	s6 =	simm.s32 $0x980;
	s11 =	sshll.u32 s25, $0x4  }
.LBB2_4:
0x14f: {  	[tilespmem:s0], [sflag:$0x1] =	stream.linear.gather [hbm4b:s14+s2], $0x80, $0x38;
	[tilespmem:$0x10400] =	vst v63  }
0x150: {  	s9 =	sadd.s32 s4, s9;
	s1 =	rddreg [dreg:$0xb]  }
0x151: {  	[tilespmem:s1], [sflag:$0x1] =	stream.linear.gather [hbm4b:s9+s2], $0x80, $0x38;
	[tilespmem:$0x10400] =	vst v63  }
0x152: {  	s15 =	sadd.s32 s3, s15;
	s20 =	sand.u32 $0x1FFFFFF0, s20;
	s1 =	rddreg [dreg:$0x9]  }
0x153: {  	[tilespmem:s1], [sflag:$0x1] =	stream.linear.gather [hbm4b:s15+s2], $0x80, $0x38;
	[tilespmem:$0x10400] =	vst v63  }
0x154: {  	s23 =	sadd.s32 $0x8780, s18;
	s15 =	sadd.s32 s4, s20  }
0x155: {  	[tilespmem:s23], [sflag:$0x1] =	stream.linear.gather [hbm4b:s15+s2], $0x80, $0x38;
	[tilespmem:$0x10400] =	vst v63  }
0x156: {  	s23 =	sadd.s32 s3, s8  }
0x157: {  	[tilespmem:s30], [sflag:$0x1] =	stream.linear.gather [hbm4b:s23+s2], $0x80, $0x38;
	[tilespmem:$0x10400] =	vst v63  }
0x158: {  	s24 =	sand.u32 $0x1FFFFFF0, s11;
	s7 =	sadd.s32 s4, s7;
	s25 =	spop (v2sf)  }
0x159: {  	s23 =	sadd.s32 s4, s10;
	s14 =	sshll.u32 s25, $0x4;
	s25 =	spop (v2sf)  }
0x15a: {  	[tilespmem:s17], [sflag:$0x1] =	stream.linear.gather [hbm4b:s7+s2], $0x80, $0x38;
	[tilespmem:$0x10400] =	vst v63  }
0x15b: {  	(v2sf) =	vpush v6, $0xF;
	s17 =	sadd.s32 s3, s24;
	s14 =	sand.u32 $0x1FFFFFF0, s14;
	s20 =	spop (v2sf)  }
0x15c: {  	s9 =	sshll.u32 s25, $0x4;
	s25 =	sshll.u32 s20, $0x4;
	s1 =	spop (v2sf)  }
0x15d: {  	(v2sf) =	vpush v4, $0xF;
	[tilespmem:s29], [sflag:$0x1] =	stream.linear.gather [hbm4b:s17+s2], $0x80, $0x38;
	[tilespmem:$0x10400] =	vst v63  }
0x15e: {  	(v2sf) =	vpush v3, $0xF;
	s9 =	sand.u32 $0x1FFFFFF0, s9;
	s15 =	sshll.u32 s1, $0x4;
	s8 =	sand.u32 $0x1FFFFFF0, s25  }
0x15f: {  	[tilespmem:s28], [sflag:$0x1] =	stream.linear.gather [hbm4b:s23+s2], $0x80, $0x38;
	[tilespmem:$0x10400] =	vst v63  }
0x160: {  	s20 =	spop (v2sf);
	s1 =	sadd.s32 s3, s14;
	s14 =	sadd.s32 s4, s9  }
0x161: {  	(v2sf) =	vpush v1, $0xF;
	[tilespmem:s26], [sflag:$0x1] =	stream.linear.gather [hbm4b:s1+s2], $0x80, $0x38;
	[tilespmem:$0x10400] =	vst v63  }
0x162: {  	s7 =	sand.u32 $0x1FFFFFF0, s15;
	s24 =	sshll.u32 s20, $0x4;
	s25 =	spop (v2sf)  }
0x163: {  	(v2sf) =	vpush v0, $0xF;
	[tilespmem:s16], [sflag:$0x1] =	stream.linear.gather [hbm4b:s14+s2], $0x80, $0x38;
	[tilespmem:$0x10400] =	vst v63  }
0x164: {  	s10 =	sand.u32 $0x1FFFFFF0, s24;
	s15 =	sshll.u32 s25, $0x4;
	s20 =	sadd.s32 s3, s7  }
0x165: {  	[tilespmem:s6], [sflag:$0x1] =	stream.linear.gather [hbm4b:s20+s2], $0x80, $0x38;
	[tilespmem:$0x10400] =	vst v63  }
0x166: {  	s25 =	sadd.s32 s4, s13;
	s23 =	sand.u32 $0x1FFFFFF0, s15;
	s15 =	sadd.s32 s4, s8  }
0x167: {  	[tilespmem:s12], [sflag:$0x1] =	stream.linear.gather [hbm4b:s25+s2], $0x80, $0x38;
	[tilespmem:$0x10400] =	vst v63  }
0x168: {  	s8 =	sadd.s32 s4, s10;
	s10 =	rddreg [dreg:$0x6];
	s12 =	sadd.s32 s3, s23  }
0x169: {  	[tilespmem:s5], [sflag:$0x1] =	stream.linear.gather [hbm4b:s12+s2], $0x80, $0x38;
	[tilespmem:$0x10400] =	vst v63  }
0x16a: {  	s20 =	rddreg [dreg:$0xc];
	s17 =	spop (v2sf)  }
0x16b: {  	[tilespmem:s20], [sflag:$0x1] =	stream.linear.gather [hbm4b:s15+s2], $0x80, $0x38;
	[tilespmem:$0x10400] =	vst v63  }
0x16c: {  	s24 =	sshll.u32 s17, $0x4;
	s1 =	spop (v2sf);
	s15 =	sadd.s32 $0x8B00, s18  }
0x16d: {  	s26 =	sand.u32 $0x1FFFFFF0, s24;
	s13 =	sshll.u32 s1, $0x4;
	s14 =	spop (v2sf)  }
0x16e: {  	s17 =	sshll.u32 s14, $0x4;
	s23 =	sadd.s32 s3, s26;
	s26 =	rddreg [dreg:$0x7]  }
0x16f: {  	[tilespmem:s26], [sflag:$0x1] =	stream.linear.gather [hbm4b:s23+s2], $0x80, $0x38;
	[tilespmem:$0x10400] =	vst v63  }
0x170: {  	s16 =	sand.u32 $0x1FFFFFF0, s13;
	s25 =	spop (v2sf);
	s24 =	sand.u32 $0x1FFFFFF0, s17  }
0x171: {  	[tilespmem:s10], [sflag:$0x1] =	stream.linear.gather [hbm4b:s8+s2], $0x80, $0x38;
	[tilespmem:$0x10400] =	vst v63  }
0x172: {  	s6 =	sshll.u32 s25, $0x4;
	s9 =	spop (v2sf);
	s12 =	sadd.s32 s3, s16  }
0x173: {  	[tilespmem:s31], [sflag:$0x1] =	stream.linear.gather [hbm4b:s12+s2], $0x80, $0x38;
	[tilespmem:$0x10400] =	vst v63  }
0x174: {  	s13 =	sand.u32 $0x1FFFFFF0, s6;
	s14 =	sshll.u32 s9, $0x4;
	s1 =	sadd.s32 s4, s24  }
0x175: {  	[tilespmem:s15], [sflag:$0x1] =	stream.linear.gather [hbm4b:s1+s2], $0x80, $0x38;
	[tilespmem:$0x10400] =	vst v63  }
0x176: {  	s16 =	sadd.s32 $0xB80, s18;
	s6 =	sand.u32 $0x1FFFFFF0, s14;
	s17 =	sadd.s32 s3, s13  }
0x177: {  	[tilespmem:s16], [sflag:$0x1] =	stream.linear.gather [hbm4b:s17+s2], $0x80, $0x38;
	[tilespmem:$0x10400] =	vst v63  }
0x178: {  	s18 =	sadd.s32 $0x8B80, s18;
	s20 =	sadd.s32 s4, s6  }
0x179: {  	[tilespmem:s18], [sflag:$0x1] =	stream.linear.gather [hbm4b:s20+s2], $0x80, $0x38;
	[tilespmem:$0x10400] =	vst v63  }
0x17a: {  	v2 =	vld [tilespmem:s22+$0x0]  }
0x17b: {  	v1 =	vld [tilespmem:s21+$0x0];
	_ =	sdelay $0x3  }
0x17c: {  	v3 =	vnsel vm0, $0x0, v2  }
0x17d: {  	v6 =	vnsel vm0, $0x0, v1;
	(xrf0) =	vadd.scan.msk.s32 $0xffff, v3  }
0x17e: {  	(xrf0) =	vadd.scan.msk.s32 $0xffff, v6  }
0x17f: {  	v7 =	vsel vm1, $0x0, v1  }
0x180: {  	v11 =	vsel vm11, $0x0, v2;
	(xrf0) =	vadd.scan.msk.s32 $0xffff, v7  }
0x181: {  	v5 =	vsel vm2, $0x0, v2;
	(xrf0) =	vadd.scan.msk.s32 $0xffff, v11  }
0x182: {  	s11 =	smov.u32 s19;
	v51 =	vsel vm3, $0x0, v2;
	(xrf0) =	vadd.scan.msk.s32 $0xffff, v5  }
0x183: {  	s18 =	sshra.s32 s11, $0x2;
	(xrf0) =	vadd.scan.msk.s32 $0xffff, v51;
	v19, _, _ =	vpop (xrf0)  }
0x184: {  	s23 =	sadd.s32 $0x8500, s18;
	v3 =	vsel vm2, $0x0, v1;
	v21, _, _ =	vpop (xrf0);
	(v2sf) =	vpush v19, $0xF  }
0x185: {  	s24 =	sadd.s32 $0x700, s18;
	[dreg:$0x17] =	wrdreg s23;
	v5 =	vsel vm5, $0x0, v2;
	(xrf0) =	vadd.scan.msk.s32 $0xffff, v3;
	(v2sf) =	vpush v21, $0xF  }
0x186: {  	s25 =	sadd.s32 $0x900, s18;
	[dreg:$0xe] =	wrdreg s24;
	v20 =	vsel vm1, $0x0, v2;
	(xrf0) =	vadd.scan.msk.s32 $0xffff, v5;
	v53, _, _ =	vpop (xrf0)  }
0x187: {  	p0 =	sne.s32 s19, $0x1E000;
	s26 =	sadd.s32 $0x580, s18;
	[dreg:$0xf] =	wrdreg s25;
	v5 =	vsel vm12, $0x0, v2;
	(xrf0) =	vadd.scan.msk.s32 $0xffff, v20;
	(v2sf) =	vpush v53, $0xF;
	v55, _, _ =	vpop (xrf0)  }
0x188: {  	s19 =	sadd.s32 $0x2000, s19;
	s1 =	sadd.s32 $0x8580, s18;
	[dreg:$0x15] =	wrdreg s26;
	v54 =	vsel vm6, $0x0, v2;
	(xrf0) =	vadd.scan.msk.s32 $0xffff, v5;
	v56, _, _ =	vpop (xrf0);
	(v2sf) =	vpush v55, $0xF  }
0x189: {  	s13 =	sadd.s32 $0x400, s18;
	s5 =	sadd.s32 $0x600, s18;
	[dreg:$0x13] =	wrdreg s1;
	v22 =	vsel vm13, $0x0, v2;
	v6 =	vsel vm4, $0x0, v1;
	(xrf0) =	vadd.scan.msk.s32 $0xffff, v54;
	(v2sf) =	vpush v56, $0xF;
	v57, _, _ =	vpop (xrf0)  }
0x18a: {  	s10 =	sadd.s32 $0x480, s18;
	s6 =	sadd.s32 $0x500, s18;
	[dreg:$0x11] =	wrdreg s5;
	v8 =	vsel vm3, $0x0, v1;
	(xrf0) =	vadd.scan.msk.s32 $0xffff, v22;
	(v2sf) =	vpush v57, $0xF  }
0x18b: {  	s20 =	sadd.s32 $0x8400, s18;
	s7 =	sadd.s32 $0x680, s18;
	[dreg:$0x1d] =	wrdreg s6;
	v5, _, _ =	vpop (xrf0);
	(xrf0) =	vadd.scan.msk.s32 $0xffff, v8  }
0x18c: {  	s11 =	sadd.s32 $0x8880, s18;
	s8 =	sadd.s32 $0x880, s18;
	[dreg:$0x19] =	wrdreg s7;
	(xrf0) =	vadd.scan.msk.s32 $0xffff, v6;
	v6, _, _ =	vpop (xrf0);
	(v2sf) =	vpush v5, $0xF  }
0x18d: {  	s9 =	sadd.s32 $0x800, s18;
	s12 =	sadd.s32 $0x780, s18;
	[dreg:$0x1f] =	wrdreg s8;
	v8 =	vsel vm7, $0x0, v2;
	v59, _, _ =	vpop (xrf0)  }
0x18e: {  	s14 =	sadd.s32 $0x8700, s18;
	s21 =	sadd.s32 $0x10, s21;
	[smem:$0x7F5] =	sst s9;
	v58 =	vsel vm8, $0x0, v2;
	(xrf0) =	vadd.scan.msk.s32 $0xffff, v8;
	(v2sf) =	vpush v59, $0xF  }
0x18f: {  	s22 =	sadd.s32 $0x10, s22;
	s15 =	sadd.s32 $0xA80, s18;
	[dreg:$0x9] =	wrdreg s12;
	v10 =	vsel vm5, $0x0, v1;
	(xrf0) =	vadd.scan.msk.s32 $0xffff, v58;
	v5, _, _ =	vpop (xrf0);
	(v2sf) =	vpush v6, $0xF  }
0x190: {  	s16 =	sadd.s32 $0x8A80, s18;
	s17 =	sadd.s32 $0x8A00, s18;
	[dreg:$0xb] =	wrdreg s14;
	v0 =	vsel vm14, $0x0, v2;
	v4 =	vsel vm10, $0x0, v2;
	v9 =	vsel vm4, $0x0, v2;
	(xrf0) =	vadd.scan.msk.s32 $0xffff, v10;
	v6, _, _ =	vpop (xrf0)  }
0x191: {  	s7 =	sadd.s32 $0x8480, s18;
	s23 =	sadd.s32 $0x8600, s18;
	[dreg:$0x7] =	wrdreg s15;
	v3 =	vsel vm15, $0x0, v2;
	v8 =	vsel vm9, $0x0, v2;
	(v2sf) =	vpush v6, $0xF;
	v2, _, _ =	vpop (xrf0)  }
0x192: {  	[dreg:$0x6] =	wrdreg s16;
	s1 =	sadd.s32 $0xB00, s18;
	s12 =	sadd.s32 $0x8980, s18;
	v7 =	vsel vm6, $0x0, v1;
	v6, _, _ =	vpop (xrf0)  }
0x193: {  	s5 =	sadd.s32 $0xA00, s18;
	[dreg:$0xc] =	wrdreg s17;
	(xrf0) =	vadd.scan.msk.s32 $0xffff, v8;
	(v2sf) =	vpush v6, $0xF;
	v6, _, _ =	vpop (xrf0);
	s24 =	spop (v2sf)  }
0x194: {  	s16 =	sadd.s32 $0x8900, s18;
	s6 =	sadd.s32 $0x980, s18;
	v12 =	vsel vm7, $0x0, v1;
	(xrf0) =	vadd.scan.msk.s32 $0xffff, v7;
	(v2sf) =	vpush v6, $0xF;
	v6, _, _ =	vpop (xrf0);
	s25 =	spop (v2sf)  }
0x195: {  	s17 =	sadd.s32 $0x8800, s18;
	(xrf0) =	vadd.scan.msk.s32 $0xffff, v12;
	v7, _, _ =	vpop (xrf0);
	s8 =	sshll.u32 s24, $0x4;
	s9 =	sshll.u32 s25, $0x4  }
0x196: {  	v13 =	vsel vm8, $0x0, v1;
	(xrf0) =	vadd.scan.msk.s32 $0xffff, v9;
	v8, _, _ =	vpop (xrf0);
	(v2sf) =	vpush v6, $0xF;
	s14 =	sand.u32 $0x1FFFFFF0, s8;
	s26 =	spop (v2sf);
	s9 =	sand.u32 $0x1FFFFFF0, s9  }
0x197: {  	v14 =	vsel vm9, $0x0, v1;
	(xrf0) =	vadd.scan.msk.s32 $0xffff, v13;
	(v2sf) =	vpush v8, $0xF;
	s8 =	sshll.u32 s26, $0x4;
	s0 =	spop (v2sf);
	s14 =	sadd.s32 s4, s14  }
0x198: {  	v15 =	vsel vm10, $0x0, v1;
	(xrf0) =	vadd.scan.msk.s32 $0xffff, v14;
	(v2sf) =	vpush v7, $0xF;
	s15 =	sand.u32 $0x1FFFFFF0, s8;
	s26 =	sshll.u32 s0, $0x4;
	s25 =	spop (v2sf)  }
0x199: {  	v6, _, _ =	vpop (xrf0);
	(xrf0) =	vadd.scan.msk.s32 $0xffff, v15;
	s9 =	sadd.s32 s3, s9;
	s8 =	sshll.u32 s25, $0x4;
	s0 =	spop (v2sf)  }
0x19a: {  	v8, _, _ =	vpop (xrf0);
	[tilespmem:s13], [sflag:$0x1] =	stream.linear.gather [hbm4b:s9+s2], $0x80, $0x38;
	[tilespmem:$0x10400] =	vst v63  }
0x19b: {  	(xrf0) =	vadd.scan.msk.s32 $0xffff, v4;
	v4, _, _ =	vpop (xrf0);
	(v2sf) =	vpush v6, $0xF;
	s15 =	sadd.s32 s3, s15;
	s25 =	sand.u32 $0x1FFFFFF0, s8;
	s24 =	spop (v2sf)  }
0x19c: {  	v7, _, _ =	vpop (xrf0);
	[tilespmem:s20], [sflag:$0x1] =	stream.linear.gather [hbm4b:s14+s2], $0x80, $0x38;
	[tilespmem:$0x10400] =	vst v63  }
0x19d: {  	(v2sf) =	vpush v7, $0xF;
	s13 =	sshll.u32 s0, $0x4;
	s9 =	sshll.u32 s24, $0x4;
	s0 =	spop (v2sf)  }
0x19e: {  	s24 =	sand.u32 $0x1FFFFFF0, s13;
	s8 =	sshll.u32 s0, $0x4;
	s13 =	spop (v2sf)  }
0x19f: {  	(v2sf) =	vpush v8, $0xF;
	[tilespmem:s10], [sflag:$0x1] =	stream.linear.gather [hbm4b:s15+s2], $0x80, $0x38;
	[tilespmem:$0x10400] =	vst v63  }
0x1a0: {  	s28 =	sand.u32 $0x1FFFFFF0, s9;
	s8 =	sand.u32 $0x1FFFFFF0, s8;
	s0 =	spop (v2sf)  }
0x1a1: {  	s9 =	sshll.u32 s13, $0x4;
	s29 =	sadd.s32 s4, s8;
	s13 =	sshll.u32 s0, $0x4  }
0x1a2: {  	s8 =	sand.u32 $0x1FFFFFF0, s9;
	s9 =	sand.u32 $0x1FFFFFF0, s13;
	s0 =	spop (v2sf)  }
0x1a3: {  	[tilespmem:s7], [sflag:$0x1] =	stream.linear.gather [hbm4b:s29+s2], $0x80, $0x38;
	[tilespmem:$0x10400] =	vst v63  }
0x1a4: {  	s13 =	sand.u32 $0x1FFFFFF0, s26;
	s26 =	sshll.u32 s0, $0x4;
	s30 =	spop (v2sf)  }
0x1a5: {  	s28 =	sadd.s32 s3, s28;
	(v2sf) =	vpush v4, $0xF;
	s14 =	sand.u32 $0x1FFFFFF0, s26;
	s0 =	spop (v2sf)  }
0x1a6: {  	s26 =	sshll.u32 s30, $0x4;
	s20 =	sshll.u32 s0, $0x4;
	s0 =	spop (v2sf)  }
0x1a7: {  	s30 =	sand.u32 $0x1FFFFFF0, s26;
	s14 =	sadd.s32 s3, s14;
	s31 =	spop (v2sf)  }
0x1a8: {  	v60, _, _ =	vpop (xrf0);
	s26 =	sshll.u32 s0, $0x4;
	s0 =	sadd.s32 $0x8680, s18;
	s10 =	sshll.u32 s31, $0x4  }
0x1a9: {  	(v2sf) =	vpush v60, $0xF;
	s31 =	smov.u32 s1;
	s1 =	sadd.s32 s4, s25;
	s25 =	rddreg [dreg:$0x17]  }
0x1aa: {  	s15 =	spop (v2sf);
	s7 =	sand.u32 $0x1FFFFFF0, s10;
	s10 =	rddreg [dreg:$0x1d]  }
0x1ab: {  	v16 =	vsel vm11, $0x0, v1;
	v7, _, _ =	vpop (xrf0);
	[tilespmem:s10], [sflag:$0x1] =	stream.linear.gather [hbm4b:s28+s2], $0x80, $0x38;
	[tilespmem:$0x10400] =	vst v63  }
0x1ac: {  	(xrf0) =	vadd.scan.msk.s32 $0xffff, v16;
	(v2sf) =	vpush v7, $0xF;
	s29 =	spop (v2sf);
	s28 =	smov.u32 s11;
	s11 =	sshll.u32 s15, $0x4  }
0x1ad: {  	v17 =	vsel vm12, $0x0, v1;
	[tilespmem:s25], [sflag:$0x1] =	stream.linear.gather [hbm4b:s1+s2], $0x80, $0x38;
	[tilespmem:$0x10400] =	vst v63  }
0x1ae: {  	v18 =	vsel vm13, $0x0, v1;
	(xrf0) =	vadd.scan.msk.s32 $0xffff, v17;
	s10 =	sand.u32 $0x1FFFFFF0, s11;
	s25 =	rddreg [dreg:$0x15];
	s15 =	spop (v2sf)  }
0x1af: {  	(xrf0) =	vadd.scan.msk.s32 $0xffff, v18;
	s1 =	sadd.s32 s4, s24;
	s24 =	rddreg [dreg:$0x13];
	s15 =	sshll.u32 s15, $0x4  }
0x1b0: {  	v52 =	vsel vm14, $0x0, v1;
	[tilespmem:s25], [sflag:$0x1] =	stream.linear.gather [hbm4b:s14+s2], $0x80, $0x38;
	[tilespmem:$0x10400] =	vst v63  }
0x1b1: {  	(xrf0) =	vadd.scan.msk.s32 $0xffff, v52;
	s25 =	sshll.u32 s29, $0x4;
	s29 =	rddreg [dreg:$0x1f];
	s14 =	sand.u32 $0x1FFFFFF0, s15  }
0x1b2: {  	[tilespmem:s24], [sflag:$0x1] =	stream.linear.gather [hbm4b:s1+s2], $0x80, $0x38;
	[tilespmem:$0x10400] =	vst v63  }
0x1b3: {  	v1 =	vsel vm15, $0x0, v1;
	v61, _, _ =	vpop (xrf0);
	(xrf0) =	vadd.scan.msk.s32 $0xffff, v0;
	s11 =	sand.u32 $0x1FFFFFF0, s25;
	s25 =	rddreg [dreg:$0x11];
	s14 =	sadd.s32 s3, s14  }
0x1b4: {  	v8, _, _ =	vpop (xrf0);
	(xrf0) =	vadd.scan.msk.s32 $0xffff, v1;
	s1 =	sadd.s32 s3, s30;
	s30 =	sld [smem:$0x7F5];
	s15 =	spop (v2sf)  }
0x1b5: {  	[tilespmem:s25], [sflag:$0x1] =	stream.linear.gather [hbm4b:s1+s2], $0x80, $0x38;
	[tilespmem:$0x10400] =	vst v63  }
0x1b6: {  	v62, _, _ =	vpop (xrf0);
	(xrf0) =	vadd.scan.msk.s32 $0xffff, v3;
	s11 =	sadd.s32 s4, s11;
	s15 =	sshll.u32 s15, $0x4;
	s1 =	sand.u32 $0x1FFFFFF0, s26  }
0x1b7: {  	[tilespmem:s23], [sflag:$0x1] =	stream.linear.gather [hbm4b:s11+s2], $0x80, $0x38;
	[tilespmem:$0x10400] =	vst v63  }
0x1b8: {  	v63, _, _ =	vpop (xrf0);
	(v2sf) =	vpush v61, $0xF;
	s26 =	rddreg [dreg:$0xf];
	s1 =	sadd.s32 s3, s1;
	s25 =	spop (v2sf)  }
.Ltmp1:
0x1b9: {  	v6, _, _ =	vpop (xrf0);
	(v2sf) =	vpush v8, $0xF;
	s23 =	sshll.u32 s25, $0x4;
	s25 =	rddreg [dreg:$0x19];
	(pc) =	sbr.rel @p0 .LBB2_4-.Ltmp1, $4  }
0x1ba: {  	v4, _, _ =	vpop (xrf0);
	(v2sf) =	vpush v5, $0xF;
	[tilespmem:s25], [sflag:$0x1] =	stream.linear.gather [hbm4b:s1+s2], $0x80, $0x38;
	[tilespmem:$0x10400] =	vst v63  }
0x1bb: {  	v3, _, _ =	vpop (xrf0);
	(v2sf) =	vpush v62, $0xF;
	s15 =	sand.u32 $0x1FFFFFF0, s15;
	s24 =	spop (v2sf);
	s1 =	sadd.s32 s4, s8  }
0x1bc: {  	v1, _, _ =	vpop (xrf0);
	(v2sf) =	vpush v2, $0xF;
	[tilespmem:s0], [sflag:$0x1] =	stream.linear.gather [hbm4b:s1+s2], $0x80, $0x38;
	[tilespmem:$0x10400] =	vst v63  }
0x1bd: {  	v0, _, _ =	vpop (xrf0);
	s8 =	sand.u32 $0x1FFFFFF0, s23;
	s11 =	sshll.u32 s24, $0x4;
	(v2sf) =	vpush v63, $0xF;
	s0 =	rddreg [dreg:$0xe]  }
0x1be: {  	[tilespmem:s0], [sflag:$0x1] =	stream.linear.gather [hbm4b:s14+s2], $0x80, $0x38;
	[tilespmem:$0x10400] =	vst v63  }
0x1bf: {  	s14 =	sadd.s32 s4, s9;
	s1 =	rddreg [dreg:$0xb]  }
0x1c0: {  	[tilespmem:s1], [sflag:$0x1] =	stream.linear.gather [hbm4b:s14+s2], $0x80, $0x38;
	[tilespmem:$0x10400] =	vst v63  }
0x1c1: {  	s15 =	sadd.s32 s3, s15;
	s19 =	rddreg [dreg:$0x9];
	s20 =	sand.u32 $0x1FFFFFF0, s20  }
0x1c2: {  	[tilespmem:s19], [sflag:$0x1] =	stream.linear.gather [hbm4b:s15+s2], $0x80, $0x38;
	[tilespmem:$0x10400] =	vst v63  }
0x1c3: {  	s21 =	sadd.s32 $0x8780, s18;
	s0 =	sadd.s32 s4, s20  }
0x1c4: {  	[tilespmem:s21], [sflag:$0x1] =	stream.linear.gather [hbm4b:s0+s2], $0x80, $0x38;
	[tilespmem:$0x10400] =	vst v63  }
0x1c5: {  	s22 =	sadd.s32 s3, s8  }
0x1c6: {  	[tilespmem:s30], [sflag:$0x1] =	stream.linear.gather [hbm4b:s22+s2], $0x80, $0x38;
	[tilespmem:$0x10400] =	vst v63  }
0x1c7: {  	s23 =	sadd.s32 s4, s7;
	s24 =	sand.u32 $0x1FFFFFF0, s11  }
0x1c8: {  	[tilespmem:s17], [sflag:$0x1] =	stream.linear.gather [hbm4b:s23+s2], $0x80, $0x38;
	[tilespmem:$0x10400] =	vst v63  }
0x1c9: {  	s0 =	sadd.s32 s3, s24  }
0x1ca: {  	[tilespmem:s29], [sflag:$0x1] =	stream.linear.gather [hbm4b:s0+s2], $0x80, $0x38;
	[tilespmem:$0x10400] =	vst v63  }
0x1cb: {  	s29 =	spop (v2sf)  }
0x1cc: {  	s25 =	sadd.s32 s4, s10;
	s0 =	sshll.u32 s29, $0x4  }
0x1cd: {  	[tilespmem:s28], [sflag:$0x1] =	stream.linear.gather [hbm4b:s25+s2], $0x80, $0x38;
	[tilespmem:$0x10400] =	vst v63  }
0x1ce: {  	s30 =	spop (v2sf);
	s0 =	sand.u32 $0x1FFFFFF0, s0  }
0x1cf: {  	(v2sf) =	vpush v6, $0xF;
	s1 =	spop (v2sf);
	s0 =	sadd.s32 s3, s0  }
0x1d0: {  	[tilespmem:s26], [sflag:$0x1] =	stream.linear.gather [hbm4b:s0+s2], $0x80, $0x38;
	[tilespmem:$0x10400] =	vst v63  }
0x1d1: {  	s8 =	spop (v2sf);
	s0 =	sshll.u32 s30, $0x4  }
0x1d2: {  	s7 =	sshll.u32 s8, $0x4;
	s0 =	sand.u32 $0x1FFFFFF0, s0  }
0x1d3: {  	s10 =	spop (v2sf);
	s7 =	sand.u32 $0x1FFFFFF0, s7;
	s0 =	sadd.s32 s4, s0  }
0x1d4: {  	[tilespmem:s16], [sflag:$0x1] =	stream.linear.gather [hbm4b:s0+s2], $0x80, $0x38;
	[tilespmem:$0x10400] =	vst v63  }
0x1d5: {  	(v2sf) =	vpush v4, $0xF;
	s11 =	spop (v2sf);
	s7 =	sadd.s32 s3, s7  }
0x1d6: {  	[tilespmem:s6], [sflag:$0x1] =	stream.linear.gather [hbm4b:s7+s2], $0x80, $0x38;
	[tilespmem:$0x10400] =	vst v63  }
0x1d7: {  	s7 =	sshll.u32 s11, $0x4  }
0x1d8: {  	s9 =	sadd.s32 s4, s13;
	s0 =	sshll.u32 s1, $0x4;
	s7 =	sand.u32 $0x1FFFFFF0, s7  }
0x1d9: {  	(v2sf) =	vpush v3, $0xF;
	[tilespmem:s12], [sflag:$0x1] =	stream.linear.gather [hbm4b:s9+s2], $0x80, $0x38;
	[tilespmem:$0x10400] =	vst v63  }
0x1da: {  	s0 =	sand.u32 $0x1FFFFFF0, s0;
	s7 =	sadd.s32 s3, s7  }
0x1db: {  	[tilespmem:s5], [sflag:$0x1] =	stream.linear.gather [hbm4b:s7+s2], $0x80, $0x38;
	[tilespmem:$0x10400] =	vst v63  }
0x1dc: {  	s0 =	sadd.s32 s4, s0;
	s12 =	rddreg [dreg:$0xc]  }
0x1dd: {  	[tilespmem:s12], [sflag:$0x1] =	stream.linear.gather [hbm4b:s0+s2], $0x80, $0x38;
	[tilespmem:$0x10400] =	vst v63  }
0x1de: {  	s13 =	spop (v2sf)  }
0x1df: {  	(v2sf) =	vpush v1, $0xF;
	s0 =	sshll.u32 s13, $0x4  }
0x1e0: {  	s0 =	sand.u32 $0x1FFFFFF0, s0  }
0x1e1: {  	s14 =	rddreg [dreg:$0x7];
	s15 =	sshll.u32 s10, $0x4;
	s0 =	sadd.s32 s3, s0  }
0x1e2: {  	(v2sf) =	vpush v0, $0xF;
	[tilespmem:s14], [sflag:$0x1] =	stream.linear.gather [hbm4b:s0+s2], $0x80, $0x38;
	[tilespmem:$0x10400] =	vst v63  }
0x1e3: {  	s0 =	sand.u32 $0x1FFFFFF0, s15  }
0x1e4: {  	s16 =	rddreg [dreg:$0x6];
	s17 =	spop (v2sf);
	s0 =	sadd.s32 s4, s0  }
0x1e5: {  	[tilespmem:s16], [sflag:$0x1] =	stream.linear.gather [hbm4b:s0+s2], $0x80, $0x38;
	[tilespmem:$0x10400] =	vst v63  }
0x1e6: {  	s0 =	sshll.u32 s17, $0x4  }
0x1e7: {  	s0 =	sand.u32 $0x1FFFFFF0, s0  }
0x1e8: {  	s19 =	spop (v2sf);
	s0 =	sadd.s32 s3, s0  }
0x1e9: {  	[tilespmem:s31], [sflag:$0x1] =	stream.linear.gather [hbm4b:s0+s2], $0x80, $0x38;
	[tilespmem:$0x10400] =	vst v63  }
0x1ea: {  	s0 =	sshll.u32 s19, $0x4  }
0x1eb: {  	s0 =	sand.u32 $0x1FFFFFF0, s0  }
0x1ec: {  	s20 =	sadd.s32 $0x8B00, s18;
	s0 =	sadd.s32 s4, s0  }
0x1ed: {  	[tilespmem:s20], [sflag:$0x1] =	stream.linear.gather [hbm4b:s0+s2], $0x80, $0x38;
	[tilespmem:$0x10400] =	vst v63  }
0x1ee: {  	s21 =	spop (v2sf)  }
0x1ef: {  	s0 =	sshll.u32 s21, $0x4  }
0x1f0: {  	s0 =	sand.u32 $0x1FFFFFF0, s0  }
0x1f1: {  	s22 =	sadd.s32 $0xB80, s18;
	s23 =	spop (v2sf);
	s0 =	sadd.s32 s3, s0  }
0x1f2: {  	[tilespmem:s22], [sflag:$0x1] =	stream.linear.gather [hbm4b:s0+s2], $0x80, $0x38;
	[tilespmem:$0x10400] =	vst v63  }
0x1f3: {  	s0 =	sshll.u32 s23, $0x4  }
0x1f4: {  	s0 =	sand.u32 $0x1FFFFFF0, s0  }
0x1f5: {  	s24 =	sadd.s32 $0x8B80, s18;
	s25 =	simm.s32 $0x1;
	s0 =	sadd.s32 s4, s0  }
0x1f6: {  	[tilespmem:s24], [sflag:$0x1] =	stream.linear.gather [hbm4b:s0+s2], $0x80, $0x38;
	[tilespmem:$0x10400] =	vst v63  }
0x1f7: {  	_ =	swait.ge [sflag:s25], $0x8000  }
0x1f8: {  	[sflag:s25] =	ssyncset.done $0x0  }
0x1f9: {  	[sflag:s25] =	ssyncadd.s32 $0xFFFF8000  }
0x1fa: {  	_ =	swait.ge [sflag:s25], $0x8000  }
0x1fb: {  	s26 =	sld [smem:$0x7FB]  }
0x1fc: {  	[sflag:s25] =	ssyncset.done $0x0  }
0x1fd: {  	s6 =	simm.s32 $0x400;
	s7 =	simm.s32 $0x2;
	[sflag:s25] =	ssyncadd.s32 $0xFFFF8000  }
0x1fe: {  	[hbm4b:s26+s2] =	stream.linear.scatter [tilespmem:s6], [sflag:$0x2], $0x8000, $0x38;
	[tilespmem:$0x10400] =	vst v63  }
0x1ff: {  	_ =	swait.ge [sflag:s7], $0x8000  }
0x200: {  	s28 =	sld [smem:$0x7FC]  }
0x201: {  	[sflag:s7] =	ssyncset.done $0x0  }
0x202: {  	s29 =	simm.s32 $0x8400;
	[sflag:s7] =	ssyncadd.s32 $0xFFFF8000  }
0x203: {  	[hbm4b:s28+s2] =	stream.linear.scatter [tilespmem:s29], [sflag:$0x2], $0x8000, $0x38;
	[tilespmem:$0x10400] =	vst v63  }
0x204: {  	_ =	swait.ge [sflag:s7], $0x8000  }
0x205: {  	s30 =	sld [smem:$0x7F6]  }
0x206: {  	s31 =	sld [smem:$0x7FD];
	_ =	sdelay $0x1  }
0x207: {  	s1 =	sadd.s32 $0x1, s30  }
0x208: {  	p0 =	sne.s32 s1, s31  }
.Ltmp2:
0x209: {  	_ = 	snop;
	(pc) =	sbr.rel @p0 .LBB2_1-.Ltmp2, $3  }
0x20a: {  	_ =	sdelay $0x1  }
0x20b: {  	[sflag:s7] =	ssyncset.done $0x0  }
0x20c: {  	[sflag:s7] =	ssyncadd.s32 $0xFFFF8000  }
0x20d: {  	_ =	sfence.sel $0x180000  }
0x20e: {  	[bflag:$0x0] =	sbarrier.arrive $0xFFFF  }
0x20f: {  	_ =	strace $0x90000047  }
0x210: {  	s0 =	stileid.u32;
	[bflag:$0x2] =	sbarrier.arrive $0xFFFF  }
0x211: {  	p0 =	sne.s32 s0, $0x0;
	s0 =	rddreg [dreg:$0x2]  }
0x212: {  	s0 =	sadd.s32 @!p0 $0x100000, s0  }
0x213: {  	[sflag:s0] =	ssyncadd.tile.s32 @!p0 $0x1;
	_ =	shalt  }
.Lfunc_end2:
_tile_overlayer_lowered:
.L_overlay_start_2:
0x214: {  	(tag) =	ssettag $0x2  }
0x215: {  	s0 =	rddreg [dreg:$0x0];
	s2 =	stileid.u32  }
0x216: {  	s1 =	rddreg [dreg:$0x1];
	p0 =	sne.s32 s2, $0x0  }
0x217: {  	s3 =	rddreg [dreg:$0x2];
	[bflag:$0x3] =	sbarrier.arrive $0xFFFF;
	s2 =	simm.s32 @!p0 $0x1C02  }
0x218: {  	[timem:s3], [sflag:s2] =	dma.local @!p0 [hbm:s0], s1  }
0x219: {  	s0 =	simm.s32 @!p0 $0x2  }
0x21a: {  	_ =	swait.ge @!p0 [sflag:s0], s1  }
0x21b: {  	s1 =	ssub.s32 @!p0 $0x0, s1;
	[sflag:s0] =	ssyncset.done @!p0 $0x0  }
0x21c: {  	[sflag:s0] =	ssyncadd.s32 @!p0 s1  }
0x21d: {  	[bflag:$0x3] =	sbarrier.arrive $0xFFFF  }
0x21e: {  	_ =	shalt  }

</sc_bundles>
